<compile_context>
chip_gen: v7x
topology: tpu7x:2x2x1
jax: 0.10.2.dev20260603
libtpu: 0.0.44.dev20260713+nightly
codegen_flags: <defaults>
</compile_context>

<pallas_src>
import functools

import jax
import jax.numpy as jnp
from jax import lax
from jax.experimental import pallas as pl
from jax.experimental.pallas import tpu as pltpu
from jax.experimental.pallas import tpu_sc as plsc

B = 16384
D = 32
ENT = 1000000
NC = 2
NS = 16
NW = NC * NS
RPW = B // NW
NCHUNK = 4
CHUNK = RPW // NCHUNK

def _rsqrt(x):
    i = lax.bitcast_convert_type(x, jnp.int32)
    y = lax.bitcast_convert_type(jnp.int32(0x5F3759DF) - (i >> 1),
                                 jnp.float32)
    for _ in range(3):
        y = y * (1.5 - 0.5 * x * y * y)
    return y


@functools.partial(
    pl.kernel,
    mesh=plsc.VectorSubcoreMesh(core_axis_name="c", subcore_axis_name="s"),
    compiler_params=pltpu.CompilerParams(
        needs_layout_passes=False, use_tc_tiling_on_sc=False),
    out_type=(
        jax.ShapeDtypeStruct((B, D), jnp.float32),
        jax.ShapeDtypeStruct((B, D), jnp.float32),
        jax.ShapeDtypeStruct((B, D), jnp.float32),
    ),
    scratch_types=[
        pltpu.VMEM((NCHUNK, CHUNK), jnp.int32),
        pltpu.VMEM((NCHUNK, CHUNK), jnp.int32),
        pltpu.VMEM((NCHUNK, CHUNK), jnp.int32),
        pltpu.VMEM((RPW, D), jnp.float32),
        pltpu.VMEM((RPW, D), jnp.float32),
        pltpu.VMEM((RPW, D), jnp.float32),
        pltpu.VMEM((RPW, D), jnp.float32),
        pltpu.VMEM((RPW, D), jnp.float32),
        pltpu.VMEM((RPW, D), jnp.float32),
        pltpu.SemaphoreType.DMA,
    ],
)
def _transd_sc(h3, r3, t3, eE, rE, eEP, rEP, hout, reout, tout,
               hv, rv, tv, hp, he, tp, te, rp, reb, sem):
    wid = lax.axis_index("s") * NC + lax.axis_index("c")
    pltpu.sync_copy(h3.at[wid], hv)
    pltpu.sync_copy(r3.at[wid], rv)
    pltpu.sync_copy(t3.at[wid], tv)

    copies = []
    for k in range(NCHUNK):
        sl = pl.ds(k * CHUNK, CHUNK)
        copies.append(pltpu.async_copy(eEP.at[hv.at[k]], hp.at[sl], sem))
        copies.append(pltpu.async_copy(eE.at[hv.at[k]], he.at[sl], sem))
        copies.append(pltpu.async_copy(eEP.at[tv.at[k]], tp.at[sl], sem))
        copies.append(pltpu.async_copy(eE.at[tv.at[k]], te.at[sl], sem))
        copies.append(pltpu.async_copy(rEP.at[rv.at[k]], rp.at[sl], sem))
        copies.append(pltpu.async_copy(rE.at[rv.at[k]], reb.at[sl], sem))
    for c in copies:
        c.wait()

    h0 = pl.ds(0, 16)
    h1 = pl.ds(16, 16)

    def one_row(i):
        hp0, hp1 = hp[i, h0], hp[i, h1]
        he0, he1 = he[i, h0], he[i, h1]
        tp0, tp1 = tp[i, h0], tp[i, h1]
        te0, te1 = te[i, h0], te[i, h1]
        rp0, rp1 = rp[i, h0], rp[i, h1]
        re0, re1 = reb[i, h0], reb[i, h1]
        s_hp = jnp.sum(hp0 * hp0 + hp1 * hp1)
        s_he = jnp.sum(he0 * he0 + he1 * he1)
        d_h = jnp.sum(hp0 * he0 + hp1 * he1)
        s_tp = jnp.sum(tp0 * tp0 + tp1 * tp1)
        s_te = jnp.sum(te0 * te0 + te1 * te1)
        d_t = jnp.sum(tp0 * te0 + tp1 * te1)
        s_rp = jnp.sum(rp0 * rp0 + rp1 * rp1)
        s_re = jnp.sum(re0 * re0 + re1 * re1)
        one = jnp.float32(1.0)
        c_hp = jnp.minimum(one, _rsqrt(s_hp))
        c_he = jnp.minimum(one, _rsqrt(s_he))
        c_tp = jnp.minimum(one, _rsqrt(s_tp))
        c_te = jnp.minimum(one, _rsqrt(s_te))
        c_rp = jnp.minimum(one, _rsqrt(s_rp))
        c_re = jnp.minimum(one, _rsqrt(s_re))
        f_h = c_rp * c_hp * c_he * d_h
        f_t = c_rp * c_tp * c_te * d_t
        hp[i, h0] = f_h * rp0 + c_he * he0
        hp[i, h1] = f_h * rp1 + c_he * he1
        tp[i, h0] = f_t * rp0 + c_te * te0
        tp[i, h1] = f_t * rp1 + c_te * te1
        reb[i, h0] = c_re * re0
        reb[i, h1] = c_re * re1

    UNROLL = 4

    def block(b, carry):
        for u in range(UNROLL):
            one_row(b * UNROLL + u)
        return carry

    lax.fori_loop(0, RPW // UNROLL, block, 0)

    out_sl = pl.ds(wid * RPW, RPW)
    pltpu.sync_copy(hp, hout.at[out_sl])
    pltpu.sync_copy(reb, reout.at[out_sl])
    pltpu.sync_copy(tp, tout.at[out_sl])


def kernel(h, r, t, entityEmb, relationEmb, entityEmbP, relationEmbP):
    h3 = h.astype(jnp.int32).reshape(NW, NCHUNK, CHUNK)
    r3 = r.astype(jnp.int32).reshape(NW, NCHUNK, CHUNK)
    t3 = t.astype(jnp.int32).reshape(NW, NCHUNK, CHUNK)
    eE = entityEmb
    eEP = entityEmbP
    hout, reb, tout = _transd_sc(h3, r3, t3, eE, relationEmb,
                                 eEP, relationEmbP)
    return (hout, reb, tout)

# --- scband reference (transcript-rebuilt; emitter-appended) ---
"""Pipeline reference for scband-trans-d-49727131353817 (READ-ONLY COPY).

The authoritative reference and input builder live on the scoring server;
editing this copy changes nothing except your own understanding.
"""

import jax, jax.numpy as jnp
import numpy as np

ENT_NUM = 1000000
REL_NUM = 1000
E_DIM = 32
R_DIM = 32


def _lookup_maxnorm(table, idx, max_norm=1.0):
    # nn.Embedding(max_norm=...) renormalizes looked-up rows so ||row|| <= max_norm
    e = jnp.take(table, idx, axis=0)
    n = jnp.linalg.norm(e, axis=-1, keepdims=True)
    scale = jnp.minimum(1.0, max_norm / jnp.maximum(n, 1e-12))
    return e * scale


def setup_inputs(seed: int = 0) -> dict:
    key = jax.random.key(seed)
    k1, k2, k3, k4, k5, k6, k7 = jax.random.split(key, 7)
    B = 16384
    h = jax.random.randint(k1, (B,), 0, ENT_NUM, dtype=jnp.int64 if jax.config.jax_enable_x64 else jnp.int32)
    r = jax.random.randint(k2, (B,), 0, REL_NUM, dtype=jnp.int64 if jax.config.jax_enable_x64 else jnp.int32)
    t = jax.random.randint(k3, (B,), 0, ENT_NUM, dtype=jnp.int64 if jax.config.jax_enable_x64 else jnp.int32)
    entityEmb = jax.random.normal(k4, (ENT_NUM, E_DIM), dtype=jnp.float32) * (2.0 / (ENT_NUM + E_DIM)) ** 0.5
    relationEmb = jax.random.normal(k5, (REL_NUM, R_DIM), dtype=jnp.float32) * (2.0 / (REL_NUM + R_DIM)) ** 0.5
    entityEmbP = jax.random.normal(k6, (ENT_NUM, E_DIM), dtype=jnp.float32) * (2.0 / (ENT_NUM + E_DIM)) ** 0.5
    relationEmbP = jax.random.normal(k7, (REL_NUM, R_DIM), dtype=jnp.float32) * (2.0 / (REL_NUM + R_DIM)) ** 0.5
    return {"h": h, "r": r, "t": t, "entityEmb": entityEmb, "relationEmb": relationEmb, "entityEmbP": entityEmbP, "relationEmbP": relationEmbP}


def reference(h, r, t, entityEmb, relationEmb, entityEmbP, relationEmbP):
    # TransD.tripletEmbed
    hp = _lookup_maxnorm(entityEmbP, h, 1.0)
    he = _lookup_maxnorm(entityEmb, h, 1.0)
    rp = _lookup_maxnorm(relationEmbP, r, 1.0)
    re = _lookup_maxnorm(relationEmb, r, 1.0)
    tp = _lookup_maxnorm(entityEmbP, t, 1.0)
    te = _lookup_maxnorm(entityEmb, t, 1.0)
    eye = jnp.eye(R_DIM, E_DIM, dtype=jnp.float32)[None, ...]
    mrh = rp[..., :, None] @ hp[..., None, :] + eye
    mrt = rp[..., :, None] @ tp[..., None, :] + eye
    hout = (mrh @ he[..., None])[..., 0]
    tout = (mrt @ te[..., None])[..., 0]
    return (hout, re, tout)

if __name__ == "__main__":
    import jax
    _d = setup_inputs()
    print(jax.jit(kernel)(*tuple(_d.values())))

</pallas_src>

<mosaic_0001>
#map = affine_map<(d0, d1) -> (0, 0, 0)>
#map1 = affine_map<(d0, d1) -> (0, 0)>
module attributes {stable_mosaic.version = 14 : i64} {
  func.func @_transd_sc(%arg0: i32, %arg1: i32, %arg2: memref<32x4x128xi32, #tpu.memory_space<hbm>>, %arg3: memref<32x4x128xi32, #tpu.memory_space<hbm>>, %arg4: memref<32x4x128xi32, #tpu.memory_space<hbm>>, %arg5: memref<1000000x32xf32, #tpu.memory_space<hbm>>, %arg6: memref<1000x32xf32, #tpu.memory_space<hbm>>, %arg7: memref<1000000x32xf32, #tpu.memory_space<hbm>>, %arg8: memref<1000x32xf32, #tpu.memory_space<hbm>>, %arg9: memref<16384x32xf32, #tpu.memory_space<hbm>>, %arg10: memref<16384x32xf32, #tpu.memory_space<hbm>>, %arg11: memref<16384x32xf32, #tpu.memory_space<hbm>>, %arg12: memref<4x128xi32, #tpu.memory_space<vmem>>, %arg13: memref<4x128xi32, #tpu.memory_space<vmem>>, %arg14: memref<4x128xi32, #tpu.memory_space<vmem>>, %arg15: memref<512x32xf32, #tpu.memory_space<vmem>>, %arg16: memref<512x32xf32, #tpu.memory_space<vmem>>, %arg17: memref<512x32xf32, #tpu.memory_space<vmem>>, %arg18: memref<512x32xf32, #tpu.memory_space<vmem>>, %arg19: memref<512x32xf32, #tpu.memory_space<vmem>>, %arg20: memref<512x32xf32, #tpu.memory_space<vmem>>, %arg21: memref<!tpu.dma_semaphore, #tpu.memory_space<semaphore_mem>>) attributes {dimension_semantics = [#tpu.dimension_semantics<core_parallel>, #tpu.dimension_semantics<subcore_parallel>], iteration_bounds = array<i64: 2, 16>, scalar_prefetch = 0 : i64, scratch_operands = 10 : i64, tpu.core_type = #tpu.core_type<sc_vector_subcore>, window_params = [{transform_indices = #map}, {transform_indices = #map}, {transform_indices = #map}, {transform_indices = #map1}, {transform_indices = #map1}, {transform_indices = #map1}, {transform_indices = #map1}, {transform_indices = #map1}, {transform_indices = #map1}, {transform_indices = #map1}]} {
    %mul3A = arith.constant 2 : i32
    %mul3A_0 = arith.muli %arg1, %mul3A : i32
    %add3A = arith.addi %mul3A_0, %arg0 : i32
    "tpu.region"() ({
      %run_scoped3A = tpu.sem_alloc : memref<!tpu.dma_semaphore, #tpu.memory_space<semaphore_mem>>
      %dma_start3A_486 = arith.constant 0 : i32
      %dma_start3A_487 = arith.constant 0 : i32
      %dma_start3A_488 = tpu.memref_slice %arg2[%add3A, %dma_start3A_486, %dma_start3A_487] : memref<32x4x128xi32, #tpu.memory_space<hbm>> -> memref<1x4x128xi32, #tpu.memory_space<hbm>>
      %dma_start3A_489 = tpu.memref_squeeze %dma_start3A_488 : memref<1x4x128xi32, #tpu.memory_space<hbm>> -> memref<4x128xi32, #tpu.memory_space<hbm>>
      %dma_start3A_490 = arith.constant 0 : i32
      %dma_start3A_491 = arith.constant 0 : i32
      %dma_start3A_492 = tpu.memref_slice %arg2[%add3A, %dma_start3A_490, %dma_start3A_491] : memref<32x4x128xi32, #tpu.memory_space<hbm>> -> memref<1x4x128xi32, #tpu.memory_space<hbm>>
      %dma_start3A_493 = tpu.memref_squeeze %dma_start3A_492 : memref<1x4x128xi32, #tpu.memory_space<hbm>> -> memref<4x128xi32, #tpu.memory_space<hbm>>
      tpu.enqueue_dma source(%dma_start3A_493 : memref<4x128xi32, #tpu.memory_space<hbm>>) target(%arg12 : memref<4x128xi32, #tpu.memory_space<vmem>>) target_semaphore(%run_scoped3A : memref<!tpu.dma_semaphore, #tpu.memory_space<semaphore_mem>>)
      %dma_wait3A_494 = arith.constant 0 : i32
      %dma_wait3A_495 = arith.constant 0 : i32
      %dma_wait3A_496 = tpu.memref_slice %arg2[%add3A, %dma_wait3A_494, %dma_wait3A_495] : memref<32x4x128xi32, #tpu.memory_space<hbm>> -> memref<1x4x128xi32, #tpu.memory_space<hbm>>
      %dma_wait3A_497 = tpu.memref_squeeze %dma_wait3A_496 : memref<1x4x128xi32, #tpu.memory_space<hbm>> -> memref<4x128xi32, #tpu.memory_space<hbm>>
      %dma_wait3A_498 = arith.constant 0 : i32
      %dma_wait3A_499 = arith.constant 0 : i32
      %dma_wait3A_500 = tpu.memref_slice %arg2[%add3A, %dma_wait3A_498, %dma_wait3A_499] : memref<32x4x128xi32, #tpu.memory_space<hbm>> -> memref<1x4x128xi32, #tpu.memory_space<hbm>>
      %dma_wait3A_501 = tpu.memref_squeeze %dma_wait3A_500 : memref<1x4x128xi32, #tpu.memory_space<hbm>> -> memref<4x128xi32, #tpu.memory_space<hbm>>
      tpu.wait_dma2 semaphore(%run_scoped3A : memref<!tpu.dma_semaphore, #tpu.memory_space<semaphore_mem>>) src(%dma_wait3A_501 : memref<4x128xi32, #tpu.memory_space<hbm>>) dst(%arg12 : memref<4x128xi32, #tpu.memory_space<vmem>>)
      tpu.yield
    }) : () -> ()
    "tpu.region"() ({
      %run_scoped3A = tpu.sem_alloc : memref<!tpu.dma_semaphore, #tpu.memory_space<semaphore_mem>>
      %dma_start3A_486 = arith.constant 0 : i32
      %dma_start3A_487 = arith.constant 0 : i32
      %dma_start3A_488 = tpu.memref_slice %arg3[%add3A, %dma_start3A_486, %dma_start3A_487] : memref<32x4x128xi32, #tpu.memory_space<hbm>> -> memref<1x4x128xi32, #tpu.memory_space<hbm>>
      %dma_start3A_489 = tpu.memref_squeeze %dma_start3A_488 : memref<1x4x128xi32, #tpu.memory_space<hbm>> -> memref<4x128xi32, #tpu.memory_space<hbm>>
      %dma_start3A_490 = arith.constant 0 : i32
      %dma_start3A_491 = arith.constant 0 : i32
      %dma_start3A_492 = tpu.memref_slice %arg3[%add3A, %dma_start3A_490, %dma_start3A_491] : memref<32x4x128xi32, #tpu.memory_space<hbm>> -> memref<1x4x128xi32, #tpu.memory_space<hbm>>
      %dma_start3A_493 = tpu.memref_squeeze %dma_start3A_492 : memref<1x4x128xi32, #tpu.memory_space<hbm>> -> memref<4x128xi32, #tpu.memory_space<hbm>>
      tpu.enqueue_dma source(%dma_start3A_493 : memref<4x128xi32, #tpu.memory_space<hbm>>) target(%arg13 : memref<4x128xi32, #tpu.memory_space<vmem>>) target_semaphore(%run_scoped3A : memref<!tpu.dma_semaphore, #tpu.memory_space<semaphore_mem>>)
      %dma_wait3A_494 = arith.constant 0 : i32
      %dma_wait3A_495 = arith.constant 0 : i32
      %dma_wait3A_496 = tpu.memref_slice %arg3[%add3A, %dma_wait3A_494, %dma_wait3A_495] : memref<32x4x128xi32, #tpu.memory_space<hbm>> -> memref<1x4x128xi32, #tpu.memory_space<hbm>>
      %dma_wait3A_497 = tpu.memref_squeeze %dma_wait3A_496 : memref<1x4x128xi32, #tpu.memory_space<hbm>> -> memref<4x128xi32, #tpu.memory_space<hbm>>
      %dma_wait3A_498 = arith.constant 0 : i32
      %dma_wait3A_499 = arith.constant 0 : i32
      %dma_wait3A_500 = tpu.memref_slice %arg3[%add3A, %dma_wait3A_498, %dma_wait3A_499] : memref<32x4x128xi32, #tpu.memory_space<hbm>> -> memref<1x4x128xi32, #tpu.memory_space<hbm>>
      %dma_wait3A_501 = tpu.memref_squeeze %dma_wait3A_500 : memref<1x4x128xi32, #tpu.memory_space<hbm>> -> memref<4x128xi32, #tpu.memory_space<hbm>>
      tpu.wait_dma2 semaphore(%run_scoped3A : memref<!tpu.dma_semaphore, #tpu.memory_space<semaphore_mem>>) src(%dma_wait3A_501 : memref<4x128xi32, #tpu.memory_space<hbm>>) dst(%arg13 : memref<4x128xi32, #tpu.memory_space<vmem>>)
      tpu.yield
    }) : () -> ()
    "tpu.region"() ({
      %run_scoped3A = tpu.sem_alloc : memref<!tpu.dma_semaphore, #tpu.memory_space<semaphore_mem>>
      %dma_start3A_486 = arith.constant 0 : i32
      %dma_start3A_487 = arith.constant 0 : i32
      %dma_start3A_488 = tpu.memref_slice %arg4[%add3A, %dma_start3A_486, %dma_start3A_487] : memref<32x4x128xi32, #tpu.memory_space<hbm>> -> memref<1x4x128xi32, #tpu.memory_space<hbm>>
      %dma_start3A_489 = tpu.memref_squeeze %dma_start3A_488 : memref<1x4x128xi32, #tpu.memory_space<hbm>> -> memref<4x128xi32, #tpu.memory_space<hbm>>
      %dma_start3A_490 = arith.constant 0 : i32
      %dma_start3A_491 = arith.constant 0 : i32
      %dma_start3A_492 = tpu.memref_slice %arg4[%add3A, %dma_start3A_490, %dma_start3A_491] : memref<32x4x128xi32, #tpu.memory_space<hbm>> -> memref<1x4x128xi32, #tpu.memory_space<hbm>>
      %dma_start3A_493 = tpu.memref_squeeze %dma_start3A_492 : memref<1x4x128xi32, #tpu.memory_space<hbm>> -> memref<4x128xi32, #tpu.memory_space<hbm>>
      tpu.enqueue_dma source(%dma_start3A_493 : memref<4x128xi32, #tpu.memory_space<hbm>>) target(%arg14 : memref<4x128xi32, #tpu.memory_space<vmem>>) target_semaphore(%run_scoped3A : memref<!tpu.dma_semaphore, #tpu.memory_space<semaphore_mem>>)
      %dma_wait3A_494 = arith.constant 0 : i32
      %dma_wait3A_495 = arith.constant 0 : i32
      %dma_wait3A_496 = tpu.memref_slice %arg4[%add3A, %dma_wait3A_494, %dma_wait3A_495] : memref<32x4x128xi32, #tpu.memory_space<hbm>> -> memref<1x4x128xi32, #tpu.memory_space<hbm>>
      %dma_wait3A_497 = tpu.memref_squeeze %dma_wait3A_496 : memref<1x4x128xi32, #tpu.memory_space<hbm>> -> memref<4x128xi32, #tpu.memory_space<hbm>>
      %dma_wait3A_498 = arith.constant 0 : i32
      %dma_wait3A_499 = arith.constant 0 : i32
      %dma_wait3A_500 = tpu.memref_slice %arg4[%add3A, %dma_wait3A_498, %dma_wait3A_499] : memref<32x4x128xi32, #tpu.memory_space<hbm>> -> memref<1x4x128xi32, #tpu.memory_space<hbm>>
      %dma_wait3A_501 = tpu.memref_squeeze %dma_wait3A_500 : memref<1x4x128xi32, #tpu.memory_space<hbm>> -> memref<4x128xi32, #tpu.memory_space<hbm>>
      tpu.wait_dma2 semaphore(%run_scoped3A : memref<!tpu.dma_semaphore, #tpu.memory_space<semaphore_mem>>) src(%dma_wait3A_501 : memref<4x128xi32, #tpu.memory_space<hbm>>) dst(%arg14 : memref<4x128xi32, #tpu.memory_space<vmem>>)
      tpu.yield
    }) : () -> ()
    %dma_start3A = arith.constant 0 : i32
    %dma_start3A_1 = arith.constant 0 : i32
    %dma_start3A_2 = arith.constant 0 : i32
    %dma_start3A_3 = tpu.memref_slice %arg15[%dma_start3A_1, %dma_start3A_2] : memref<512x32xf32, #tpu.memory_space<vmem>> -> memref<128x32xf32, #tpu.memory_space<vmem>>
    %dma_start3A_4 = arith.constant 0 : i32
    %dma_start3A_5 = tpu.memref_slice %arg12[%dma_start3A, %dma_start3A_4] : memref<4x128xi32, #tpu.memory_space<vmem>> -> memref<1x128xi32, #tpu.memory_space<vmem>>
    %dma_start3A_6 = tpu.memref_squeeze %dma_start3A_5 : memref<1x128xi32, #tpu.memory_space<vmem>> -> memref<128xi32, #tpu.memory_space<vmem>>
    %dma_start3A_7 = arith.constant 0 : i32
    %dma_start3A_8 = arith.constant 0 : i32
    %dma_start3A_9 = tpu.memref_slice %arg7[%dma_start3A_7, %dma_start3A_8] : memref<1000000x32xf32, #tpu.memory_space<hbm>> -> memref<1000000x32xf32, #tpu.memory_space<hbm>>
    tpu.enqueue_indirect_dma source(%dma_start3A_9 : memref<1000000x32xf32, #tpu.memory_space<hbm>>) target(%dma_start3A_3 : memref<128x32xf32, #tpu.memory_space<vmem>>) offsets(%dma_start3A_6 : memref<128xi32, #tpu.memory_space<vmem>>) semaphore(%arg21 : memref<!tpu.dma_semaphore, #tpu.memory_space<semaphore_mem>>)
    %dma_start3A_10 = arith.constant 0 : i32
    %dma_start3A_11 = arith.constant 0 : i32
    %dma_start3A_12 = arith.constant 0 : i32
    %dma_start3A_13 = tpu.memref_slice %arg16[%dma_start3A_11, %dma_start3A_12] : memref<512x32xf32, #tpu.memory_space<vmem>> -> memref<128x32xf32, #tpu.memory_space<vmem>>
    %dma_start3A_14 = arith.constant 0 : i32
    %dma_start3A_15 = tpu.memref_slice %arg12[%dma_start3A_10, %dma_start3A_14] : memref<4x128xi32, #tpu.memory_space<vmem>> -> memref<1x128xi32, #tpu.memory_space<vmem>>
    %dma_start3A_16 = tpu.memref_squeeze %dma_start3A_15 : memref<1x128xi32, #tpu.memory_space<vmem>> -> memref<128xi32, #tpu.memory_space<vmem>>
    %dma_start3A_17 = arith.constant 0 : i32
    %dma_start3A_18 = arith.constant 0 : i32
    %dma_start3A_19 = tpu.memref_slice %arg5[%dma_start3A_17, %dma_start3A_18] : memref<1000000x32xf32, #tpu.memory_space<hbm>> -> memref<1000000x32xf32, #tpu.memory_space<hbm>>
    tpu.enqueue_indirect_dma source(%dma_start3A_19 : memref<1000000x32xf32, #tpu.memory_space<hbm>>) target(%dma_start3A_13 : memref<128x32xf32, #tpu.memory_space<vmem>>) offsets(%dma_start3A_16 : memref<128xi32, #tpu.memory_space<vmem>>) semaphore(%arg21 : memref<!tpu.dma_semaphore, #tpu.memory_space<semaphore_mem>>)
    %dma_start3A_20 = arith.constant 0 : i32
    %dma_start3A_21 = arith.constant 0 : i32
    %dma_start3A_22 = arith.constant 0 : i32
    %dma_start3A_23 = tpu.memref_slice %arg17[%dma_start3A_21, %dma_start3A_22] : memref<512x32xf32, #tpu.memory_space<vmem>> -> memref<128x32xf32, #tpu.memory_space<vmem>>
    %dma_start3A_24 = arith.constant 0 : i32
    %dma_start3A_25 = tpu.memref_slice %arg14[%dma_start3A_20, %dma_start3A_24] : memref<4x128xi32, #tpu.memory_space<vmem>> -> memref<1x128xi32, #tpu.memory_space<vmem>>
    %dma_start3A_26 = tpu.memref_squeeze %dma_start3A_25 : memref<1x128xi32, #tpu.memory_space<vmem>> -> memref<128xi32, #tpu.memory_space<vmem>>
    %dma_start3A_27 = arith.constant 0 : i32
    %dma_start3A_28 = arith.constant 0 : i32
    %dma_start3A_29 = tpu.memref_slice %arg7[%dma_start3A_27, %dma_start3A_28] : memref<1000000x32xf32, #tpu.memory_space<hbm>> -> memref<1000000x32xf32, #tpu.memory_space<hbm>>
    tpu.enqueue_indirect_dma source(%dma_start3A_29 : memref<1000000x32xf32, #tpu.memory_space<hbm>>) target(%dma_start3A_23 : memref<128x32xf32, #tpu.memory_space<vmem>>) offsets(%dma_start3A_26 : memref<128xi32, #tpu.memory_space<vmem>>) semaphore(%arg21 : memref<!tpu.dma_semaphore, #tpu.memory_space<semaphore_mem>>)
    %dma_start3A_30 = arith.constant 0 : i32
    %dma_start3A_31 = arith.constant 0 : i32
    %dma_start3A_32 = arith.constant 0 : i32
    %dma_start3A_33 = tpu.memref_slice %arg18[%dma_start3A_31, %dma_start3A_32] : memref<512x32xf32, #tpu.memory_space<vmem>> -> memref<128x32xf32, #tpu.memory_space<vmem>>
    %dma_start3A_34 = arith.constant 0 : i32
    %dma_start3A_35 = tpu.memref_slice %arg14[%dma_start3A_30, %dma_start3A_34] : memref<4x128xi32, #tpu.memory_space<vmem>> -> memref<1x128xi32, #tpu.memory_space<vmem>>
    %dma_start3A_36 = tpu.memref_squeeze %dma_start3A_35 : memref<1x128xi32, #tpu.memory_space<vmem>> -> memref<128xi32, #tpu.memory_space<vmem>>
    %dma_start3A_37 = arith.constant 0 : i32
    %dma_start3A_38 = arith.constant 0 : i32
    %dma_start3A_39 = tpu.memref_slice %arg5[%dma_start3A_37, %dma_start3A_38] : memref<1000000x32xf32, #tpu.memory_space<hbm>> -> memref<1000000x32xf32, #tpu.memory_space<hbm>>
    tpu.enqueue_indirect_dma source(%dma_start3A_39 : memref<1000000x32xf32, #tpu.memory_space<hbm>>) target(%dma_start3A_33 : memref<128x32xf32, #tpu.memory_space<vmem>>) offsets(%dma_start3A_36 : memref<128xi32, #tpu.memory_space<vmem>>) semaphore(%arg21 : memref<!tpu.dma_semaphore, #tpu.memory_space<semaphore_mem>>)
    %dma_start3A_40 = arith.constant 0 : i32
    %dma_start3A_41 = arith.constant 0 : i32
    %dma_start3A_42 = arith.constant 0 : i32
    %dma_start3A_43 = tpu.memref_slice %arg19[%dma_start3A_41, %dma_start3A_42] : memref<512x32xf32, #tpu.memory_space<vmem>> -> memref<128x32xf32, #tpu.memory_space<vmem>>
    %dma_start3A_44 = arith.constant 0 : i32
    %dma_start3A_45 = tpu.memref_slice %arg13[%dma_start3A_40, %dma_start3A_44] : memref<4x128xi32, #tpu.memory_space<vmem>> -> memref<1x128xi32, #tpu.memory_space<vmem>>
    %dma_start3A_46 = tpu.memref_squeeze %dma_start3A_45 : memref<1x128xi32, #tpu.memory_space<vmem>> -> memref<128xi32, #tpu.memory_space<vmem>>
    %dma_start3A_47 = arith.constant 0 : i32
    %dma_start3A_48 = arith.constant 0 : i32
    %dma_start3A_49 = tpu.memref_slice %arg8[%dma_start3A_47, %dma_start3A_48] : memref<1000x32xf32, #tpu.memory_space<hbm>> -> memref<1000x32xf32, #tpu.memory_space<hbm>>
    tpu.enqueue_indirect_dma source(%dma_start3A_49 : memref<1000x32xf32, #tpu.memory_space<hbm>>) target(%dma_start3A_43 : memref<128x32xf32, #tpu.memory_space<vmem>>) offsets(%dma_start3A_46 : memref<128xi32, #tpu.memory_space<vmem>>) semaphore(%arg21 : memref<!tpu.dma_semaphore, #tpu.memory_space<semaphore_mem>>)
    %dma_start3A_50 = arith.constant 0 : i32
    %dma_start3A_51 = arith.constant 0 : i32
    %dma_start3A_52 = arith.constant 0 : i32
    %dma_start3A_53 = tpu.memref_slice %arg20[%dma_start3A_51, %dma_start3A_52] : memref<512x32xf32, #tpu.memory_space<vmem>> -> memref<128x32xf32, #tpu.memory_space<vmem>>
    %dma_start3A_54 = arith.constant 0 : i32
    %dma_start3A_55 = tpu.memref_slice %arg13[%dma_start3A_50, %dma_start3A_54] : memref<4x128xi32, #tpu.memory_space<vmem>> -> memref<1x128xi32, #tpu.memory_space<vmem>>
    %dma_start3A_56 = tpu.memref_squeeze %dma_start3A_55 : memref<1x128xi32, #tpu.memory_space<vmem>> -> memref<128xi32, #tpu.memory_space<vmem>>
    %dma_start3A_57 = arith.constant 0 : i32
    %dma_start3A_58 = arith.constant 0 : i32
    %dma_start3A_59 = tpu.memref_slice %arg6[%dma_start3A_57, %dma_start3A_58] : memref<1000x32xf32, #tpu.memory_space<hbm>> -> memref<1000x32xf32, #tpu.memory_space<hbm>>
    tpu.enqueue_indirect_dma source(%dma_start3A_59 : memref<1000x32xf32, #tpu.memory_space<hbm>>) target(%dma_start3A_53 : memref<128x32xf32, #tpu.memory_space<vmem>>) offsets(%dma_start3A_56 : memref<128xi32, #tpu.memory_space<vmem>>) semaphore(%arg21 : memref<!tpu.dma_semaphore, #tpu.memory_space<semaphore_mem>>)
    %dma_start3A_60 = arith.constant 1 : i32
    %dma_start3A_61 = arith.constant 128 : i32
    %dma_start3A_62 = arith.constant 0 : i32
    %dma_start3A_63 = tpu.memref_slice %arg15[%dma_start3A_61, %dma_start3A_62] : memref<512x32xf32, #tpu.memory_space<vmem>> -> memref<128x32xf32, #tpu.memory_space<vmem>>
    %dma_start3A_64 = arith.constant 0 : i32
    %dma_start3A_65 = tpu.memref_slice %arg12[%dma_start3A_60, %dma_start3A_64] : memref<4x128xi32, #tpu.memory_space<vmem>> -> memref<1x128xi32, #tpu.memory_space<vmem>>
    %dma_start3A_66 = tpu.memref_squeeze %dma_start3A_65 : memref<1x128xi32, #tpu.memory_space<vmem>> -> memref<128xi32, #tpu.memory_space<vmem>>
    %dma_start3A_67 = arith.constant 0 : i32
    %dma_start3A_68 = arith.constant 0 : i32
    %dma_start3A_69 = tpu.memref_slice %arg7[%dma_start3A_67, %dma_start3A_68] : memref<1000000x32xf32, #tpu.memory_space<hbm>> -> memref<1000000x32xf32, #tpu.memory_space<hbm>>
    tpu.enqueue_indirect_dma source(%dma_start3A_69 : memref<1000000x32xf32, #tpu.memory_space<hbm>>) target(%dma_start3A_63 : memref<128x32xf32, #tpu.memory_space<vmem>>) offsets(%dma_start3A_66 : memref<128xi32, #tpu.memory_space<vmem>>) semaphore(%arg21 : memref<!tpu.dma_semaphore, #tpu.memory_space<semaphore_mem>>)
    %dma_start3A_70 = arith.constant 1 : i32
    %dma_start3A_71 = arith.constant 128 : i32
    %dma_start3A_72 = arith.constant 0 : i32
    %dma_start3A_73 = tpu.memref_slice %arg16[%dma_start3A_71, %dma_start3A_72] : memref<512x32xf32, #tpu.memory_space<vmem>> -> memref<128x32xf32, #tpu.memory_space<vmem>>
    %dma_start3A_74 = arith.constant 0 : i32
    %dma_start3A_75 = tpu.memref_slice %arg12[%dma_start3A_70, %dma_start3A_74] : memref<4x128xi32, #tpu.memory_space<vmem>> -> memref<1x128xi32, #tpu.memory_space<vmem>>
    %dma_start3A_76 = tpu.memref_squeeze %dma_start3A_75 : memref<1x128xi32, #tpu.memory_space<vmem>> -> memref<128xi32, #tpu.memory_space<vmem>>
    %dma_start3A_77 = arith.constant 0 : i32
    %dma_start3A_78 = arith.constant 0 : i32
    %dma_start3A_79 = tpu.memref_slice %arg5[%dma_start3A_77, %dma_start3A_78] : memref<1000000x32xf32, #tpu.memory_space<hbm>> -> memref<1000000x32xf32, #tpu.memory_space<hbm>>
    tpu.enqueue_indirect_dma source(%dma_start3A_79 : memref<1000000x32xf32, #tpu.memory_space<hbm>>) target(%dma_start3A_73 : memref<128x32xf32, #tpu.memory_space<vmem>>) offsets(%dma_start3A_76 : memref<128xi32, #tpu.memory_space<vmem>>) semaphore(%arg21 : memref<!tpu.dma_semaphore, #tpu.memory_space<semaphore_mem>>)
    %dma_start3A_80 = arith.constant 1 : i32
    %dma_start3A_81 = arith.constant 128 : i32
    %dma_start3A_82 = arith.constant 0 : i32
    %dma_start3A_83 = tpu.memref_slice %arg17[%dma_start3A_81, %dma_start3A_82] : memref<512x32xf32, #tpu.memory_space<vmem>> -> memref<128x32xf32, #tpu.memory_space<vmem>>
    %dma_start3A_84 = arith.constant 0 : i32
    %dma_start3A_85 = tpu.memref_slice %arg14[%dma_start3A_80, %dma_start3A_84] : memref<4x128xi32, #tpu.memory_space<vmem>> -> memref<1x128xi32, #tpu.memory_space<vmem>>
    %dma_start3A_86 = tpu.memref_squeeze %dma_start3A_85 : memref<1x128xi32, #tpu.memory_space<vmem>> -> memref<128xi32, #tpu.memory_space<vmem>>
    %dma_start3A_87 = arith.constant 0 : i32
    %dma_start3A_88 = arith.constant 0 : i32
    %dma_start3A_89 = tpu.memref_slice %arg7[%dma_start3A_87, %dma_start3A_88] : memref<1000000x32xf32, #tpu.memory_space<hbm>> -> memref<1000000x32xf32, #tpu.memory_space<hbm>>
    tpu.enqueue_indirect_dma source(%dma_start3A_89 : memref<1000000x32xf32, #tpu.memory_space<hbm>>) target(%dma_start3A_83 : memref<128x32xf32, #tpu.memory_space<vmem>>) offsets(%dma_start3A_86 : memref<128xi32, #tpu.memory_space<vmem>>) semaphore(%arg21 : memref<!tpu.dma_semaphore, #tpu.memory_space<semaphore_mem>>)
    %dma_start3A_90 = arith.constant 1 : i32
    %dma_start3A_91 = arith.constant 128 : i32
    %dma_start3A_92 = arith.constant 0 : i32
    %dma_start3A_93 = tpu.memref_slice %arg18[%dma_start3A_91, %dma_start3A_92] : memref<512x32xf32, #tpu.memory_space<vmem>> -> memref<128x32xf32, #tpu.memory_space<vmem>>
    %dma_start3A_94 = arith.constant 0 : i32
    %dma_start3A_95 = tpu.memref_slice %arg14[%dma_start3A_90, %dma_start3A_94] : memref<4x128xi32, #tpu.memory_space<vmem>> -> memref<1x128xi32, #tpu.memory_space<vmem>>
    %dma_start3A_96 = tpu.memref_squeeze %dma_start3A_95 : memref<1x128xi32, #tpu.memory_space<vmem>> -> memref<128xi32, #tpu.memory_space<vmem>>
    %dma_start3A_97 = arith.constant 0 : i32
    %dma_start3A_98 = arith.constant 0 : i32
    %dma_start3A_99 = tpu.memref_slice %arg5[%dma_start3A_97, %dma_start3A_98] : memref<1000000x32xf32, #tpu.memory_space<hbm>> -> memref<1000000x32xf32, #tpu.memory_space<hbm>>
    tpu.enqueue_indirect_dma source(%dma_start3A_99 : memref<1000000x32xf32, #tpu.memory_space<hbm>>) target(%dma_start3A_93 : memref<128x32xf32, #tpu.memory_space<vmem>>) offsets(%dma_start3A_96 : memref<128xi32, #tpu.memory_space<vmem>>) semaphore(%arg21 : memref<!tpu.dma_semaphore, #tpu.memory_space<semaphore_mem>>)
    %dma_start3A_100 = arith.constant 1 : i32
    %dma_start3A_101 = arith.constant 128 : i32
    %dma_start3A_102 = arith.constant 0 : i32
    %dma_start3A_103 = tpu.memref_slice %arg19[%dma_start3A_101, %dma_start3A_102] : memref<512x32xf32, #tpu.memory_space<vmem>> -> memref<128x32xf32, #tpu.memory_space<vmem>>
    %dma_start3A_104 = arith.constant 0 : i32
    %dma_start3A_105 = tpu.memref_slice %arg13[%dma_start3A_100, %dma_start3A_104] : memref<4x128xi32, #tpu.memory_space<vmem>> -> memref<1x128xi32, #tpu.memory_space<vmem>>
    %dma_start3A_106 = tpu.memref_squeeze %dma_start3A_105 : memref<1x128xi32, #tpu.memory_space<vmem>> -> memref<128xi32, #tpu.memory_space<vmem>>
    %dma_start3A_107 = arith.constant 0 : i32
    %dma_start3A_108 = arith.constant 0 : i32
    %dma_start3A_109 = tpu.memref_slice %arg8[%dma_start3A_107, %dma_start3A_108] : memref<1000x32xf32, #tpu.memory_space<hbm>> -> memref<1000x32xf32, #tpu.memory_space<hbm>>
    tpu.enqueue_indirect_dma source(%dma_start3A_109 : memref<1000x32xf32, #tpu.memory_space<hbm>>) target(%dma_start3A_103 : memref<128x32xf32, #tpu.memory_space<vmem>>) offsets(%dma_start3A_106 : memref<128xi32, #tpu.memory_space<vmem>>) semaphore(%arg21 : memref<!tpu.dma_semaphore, #tpu.memory_space<semaphore_mem>>)
    %dma_start3A_110 = arith.constant 1 : i32
    %dma_start3A_111 = arith.constant 128 : i32
    %dma_start3A_112 = arith.constant 0 : i32
    %dma_start3A_113 = tpu.memref_slice %arg20[%dma_start3A_111, %dma_start3A_112] : memref<512x32xf32, #tpu.memory_space<vmem>> -> memref<128x32xf32, #tpu.memory_space<vmem>>
    %dma_start3A_114 = arith.constant 0 : i32
    %dma_start3A_115 = tpu.memref_slice %arg13[%dma_start3A_110, %dma_start3A_114] : memref<4x128xi32, #tpu.memory_space<vmem>> -> memref<1x128xi32, #tpu.memory_space<vmem>>
    %dma_start3A_116 = tpu.memref_squeeze %dma_start3A_115 : memref<1x128xi32, #tpu.memory_space<vmem>> -> memref<128xi32, #tpu.memory_space<vmem>>
    %dma_start3A_117 = arith.constant 0 : i32
    %dma_start3A_118 = arith.constant 0 : i32
    %dma_start3A_119 = tpu.memref_slice %arg6[%dma_start3A_117, %dma_start3A_118] : memref<1000x32xf32, #tpu.memory_space<hbm>> -> memref<1000x32xf32, #tpu.memory_space<hbm>>
    tpu.enqueue_indirect_dma source(%dma_start3A_119 : memref<1000x32xf32, #tpu.memory_space<hbm>>) target(%dma_start3A_113 : memref<128x32xf32, #tpu.memory_space<vmem>>) offsets(%dma_start3A_116 : memref<128xi32, #tpu.memory_space<vmem>>) semaphore(%arg21 : memref<!tpu.dma_semaphore, #tpu.memory_space<semaphore_mem>>)
    %dma_start3A_120 = arith.constant 2 : i32
    %dma_start3A_121 = arith.constant 256 : i32
    %dma_start3A_122 = arith.constant 0 : i32
    %dma_start3A_123 = tpu.memref_slice %arg15[%dma_start3A_121, %dma_start3A_122] : memref<512x32xf32, #tpu.memory_space<vmem>> -> memref<128x32xf32, #tpu.memory_space<vmem>>
    %dma_start3A_124 = arith.constant 0 : i32
    %dma_start3A_125 = tpu.memref_slice %arg12[%dma_start3A_120, %dma_start3A_124] : memref<4x128xi32, #tpu.memory_space<vmem>> -> memref<1x128xi32, #tpu.memory_space<vmem>>
    %dma_start3A_126 = tpu.memref_squeeze %dma_start3A_125 : memref<1x128xi32, #tpu.memory_space<vmem>> -> memref<128xi32, #tpu.memory_space<vmem>>
    %dma_start3A_127 = arith.constant 0 : i32
    %dma_start3A_128 = arith.constant 0 : i32
    %dma_start3A_129 = tpu.memref_slice %arg7[%dma_start3A_127, %dma_start3A_128] : memref<1000000x32xf32, #tpu.memory_space<hbm>> -> memref<1000000x32xf32, #tpu.memory_space<hbm>>
    tpu.enqueue_indirect_dma source(%dma_start3A_129 : memref<1000000x32xf32, #tpu.memory_space<hbm>>) target(%dma_start3A_123 : memref<128x32xf32, #tpu.memory_space<vmem>>) offsets(%dma_start3A_126 : memref<128xi32, #tpu.memory_space<vmem>>) semaphore(%arg21 : memref<!tpu.dma_semaphore, #tpu.memory_space<semaphore_mem>>)
    %dma_start3A_130 = arith.constant 2 : i32
    %dma_start3A_131 = arith.constant 256 : i32
    %dma_start3A_132 = arith.constant 0 : i32
    %dma_start3A_133 = tpu.memref_slice %arg16[%dma_start3A_131, %dma_start3A_132] : memref<512x32xf32, #tpu.memory_space<vmem>> -> memref<128x32xf32, #tpu.memory_space<vmem>>
    %dma_start3A_134 = arith.constant 0 : i32
    %dma_start3A_135 = tpu.memref_slice %arg12[%dma_start3A_130, %dma_start3A_134] : memref<4x128xi32, #tpu.memory_space<vmem>> -> memref<1x128xi32, #tpu.memory_space<vmem>>
    %dma_start3A_136 = tpu.memref_squeeze %dma_start3A_135 : memref<1x128xi32, #tpu.memory_space<vmem>> -> memref<128xi32, #tpu.memory_space<vmem>>
    %dma_start3A_137 = arith.constant 0 : i32
    %dma_start3A_138 = arith.constant 0 : i32
    %dma_start3A_139 = tpu.memref_slice %arg5[%dma_start3A_137, %dma_start3A_138] : memref<1000000x32xf32, #tpu.memory_space<hbm>> -> memref<1000000x32xf32, #tpu.memory_space<hbm>>
    tpu.enqueue_indirect_dma source(%dma_start3A_139 : memref<1000000x32xf32, #tpu.memory_space<hbm>>) target(%dma_start3A_133 : memref<128x32xf32, #tpu.memory_space<vmem>>) offsets(%dma_start3A_136 : memref<128xi32, #tpu.memory_space<vmem>>) semaphore(%arg21 : memref<!tpu.dma_semaphore, #tpu.memory_space<semaphore_mem>>)
    %dma_start3A_140 = arith.constant 2 : i32
    %dma_start3A_141 = arith.constant 256 : i32
    %dma_start3A_142 = arith.constant 0 : i32
    %dma_start3A_143 = tpu.memref_slice %arg17[%dma_start3A_141, %dma_start3A_142] : memref<512x32xf32, #tpu.memory_space<vmem>> -> memref<128x32xf32, #tpu.memory_space<vmem>>
    %dma_start3A_144 = arith.constant 0 : i32
    %dma_start3A_145 = tpu.memref_slice %arg14[%dma_start3A_140, %dma_start3A_144] : memref<4x128xi32, #tpu.memory_space<vmem>> -> memref<1x128xi32, #tpu.memory_space<vmem>>
    %dma_start3A_146 = tpu.memref_squeeze %dma_start3A_145 : memref<1x128xi32, #tpu.memory_space<vmem>> -> memref<128xi32, #tpu.memory_space<vmem>>
    %dma_start3A_147 = arith.constant 0 : i32
    %dma_start3A_148 = arith.constant 0 : i32
    %dma_start3A_149 = tpu.memref_slice %arg7[%dma_start3A_147, %dma_start3A_148] : memref<1000000x32xf32, #tpu.memory_space<hbm>> -> memref<1000000x32xf32, #tpu.memory_space<hbm>>
    tpu.enqueue_indirect_dma source(%dma_start3A_149 : memref<1000000x32xf32, #tpu.memory_space<hbm>>) target(%dma_start3A_143 : memref<128x32xf32, #tpu.memory_space<vmem>>) offsets(%dma_start3A_146 : memref<128xi32, #tpu.memory_space<vmem>>) semaphore(%arg21 : memref<!tpu.dma_semaphore, #tpu.memory_space<semaphore_mem>>)
    %dma_start3A_150 = arith.constant 2 : i32
    %dma_start3A_151 = arith.constant 256 : i32
    %dma_start3A_152 = arith.constant 0 : i32
    %dma_start3A_153 = tpu.memref_slice %arg18[%dma_start3A_151, %dma_start3A_152] : memref<512x32xf32, #tpu.memory_space<vmem>> -> memref<128x32xf32, #tpu.memory_space<vmem>>
    %dma_start3A_154 = arith.constant 0 : i32
    %dma_start3A_155 = tpu.memref_slice %arg14[%dma_start3A_150, %dma_start3A_154] : memref<4x128xi32, #tpu.memory_space<vmem>> -> memref<1x128xi32, #tpu.memory_space<vmem>>
    %dma_start3A_156 = tpu.memref_squeeze %dma_start3A_155 : memref<1x128xi32, #tpu.memory_space<vmem>> -> memref<128xi32, #tpu.memory_space<vmem>>
    %dma_start3A_157 = arith.constant 0 : i32
    %dma_start3A_158 = arith.constant 0 : i32
    %dma_start3A_159 = tpu.memref_slice %arg5[%dma_start3A_157, %dma_start3A_158] : memref<1000000x32xf32, #tpu.memory_space<hbm>> -> memref<1000000x32xf32, #tpu.memory_space<hbm>>
    tpu.enqueue_indirect_dma source(%dma_start3A_159 : memref<1000000x32xf32, #tpu.memory_space<hbm>>) target(%dma_start3A_153 : memref<128x32xf32, #tpu.memory_space<vmem>>) offsets(%dma_start3A_156 : memref<128xi32, #tpu.memory_space<vmem>>) semaphore(%arg21 : memref<!tpu.dma_semaphore, #tpu.memory_space<semaphore_mem>>)
    %dma_start3A_160 = arith.constant 2 : i32
    %dma_start3A_161 = arith.constant 256 : i32
    %dma_start3A_162 = arith.constant 0 : i32
    %dma_start3A_163 = tpu.memref_slice %arg19[%dma_start3A_161, %dma_start3A_162] : memref<512x32xf32, #tpu.memory_space<vmem>> -> memref<128x32xf32, #tpu.memory_space<vmem>>
    %dma_start3A_164 = arith.constant 0 : i32
    %dma_start3A_165 = tpu.memref_slice %arg13[%dma_start3A_160, %dma_start3A_164] : memref<4x128xi32, #tpu.memory_space<vmem>> -> memref<1x128xi32, #tpu.memory_space<vmem>>
    %dma_start3A_166 = tpu.memref_squeeze %dma_start3A_165 : memref<1x128xi32, #tpu.memory_space<vmem>> -> memref<128xi32, #tpu.memory_space<vmem>>
    %dma_start3A_167 = arith.constant 0 : i32
    %dma_start3A_168 = arith.constant 0 : i32
    %dma_start3A_169 = tpu.memref_slice %arg8[%dma_start3A_167, %dma_start3A_168] : memref<1000x32xf32, #tpu.memory_space<hbm>> -> memref<1000x32xf32, #tpu.memory_space<hbm>>
    tpu.enqueue_indirect_dma source(%dma_start3A_169 : memref<1000x32xf32, #tpu.memory_space<hbm>>) target(%dma_start3A_163 : memref<128x32xf32, #tpu.memory_space<vmem>>) offsets(%dma_start3A_166 : memref<128xi32, #tpu.memory_space<vmem>>) semaphore(%arg21 : memref<!tpu.dma_semaphore, #tpu.memory_space<semaphore_mem>>)
    %dma_start3A_170 = arith.constant 2 : i32
    %dma_start3A_171 = arith.constant 256 : i32
    %dma_start3A_172 = arith.constant 0 : i32
    %dma_start3A_173 = tpu.memref_slice %arg20[%dma_start3A_171, %dma_start3A_172] : memref<512x32xf32, #tpu.memory_space<vmem>> -> memref<128x32xf32, #tpu.memory_space<vmem>>
    %dma_start3A_174 = arith.constant 0 : i32
    %dma_start3A_175 = tpu.memref_slice %arg13[%dma_start3A_170, %dma_start3A_174] : memref<4x128xi32, #tpu.memory_space<vmem>> -> memref<1x128xi32, #tpu.memory_space<vmem>>
    %dma_start3A_176 = tpu.memref_squeeze %dma_start3A_175 : memref<1x128xi32, #tpu.memory_space<vmem>> -> memref<128xi32, #tpu.memory_space<vmem>>
    %dma_start3A_177 = arith.constant 0 : i32
    %dma_start3A_178 = arith.constant 0 : i32
    %dma_start3A_179 = tpu.memref_slice %arg6[%dma_start3A_177, %dma_start3A_178] : memref<1000x32xf32, #tpu.memory_space<hbm>> -> memref<1000x32xf32, #tpu.memory_space<hbm>>
    tpu.enqueue_indirect_dma source(%dma_start3A_179 : memref<1000x32xf32, #tpu.memory_space<hbm>>) target(%dma_start3A_173 : memref<128x32xf32, #tpu.memory_space<vmem>>) offsets(%dma_start3A_176 : memref<128xi32, #tpu.memory_space<vmem>>) semaphore(%arg21 : memref<!tpu.dma_semaphore, #tpu.memory_space<semaphore_mem>>)
    %dma_start3A_180 = arith.constant 3 : i32
    %dma_start3A_181 = arith.constant 384 : i32
    %dma_start3A_182 = arith.constant 0 : i32
    %dma_start3A_183 = tpu.memref_slice %arg15[%dma_start3A_181, %dma_start3A_182] : memref<512x32xf32, #tpu.memory_space<vmem>> -> memref<128x32xf32, #tpu.memory_space<vmem>>
    %dma_start3A_184 = arith.constant 0 : i32
    %dma_start3A_185 = tpu.memref_slice %arg12[%dma_start3A_180, %dma_start3A_184] : memref<4x128xi32, #tpu.memory_space<vmem>> -> memref<1x128xi32, #tpu.memory_space<vmem>>
    %dma_start3A_186 = tpu.memref_squeeze %dma_start3A_185 : memref<1x128xi32, #tpu.memory_space<vmem>> -> memref<128xi32, #tpu.memory_space<vmem>>
    %dma_start3A_187 = arith.constant 0 : i32
    %dma_start3A_188 = arith.constant 0 : i32
    %dma_start3A_189 = tpu.memref_slice %arg7[%dma_start3A_187, %dma_start3A_188] : memref<1000000x32xf32, #tpu.memory_space<hbm>> -> memref<1000000x32xf32, #tpu.memory_space<hbm>>
    tpu.enqueue_indirect_dma source(%dma_start3A_189 : memref<1000000x32xf32, #tpu.memory_space<hbm>>) target(%dma_start3A_183 : memref<128x32xf32, #tpu.memory_space<vmem>>) offsets(%dma_start3A_186 : memref<128xi32, #tpu.memory_space<vmem>>) semaphore(%arg21 : memref<!tpu.dma_semaphore, #tpu.memory_space<semaphore_mem>>)
    %dma_start3A_190 = arith.constant 3 : i32
    %dma_start3A_191 = arith.constant 384 : i32
    %dma_start3A_192 = arith.constant 0 : i32
    %dma_start3A_193 = tpu.memref_slice %arg16[%dma_start3A_191, %dma_start3A_192] : memref<512x32xf32, #tpu.memory_space<vmem>> -> memref<128x32xf32, #tpu.memory_space<vmem>>
    %dma_start3A_194 = arith.constant 0 : i32
    %dma_start3A_195 = tpu.memref_slice %arg12[%dma_start3A_190, %dma_start3A_194] : memref<4x128xi32, #tpu.memory_space<vmem>> -> memref<1x128xi32, #tpu.memory_space<vmem>>
    %dma_start3A_196 = tpu.memref_squeeze %dma_start3A_195 : memref<1x128xi32, #tpu.memory_space<vmem>> -> memref<128xi32, #tpu.memory_space<vmem>>
    %dma_start3A_197 = arith.constant 0 : i32
    %dma_start3A_198 = arith.constant 0 : i32
    %dma_start3A_199 = tpu.memref_slice %arg5[%dma_start3A_197, %dma_start3A_198] : memref<1000000x32xf32, #tpu.memory_space<hbm>> -> memref<1000000x32xf32, #tpu.memory_space<hbm>>
    tpu.enqueue_indirect_dma source(%dma_start3A_199 : memref<1000000x32xf32, #tpu.memory_space<hbm>>) target(%dma_start3A_193 : memref<128x32xf32, #tpu.memory_space<vmem>>) offsets(%dma_start3A_196 : memref<128xi32, #tpu.memory_space<vmem>>) semaphore(%arg21 : memref<!tpu.dma_semaphore, #tpu.memory_space<semaphore_mem>>)
    %dma_start3A_200 = arith.constant 3 : i32
    %dma_start3A_201 = arith.constant 384 : i32
    %dma_start3A_202 = arith.constant 0 : i32
    %dma_start3A_203 = tpu.memref_slice %arg17[%dma_start3A_201, %dma_start3A_202] : memref<512x32xf32, #tpu.memory_space<vmem>> -> memref<128x32xf32, #tpu.memory_space<vmem>>
    %dma_start3A_204 = arith.constant 0 : i32
    %dma_start3A_205 = tpu.memref_slice %arg14[%dma_start3A_200, %dma_start3A_204] : memref<4x128xi32, #tpu.memory_space<vmem>> -> memref<1x128xi32, #tpu.memory_space<vmem>>
    %dma_start3A_206 = tpu.memref_squeeze %dma_start3A_205 : memref<1x128xi32, #tpu.memory_space<vmem>> -> memref<128xi32, #tpu.memory_space<vmem>>
    %dma_start3A_207 = arith.constant 0 : i32
    %dma_start3A_208 = arith.constant 0 : i32
    %dma_start3A_209 = tpu.memref_slice %arg7[%dma_start3A_207, %dma_start3A_208] : memref<1000000x32xf32, #tpu.memory_space<hbm>> -> memref<1000000x32xf32, #tpu.memory_space<hbm>>
    tpu.enqueue_indirect_dma source(%dma_start3A_209 : memref<1000000x32xf32, #tpu.memory_space<hbm>>) target(%dma_start3A_203 : memref<128x32xf32, #tpu.memory_space<vmem>>) offsets(%dma_start3A_206 : memref<128xi32, #tpu.memory_space<vmem>>) semaphore(%arg21 : memref<!tpu.dma_semaphore, #tpu.memory_space<semaphore_mem>>)
    %dma_start3A_210 = arith.constant 3 : i32
    %dma_start3A_211 = arith.constant 384 : i32
    %dma_start3A_212 = arith.constant 0 : i32
    %dma_start3A_213 = tpu.memref_slice %arg18[%dma_start3A_211, %dma_start3A_212] : memref<512x32xf32, #tpu.memory_space<vmem>> -> memref<128x32xf32, #tpu.memory_space<vmem>>
    %dma_start3A_214 = arith.constant 0 : i32
    %dma_start3A_215 = tpu.memref_slice %arg14[%dma_start3A_210, %dma_start3A_214] : memref<4x128xi32, #tpu.memory_space<vmem>> -> memref<1x128xi32, #tpu.memory_space<vmem>>
    %dma_start3A_216 = tpu.memref_squeeze %dma_start3A_215 : memref<1x128xi32, #tpu.memory_space<vmem>> -> memref<128xi32, #tpu.memory_space<vmem>>
    %dma_start3A_217 = arith.constant 0 : i32
    %dma_start3A_218 = arith.constant 0 : i32
    %dma_start3A_219 = tpu.memref_slice %arg5[%dma_start3A_217, %dma_start3A_218] : memref<1000000x32xf32, #tpu.memory_space<hbm>> -> memref<1000000x32xf32, #tpu.memory_space<hbm>>
    tpu.enqueue_indirect_dma source(%dma_start3A_219 : memref<1000000x32xf32, #tpu.memory_space<hbm>>) target(%dma_start3A_213 : memref<128x32xf32, #tpu.memory_space<vmem>>) offsets(%dma_start3A_216 : memref<128xi32, #tpu.memory_space<vmem>>) semaphore(%arg21 : memref<!tpu.dma_semaphore, #tpu.memory_space<semaphore_mem>>)
    %dma_start3A_220 = arith.constant 3 : i32
    %dma_start3A_221 = arith.constant 384 : i32
    %dma_start3A_222 = arith.constant 0 : i32
    %dma_start3A_223 = tpu.memref_slice %arg19[%dma_start3A_221, %dma_start3A_222] : memref<512x32xf32, #tpu.memory_space<vmem>> -> memref<128x32xf32, #tpu.memory_space<vmem>>
    %dma_start3A_224 = arith.constant 0 : i32
    %dma_start3A_225 = tpu.memref_slice %arg13[%dma_start3A_220, %dma_start3A_224] : memref<4x128xi32, #tpu.memory_space<vmem>> -> memref<1x128xi32, #tpu.memory_space<vmem>>
    %dma_start3A_226 = tpu.memref_squeeze %dma_start3A_225 : memref<1x128xi32, #tpu.memory_space<vmem>> -> memref<128xi32, #tpu.memory_space<vmem>>
    %dma_start3A_227 = arith.constant 0 : i32
    %dma_start3A_228 = arith.constant 0 : i32
    %dma_start3A_229 = tpu.memref_slice %arg8[%dma_start3A_227, %dma_start3A_228] : memref<1000x32xf32, #tpu.memory_space<hbm>> -> memref<1000x32xf32, #tpu.memory_space<hbm>>
    tpu.enqueue_indirect_dma source(%dma_start3A_229 : memref<1000x32xf32, #tpu.memory_space<hbm>>) target(%dma_start3A_223 : memref<128x32xf32, #tpu.memory_space<vmem>>) offsets(%dma_start3A_226 : memref<128xi32, #tpu.memory_space<vmem>>) semaphore(%arg21 : memref<!tpu.dma_semaphore, #tpu.memory_space<semaphore_mem>>)
    %dma_start3A_230 = arith.constant 3 : i32
    %dma_start3A_231 = arith.constant 384 : i32
    %dma_start3A_232 = arith.constant 0 : i32
    %dma_start3A_233 = tpu.memref_slice %arg20[%dma_start3A_231, %dma_start3A_232] : memref<512x32xf32, #tpu.memory_space<vmem>> -> memref<128x32xf32, #tpu.memory_space<vmem>>
    %dma_start3A_234 = arith.constant 0 : i32
    %dma_start3A_235 = tpu.memref_slice %arg13[%dma_start3A_230, %dma_start3A_234] : memref<4x128xi32, #tpu.memory_space<vmem>> -> memref<1x128xi32, #tpu.memory_space<vmem>>
    %dma_start3A_236 = tpu.memref_squeeze %dma_start3A_235 : memref<1x128xi32, #tpu.memory_space<vmem>> -> memref<128xi32, #tpu.memory_space<vmem>>
    %dma_start3A_237 = arith.constant 0 : i32
    %dma_start3A_238 = arith.constant 0 : i32
    %dma_start3A_239 = tpu.memref_slice %arg6[%dma_start3A_237, %dma_start3A_238] : memref<1000x32xf32, #tpu.memory_space<hbm>> -> memref<1000x32xf32, #tpu.memory_space<hbm>>
    tpu.enqueue_indirect_dma source(%dma_start3A_239 : memref<1000x32xf32, #tpu.memory_space<hbm>>) target(%dma_start3A_233 : memref<128x32xf32, #tpu.memory_space<vmem>>) offsets(%dma_start3A_236 : memref<128xi32, #tpu.memory_space<vmem>>) semaphore(%arg21 : memref<!tpu.dma_semaphore, #tpu.memory_space<semaphore_mem>>)
    %dma_wait3A = arith.constant 0 : i32
    %dma_wait3A_240 = arith.constant 0 : i32
    %dma_wait3A_241 = arith.constant 0 : i32
    %dma_wait3A_242 = tpu.memref_slice %arg15[%dma_wait3A_240, %dma_wait3A_241] : memref<512x32xf32, #tpu.memory_space<vmem>> -> memref<128x32xf32, #tpu.memory_space<vmem>>
    %dma_wait3A_243 = arith.constant 0 : i32
    %dma_wait3A_244 = tpu.memref_slice %arg12[%dma_wait3A, %dma_wait3A_243] : memref<4x128xi32, #tpu.memory_space<vmem>> -> memref<1x128xi32, #tpu.memory_space<vmem>>
    %dma_wait3A_245 = tpu.memref_squeeze %dma_wait3A_244 : memref<1x128xi32, #tpu.memory_space<vmem>> -> memref<128xi32, #tpu.memory_space<vmem>>
    %dma_wait3A_246 = arith.constant 0 : i32
    %dma_wait3A_247 = arith.constant 0 : i32
    %dma_wait3A_248 = tpu.memref_slice %arg7[%dma_wait3A_246, %dma_wait3A_247] : memref<1000000x32xf32, #tpu.memory_space<hbm>> -> memref<1000000x32xf32, #tpu.memory_space<hbm>>
    tpu.wait_indirect_dma semaphore(%arg21 : memref<!tpu.dma_semaphore, #tpu.memory_space<semaphore_mem>>) src(%dma_wait3A_248 : memref<1000000x32xf32, #tpu.memory_space<hbm>>) dst(%dma_wait3A_242 : memref<128x32xf32, #tpu.memory_space<vmem>>)
    %dma_wait3A_249 = arith.constant 0 : i32
    %dma_wait3A_250 = arith.constant 0 : i32
    %dma_wait3A_251 = arith.constant 0 : i32
    %dma_wait3A_252 = tpu.memref_slice %arg16[%dma_wait3A_250, %dma_wait3A_251] : memref<512x32xf32, #tpu.memory_space<vmem>> -> memref<128x32xf32, #tpu.memory_space<vmem>>
    %dma_wait3A_253 = arith.constant 0 : i32
    %dma_wait3A_254 = tpu.memref_slice %arg12[%dma_wait3A_249, %dma_wait3A_253] : memref<4x128xi32, #tpu.memory_space<vmem>> -> memref<1x128xi32, #tpu.memory_space<vmem>>
    %dma_wait3A_255 = tpu.memref_squeeze %dma_wait3A_254 : memref<1x128xi32, #tpu.memory_space<vmem>> -> memref<128xi32, #tpu.memory_space<vmem>>
    %dma_wait3A_256 = arith.constant 0 : i32
    %dma_wait3A_257 = arith.constant 0 : i32
    %dma_wait3A_258 = tpu.memref_slice %arg5[%dma_wait3A_256, %dma_wait3A_257] : memref<1000000x32xf32, #tpu.memory_space<hbm>> -> memref<1000000x32xf32, #tpu.memory_space<hbm>>
    tpu.wait_indirect_dma semaphore(%arg21 : memref<!tpu.dma_semaphore, #tpu.memory_space<semaphore_mem>>) src(%dma_wait3A_258 : memref<1000000x32xf32, #tpu.memory_space<hbm>>) dst(%dma_wait3A_252 : memref<128x32xf32, #tpu.memory_space<vmem>>)
    %dma_wait3A_259 = arith.constant 0 : i32
    %dma_wait3A_260 = arith.constant 0 : i32
    %dma_wait3A_261 = arith.constant 0 : i32
    %dma_wait3A_262 = tpu.memref_slice %arg17[%dma_wait3A_260, %dma_wait3A_261] : memref<512x32xf32, #tpu.memory_space<vmem>> -> memref<128x32xf32, #tpu.memory_space<vmem>>
    %dma_wait3A_263 = arith.constant 0 : i32
    %dma_wait3A_264 = tpu.memref_slice %arg14[%dma_wait3A_259, %dma_wait3A_263] : memref<4x128xi32, #tpu.memory_space<vmem>> -> memref<1x128xi32, #tpu.memory_space<vmem>>
    %dma_wait3A_265 = tpu.memref_squeeze %dma_wait3A_264 : memref<1x128xi32, #tpu.memory_space<vmem>> -> memref<128xi32, #tpu.memory_space<vmem>>
    %dma_wait3A_266 = arith.constant 0 : i32
    %dma_wait3A_267 = arith.constant 0 : i32
    %dma_wait3A_268 = tpu.memref_slice %arg7[%dma_wait3A_266, %dma_wait3A_267] : memref<1000000x32xf32, #tpu.memory_space<hbm>> -> memref<1000000x32xf32, #tpu.memory_space<hbm>>
    tpu.wait_indirect_dma semaphore(%arg21 : memref<!tpu.dma_semaphore, #tpu.memory_space<semaphore_mem>>) src(%dma_wait3A_268 : memref<1000000x32xf32, #tpu.memory_space<hbm>>) dst(%dma_wait3A_262 : memref<128x32xf32, #tpu.memory_space<vmem>>)
    %dma_wait3A_269 = arith.constant 0 : i32
    %dma_wait3A_270 = arith.constant 0 : i32
    %dma_wait3A_271 = arith.constant 0 : i32
    %dma_wait3A_272 = tpu.memref_slice %arg18[%dma_wait3A_270, %dma_wait3A_271] : memref<512x32xf32, #tpu.memory_space<vmem>> -> memref<128x32xf32, #tpu.memory_space<vmem>>
    %dma_wait3A_273 = arith.constant 0 : i32
    %dma_wait3A_274 = tpu.memref_slice %arg14[%dma_wait3A_269, %dma_wait3A_273] : memref<4x128xi32, #tpu.memory_space<vmem>> -> memref<1x128xi32, #tpu.memory_space<vmem>>
    %dma_wait3A_275 = tpu.memref_squeeze %dma_wait3A_274 : memref<1x128xi32, #tpu.memory_space<vmem>> -> memref<128xi32, #tpu.memory_space<vmem>>
    %dma_wait3A_276 = arith.constant 0 : i32
    %dma_wait3A_277 = arith.constant 0 : i32
    %dma_wait3A_278 = tpu.memref_slice %arg5[%dma_wait3A_276, %dma_wait3A_277] : memref<1000000x32xf32, #tpu.memory_space<hbm>> -> memref<1000000x32xf32, #tpu.memory_space<hbm>>
    tpu.wait_indirect_dma semaphore(%arg21 : memref<!tpu.dma_semaphore, #tpu.memory_space<semaphore_mem>>) src(%dma_wait3A_278 : memref<1000000x32xf32, #tpu.memory_space<hbm>>) dst(%dma_wait3A_272 : memref<128x32xf32, #tpu.memory_space<vmem>>)
    %dma_wait3A_279 = arith.constant 0 : i32
    %dma_wait3A_280 = arith.constant 0 : i32
    %dma_wait3A_281 = arith.constant 0 : i32
    %dma_wait3A_282 = tpu.memref_slice %arg19[%dma_wait3A_280, %dma_wait3A_281] : memref<512x32xf32, #tpu.memory_space<vmem>> -> memref<128x32xf32, #tpu.memory_space<vmem>>
    %dma_wait3A_283 = arith.constant 0 : i32
    %dma_wait3A_284 = tpu.memref_slice %arg13[%dma_wait3A_279, %dma_wait3A_283] : memref<4x128xi32, #tpu.memory_space<vmem>> -> memref<1x128xi32, #tpu.memory_space<vmem>>
    %dma_wait3A_285 = tpu.memref_squeeze %dma_wait3A_284 : memref<1x128xi32, #tpu.memory_space<vmem>> -> memref<128xi32, #tpu.memory_space<vmem>>
    %dma_wait3A_286 = arith.constant 0 : i32
    %dma_wait3A_287 = arith.constant 0 : i32
    %dma_wait3A_288 = tpu.memref_slice %arg8[%dma_wait3A_286, %dma_wait3A_287] : memref<1000x32xf32, #tpu.memory_space<hbm>> -> memref<1000x32xf32, #tpu.memory_space<hbm>>
    tpu.wait_indirect_dma semaphore(%arg21 : memref<!tpu.dma_semaphore, #tpu.memory_space<semaphore_mem>>) src(%dma_wait3A_288 : memref<1000x32xf32, #tpu.memory_space<hbm>>) dst(%dma_wait3A_282 : memref<128x32xf32, #tpu.memory_space<vmem>>)
    %dma_wait3A_289 = arith.constant 0 : i32
    %dma_wait3A_290 = arith.constant 0 : i32
    %dma_wait3A_291 = arith.constant 0 : i32
    %dma_wait3A_292 = tpu.memref_slice %arg20[%dma_wait3A_290, %dma_wait3A_291] : memref<512x32xf32, #tpu.memory_space<vmem>> -> memref<128x32xf32, #tpu.memory_space<vmem>>
    %dma_wait3A_293 = arith.constant 0 : i32
    %dma_wait3A_294 = tpu.memref_slice %arg13[%dma_wait3A_289, %dma_wait3A_293] : memref<4x128xi32, #tpu.memory_space<vmem>> -> memref<1x128xi32, #tpu.memory_space<vmem>>
    %dma_wait3A_295 = tpu.memref_squeeze %dma_wait3A_294 : memref<1x128xi32, #tpu.memory_space<vmem>> -> memref<128xi32, #tpu.memory_space<vmem>>
    %dma_wait3A_296 = arith.constant 0 : i32
    %dma_wait3A_297 = arith.constant 0 : i32
    %dma_wait3A_298 = tpu.memref_slice %arg6[%dma_wait3A_296, %dma_wait3A_297] : memref<1000x32xf32, #tpu.memory_space<hbm>> -> memref<1000x32xf32, #tpu.memory_space<hbm>>
    tpu.wait_indirect_dma semaphore(%arg21 : memref<!tpu.dma_semaphore, #tpu.memory_space<semaphore_mem>>) src(%dma_wait3A_298 : memref<1000x32xf32, #tpu.memory_space<hbm>>) dst(%dma_wait3A_292 : memref<128x32xf32, #tpu.memory_space<vmem>>)
    %dma_wait3A_299 = arith.constant 1 : i32
    %dma_wait3A_300 = arith.constant 128 : i32
    %dma_wait3A_301 = arith.constant 0 : i32
    %dma_wait3A_302 = tpu.memref_slice %arg15[%dma_wait3A_300, %dma_wait3A_301] : memref<512x32xf32, #tpu.memory_space<vmem>> -> memref<128x32xf32, #tpu.memory_space<vmem>>
    %dma_wait3A_303 = arith.constant 0 : i32
    %dma_wait3A_304 = tpu.memref_slice %arg12[%dma_wait3A_299, %dma_wait3A_303] : memref<4x128xi32, #tpu.memory_space<vmem>> -> memref<1x128xi32, #tpu.memory_space<vmem>>
    %dma_wait3A_305 = tpu.memref_squeeze %dma_wait3A_304 : memref<1x128xi32, #tpu.memory_space<vmem>> -> memref<128xi32, #tpu.memory_space<vmem>>
    %dma_wait3A_306 = arith.constant 0 : i32
    %dma_wait3A_307 = arith.constant 0 : i32
    %dma_wait3A_308 = tpu.memref_slice %arg7[%dma_wait3A_306, %dma_wait3A_307] : memref<1000000x32xf32, #tpu.memory_space<hbm>> -> memref<1000000x32xf32, #tpu.memory_space<hbm>>
    tpu.wait_indirect_dma semaphore(%arg21 : memref<!tpu.dma_semaphore, #tpu.memory_space<semaphore_mem>>) src(%dma_wait3A_308 : memref<1000000x32xf32, #tpu.memory_space<hbm>>) dst(%dma_wait3A_302 : memref<128x32xf32, #tpu.memory_space<vmem>>)
    %dma_wait3A_309 = arith.constant 1 : i32
    %dma_wait3A_310 = arith.constant 128 : i32
    %dma_wait3A_311 = arith.constant 0 : i32
    %dma_wait3A_312 = tpu.memref_slice %arg16[%dma_wait3A_310, %dma_wait3A_311] : memref<512x32xf32, #tpu.memory_space<vmem>> -> memref<128x32xf32, #tpu.memory_space<vmem>>
    %dma_wait3A_313 = arith.constant 0 : i32
    %dma_wait3A_314 = tpu.memref_slice %arg12[%dma_wait3A_309, %dma_wait3A_313] : memref<4x128xi32, #tpu.memory_space<vmem>> -> memref<1x128xi32, #tpu.memory_space<vmem>>
    %dma_wait3A_315 = tpu.memref_squeeze %dma_wait3A_314 : memref<1x128xi32, #tpu.memory_space<vmem>> -> memref<128xi32, #tpu.memory_space<vmem>>
    %dma_wait3A_316 = arith.constant 0 : i32
    %dma_wait3A_317 = arith.constant 0 : i32
    %dma_wait3A_318 = tpu.memref_slice %arg5[%dma_wait3A_316, %dma_wait3A_317] : memref<1000000x32xf32, #tpu.memory_space<hbm>> -> memref<1000000x32xf32, #tpu.memory_space<hbm>>
    tpu.wait_indirect_dma semaphore(%arg21 : memref<!tpu.dma_semaphore, #tpu.memory_space<semaphore_mem>>) src(%dma_wait3A_318 : memref<1000000x32xf32, #tpu.memory_space<hbm>>) dst(%dma_wait3A_312 : memref<128x32xf32, #tpu.memory_space<vmem>>)
    %dma_wait3A_319 = arith.constant 1 : i32
    %dma_wait3A_320 = arith.constant 128 : i32
    %dma_wait3A_321 = arith.constant 0 : i32
    %dma_wait3A_322 = tpu.memref_slice %arg17[%dma_wait3A_320, %dma_wait3A_321] : memref<512x32xf32, #tpu.memory_space<vmem>> -> memref<128x32xf32, #tpu.memory_space<vmem>>
    %dma_wait3A_323 = arith.constant 0 : i32
    %dma_wait3A_324 = tpu.memref_slice %arg14[%dma_wait3A_319, %dma_wait3A_323] : memref<4x128xi32, #tpu.memory_space<vmem>> -> memref<1x128xi32, #tpu.memory_space<vmem>>
    %dma_wait3A_325 = tpu.memref_squeeze %dma_wait3A_324 : memref<1x128xi32, #tpu.memory_space<vmem>> -> memref<128xi32, #tpu.memory_space<vmem>>
    %dma_wait3A_326 = arith.constant 0 : i32
    %dma_wait3A_327 = arith.constant 0 : i32
    %dma_wait3A_328 = tpu.memref_slice %arg7[%dma_wait3A_326, %dma_wait3A_327] : memref<1000000x32xf32, #tpu.memory_space<hbm>> -> memref<1000000x32xf32, #tpu.memory_space<hbm>>
    tpu.wait_indirect_dma semaphore(%arg21 : memref<!tpu.dma_semaphore, #tpu.memory_space<semaphore_mem>>) src(%dma_wait3A_328 : memref<1000000x32xf32, #tpu.memory_space<hbm>>) dst(%dma_wait3A_322 : memref<128x32xf32, #tpu.memory_space<vmem>>)
    %dma_wait3A_329 = arith.constant 1 : i32
    %dma_wait3A_330 = arith.constant 128 : i32
    %dma_wait3A_331 = arith.constant 0 : i32
    %dma_wait3A_332 = tpu.memref_slice %arg18[%dma_wait3A_330, %dma_wait3A_331] : memref<512x32xf32, #tpu.memory_space<vmem>> -> memref<128x32xf32, #tpu.memory_space<vmem>>
    %dma_wait3A_333 = arith.constant 0 : i32
    %dma_wait3A_334 = tpu.memref_slice %arg14[%dma_wait3A_329, %dma_wait3A_333] : memref<4x128xi32, #tpu.memory_space<vmem>> -> memref<1x128xi32, #tpu.memory_space<vmem>>
    %dma_wait3A_335 = tpu.memref_squeeze %dma_wait3A_334 : memref<1x128xi32, #tpu.memory_space<vmem>> -> memref<128xi32, #tpu.memory_space<vmem>>
    %dma_wait3A_336 = arith.constant 0 : i32
    %dma_wait3A_337 = arith.constant 0 : i32
    %dma_wait3A_338 = tpu.memref_slice %arg5[%dma_wait3A_336, %dma_wait3A_337] : memref<1000000x32xf32, #tpu.memory_space<hbm>> -> memref<1000000x32xf32, #tpu.memory_space<hbm>>
    tpu.wait_indirect_dma semaphore(%arg21 : memref<!tpu.dma_semaphore, #tpu.memory_space<semaphore_mem>>) src(%dma_wait3A_338 : memref<1000000x32xf32, #tpu.memory_space<hbm>>) dst(%dma_wait3A_332 : memref<128x32xf32, #tpu.memory_space<vmem>>)
    %dma_wait3A_339 = arith.constant 1 : i32
    %dma_wait3A_340 = arith.constant 128 : i32
    %dma_wait3A_341 = arith.constant 0 : i32
    %dma_wait3A_342 = tpu.memref_slice %arg19[%dma_wait3A_340, %dma_wait3A_341] : memref<512x32xf32, #tpu.memory_space<vmem>> -> memref<128x32xf32, #tpu.memory_space<vmem>>
    %dma_wait3A_343 = arith.constant 0 : i32
    %dma_wait3A_344 = tpu.memref_slice %arg13[%dma_wait3A_339, %dma_wait3A_343] : memref<4x128xi32, #tpu.memory_space<vmem>> -> memref<1x128xi32, #tpu.memory_space<vmem>>
    %dma_wait3A_345 = tpu.memref_squeeze %dma_wait3A_344 : memref<1x128xi32, #tpu.memory_space<vmem>> -> memref<128xi32, #tpu.memory_space<vmem>>
    %dma_wait3A_346 = arith.constant 0 : i32
    %dma_wait3A_347 = arith.constant 0 : i32
    %dma_wait3A_348 = tpu.memref_slice %arg8[%dma_wait3A_346, %dma_wait3A_347] : memref<1000x32xf32, #tpu.memory_space<hbm>> -> memref<1000x32xf32, #tpu.memory_space<hbm>>
    tpu.wait_indirect_dma semaphore(%arg21 : memref<!tpu.dma_semaphore, #tpu.memory_space<semaphore_mem>>) src(%dma_wait3A_348 : memref<1000x32xf32, #tpu.memory_space<hbm>>) dst(%dma_wait3A_342 : memref<128x32xf32, #tpu.memory_space<vmem>>)
    %dma_wait3A_349 = arith.constant 1 : i32
    %dma_wait3A_350 = arith.constant 128 : i32
    %dma_wait3A_351 = arith.constant 0 : i32
    %dma_wait3A_352 = tpu.memref_slice %arg20[%dma_wait3A_350, %dma_wait3A_351] : memref<512x32xf32, #tpu.memory_space<vmem>> -> memref<128x32xf32, #tpu.memory_space<vmem>>
    %dma_wait3A_353 = arith.constant 0 : i32
    %dma_wait3A_354 = tpu.memref_slice %arg13[%dma_wait3A_349, %dma_wait3A_353] : memref<4x128xi32, #tpu.memory_space<vmem>> -> memref<1x128xi32, #tpu.memory_space<vmem>>
    %dma_wait3A_355 = tpu.memref_squeeze %dma_wait3A_354 : memref<1x128xi32, #tpu.memory_space<vmem>> -> memref<128xi32, #tpu.memory_space<vmem>>
    %dma_wait3A_356 = arith.constant 0 : i32
    %dma_wait3A_357 = arith.constant 0 : i32
    %dma_wait3A_358 = tpu.memref_slice %arg6[%dma_wait3A_356, %dma_wait3A_357] : memref<1000x32xf32, #tpu.memory_space<hbm>> -> memref<1000x32xf32, #tpu.memory_space<hbm>>
    tpu.wait_indirect_dma semaphore(%arg21 : memref<!tpu.dma_semaphore, #tpu.memory_space<semaphore_mem>>) src(%dma_wait3A_358 : memref<1000x32xf32, #tpu.memory_space<hbm>>) dst(%dma_wait3A_352 : memref<128x32xf32, #tpu.memory_space<vmem>>)
    %dma_wait3A_359 = arith.constant 2 : i32
    %dma_wait3A_360 = arith.constant 256 : i32
    %dma_wait3A_361 = arith.constant 0 : i32
    %dma_wait3A_362 = tpu.memref_slice %arg15[%dma_wait3A_360, %dma_wait3A_361] : memref<512x32xf32, #tpu.memory_space<vmem>> -> memref<128x32xf32, #tpu.memory_space<vmem>>
    %dma_wait3A_363 = arith.constant 0 : i32
    %dma_wait3A_364 = tpu.memref_slice %arg12[%dma_wait3A_359, %dma_wait3A_363] : memref<4x128xi32, #tpu.memory_space<vmem>> -> memref<1x128xi32, #tpu.memory_space<vmem>>
    %dma_wait3A_365 = tpu.memref_squeeze %dma_wait3A_364 : memref<1x128xi32, #tpu.memory_space<vmem>> -> memref<128xi32, #tpu.memory_space<vmem>>
    %dma_wait3A_366 = arith.constant 0 : i32
    %dma_wait3A_367 = arith.constant 0 : i32
    %dma_wait3A_368 = tpu.memref_slice %arg7[%dma_wait3A_366, %dma_wait3A_367] : memref<1000000x32xf32, #tpu.memory_space<hbm>> -> memref<1000000x32xf32, #tpu.memory_space<hbm>>
    tpu.wait_indirect_dma semaphore(%arg21 : memref<!tpu.dma_semaphore, #tpu.memory_space<semaphore_mem>>) src(%dma_wait3A_368 : memref<1000000x32xf32, #tpu.memory_space<hbm>>) dst(%dma_wait3A_362 : memref<128x32xf32, #tpu.memory_space<vmem>>)
    %dma_wait3A_369 = arith.constant 2 : i32
    %dma_wait3A_370 = arith.constant 256 : i32
    %dma_wait3A_371 = arith.constant 0 : i32
    %dma_wait3A_372 = tpu.memref_slice %arg16[%dma_wait3A_370, %dma_wait3A_371] : memref<512x32xf32, #tpu.memory_space<vmem>> -> memref<128x32xf32, #tpu.memory_space<vmem>>
    %dma_wait3A_373 = arith.constant 0 : i32
    %dma_wait3A_374 = tpu.memref_slice %arg12[%dma_wait3A_369, %dma_wait3A_373] : memref<4x128xi32, #tpu.memory_space<vmem>> -> memref<1x128xi32, #tpu.memory_space<vmem>>
    %dma_wait3A_375 = tpu.memref_squeeze %dma_wait3A_374 : memref<1x128xi32, #tpu.memory_space<vmem>> -> memref<128xi32, #tpu.memory_space<vmem>>
    %dma_wait3A_376 = arith.constant 0 : i32
    %dma_wait3A_377 = arith.constant 0 : i32
    %dma_wait3A_378 = tpu.memref_slice %arg5[%dma_wait3A_376, %dma_wait3A_377] : memref<1000000x32xf32, #tpu.memory_space<hbm>> -> memref<1000000x32xf32, #tpu.memory_space<hbm>>
    tpu.wait_indirect_dma semaphore(%arg21 : memref<!tpu.dma_semaphore, #tpu.memory_space<semaphore_mem>>) src(%dma_wait3A_378 : memref<1000000x32xf32, #tpu.memory_space<hbm>>) dst(%dma_wait3A_372 : memref<128x32xf32, #tpu.memory_space<vmem>>)
    %dma_wait3A_379 = arith.constant 2 : i32
    %dma_wait3A_380 = arith.constant 256 : i32
    %dma_wait3A_381 = arith.constant 0 : i32
    %dma_wait3A_382 = tpu.memref_slice %arg17[%dma_wait3A_380, %dma_wait3A_381] : memref<512x32xf32, #tpu.memory_space<vmem>> -> memref<128x32xf32, #tpu.memory_space<vmem>>
    %dma_wait3A_383 = arith.constant 0 : i32
    %dma_wait3A_384 = tpu.memref_slice %arg14[%dma_wait3A_379, %dma_wait3A_383] : memref<4x128xi32, #tpu.memory_space<vmem>> -> memref<1x128xi32, #tpu.memory_space<vmem>>
    %dma_wait3A_385 = tpu.memref_squeeze %dma_wait3A_384 : memref<1x128xi32, #tpu.memory_space<vmem>> -> memref<128xi32, #tpu.memory_space<vmem>>
    %dma_wait3A_386 = arith.constant 0 : i32
    %dma_wait3A_387 = arith.constant 0 : i32
    %dma_wait3A_388 = tpu.memref_slice %arg7[%dma_wait3A_386, %dma_wait3A_387] : memref<1000000x32xf32, #tpu.memory_space<hbm>> -> memref<1000000x32xf32, #tpu.memory_space<hbm>>
    tpu.wait_indirect_dma semaphore(%arg21 : memref<!tpu.dma_semaphore, #tpu.memory_space<semaphore_mem>>) src(%dma_wait3A_388 : memref<1000000x32xf32, #tpu.memory_space<hbm>>) dst(%dma_wait3A_382 : memref<128x32xf32, #tpu.memory_space<vmem>>)
    %dma_wait3A_389 = arith.constant 2 : i32
    %dma_wait3A_390 = arith.constant 256 : i32
    %dma_wait3A_391 = arith.constant 0 : i32
    %dma_wait3A_392 = tpu.memref_slice %arg18[%dma_wait3A_390, %dma_wait3A_391] : memref<512x32xf32, #tpu.memory_space<vmem>> -> memref<128x32xf32, #tpu.memory_space<vmem>>
    %dma_wait3A_393 = arith.constant 0 : i32
    %dma_wait3A_394 = tpu.memref_slice %arg14[%dma_wait3A_389, %dma_wait3A_393] : memref<4x128xi32, #tpu.memory_space<vmem>> -> memref<1x128xi32, #tpu.memory_space<vmem>>
    %dma_wait3A_395 = tpu.memref_squeeze %dma_wait3A_394 : memref<1x128xi32, #tpu.memory_space<vmem>> -> memref<128xi32, #tpu.memory_space<vmem>>
    %dma_wait3A_396 = arith.constant 0 : i32
    %dma_wait3A_397 = arith.constant 0 : i32
    %dma_wait3A_398 = tpu.memref_slice %arg5[%dma_wait3A_396, %dma_wait3A_397] : memref<1000000x32xf32, #tpu.memory_space<hbm>> -> memref<1000000x32xf32, #tpu.memory_space<hbm>>
    tpu.wait_indirect_dma semaphore(%arg21 : memref<!tpu.dma_semaphore, #tpu.memory_space<semaphore_mem>>) src(%dma_wait3A_398 : memref<1000000x32xf32, #tpu.memory_space<hbm>>) dst(%dma_wait3A_392 : memref<128x32xf32, #tpu.memory_space<vmem>>)
    %dma_wait3A_399 = arith.constant 2 : i32
    %dma_wait3A_400 = arith.constant 256 : i32
    %dma_wait3A_401 = arith.constant 0 : i32
    %dma_wait3A_402 = tpu.memref_slice %arg19[%dma_wait3A_400, %dma_wait3A_401] : memref<512x32xf32, #tpu.memory_space<vmem>> -> memref<128x32xf32, #tpu.memory_space<vmem>>
    %dma_wait3A_403 = arith.constant 0 : i32
    %dma_wait3A_404 = tpu.memref_slice %arg13[%dma_wait3A_399, %dma_wait3A_403] : memref<4x128xi32, #tpu.memory_space<vmem>> -> memref<1x128xi32, #tpu.memory_space<vmem>>
    %dma_wait3A_405 = tpu.memref_squeeze %dma_wait3A_404 : memref<1x128xi32, #tpu.memory_space<vmem>> -> memref<128xi32, #tpu.memory_space<vmem>>
    %dma_wait3A_406 = arith.constant 0 : i32
    %dma_wait3A_407 = arith.constant 0 : i32
    %dma_wait3A_408 = tpu.memref_slice %arg8[%dma_wait3A_406, %dma_wait3A_407] : memref<1000x32xf32, #tpu.memory_space<hbm>> -> memref<1000x32xf32, #tpu.memory_space<hbm>>
    tpu.wait_indirect_dma semaphore(%arg21 : memref<!tpu.dma_semaphore, #tpu.memory_space<semaphore_mem>>) src(%dma_wait3A_408 : memref<1000x32xf32, #tpu.memory_space<hbm>>) dst(%dma_wait3A_402 : memref<128x32xf32, #tpu.memory_space<vmem>>)
    %dma_wait3A_409 = arith.constant 2 : i32
    %dma_wait3A_410 = arith.constant 256 : i32
    %dma_wait3A_411 = arith.constant 0 : i32
    %dma_wait3A_412 = tpu.memref_slice %arg20[%dma_wait3A_410, %dma_wait3A_411] : memref<512x32xf32, #tpu.memory_space<vmem>> -> memref<128x32xf32, #tpu.memory_space<vmem>>
    %dma_wait3A_413 = arith.constant 0 : i32
    %dma_wait3A_414 = tpu.memref_slice %arg13[%dma_wait3A_409, %dma_wait3A_413] : memref<4x128xi32, #tpu.memory_space<vmem>> -> memref<1x128xi32, #tpu.memory_space<vmem>>
    %dma_wait3A_415 = tpu.memref_squeeze %dma_wait3A_414 : memref<1x128xi32, #tpu.memory_space<vmem>> -> memref<128xi32, #tpu.memory_space<vmem>>
    %dma_wait3A_416 = arith.constant 0 : i32
    %dma_wait3A_417 = arith.constant 0 : i32
    %dma_wait3A_418 = tpu.memref_slice %arg6[%dma_wait3A_416, %dma_wait3A_417] : memref<1000x32xf32, #tpu.memory_space<hbm>> -> memref<1000x32xf32, #tpu.memory_space<hbm>>
    tpu.wait_indirect_dma semaphore(%arg21 : memref<!tpu.dma_semaphore, #tpu.memory_space<semaphore_mem>>) src(%dma_wait3A_418 : memref<1000x32xf32, #tpu.memory_space<hbm>>) dst(%dma_wait3A_412 : memref<128x32xf32, #tpu.memory_space<vmem>>)
    %dma_wait3A_419 = arith.constant 3 : i32
    %dma_wait3A_420 = arith.constant 384 : i32
    %dma_wait3A_421 = arith.constant 0 : i32
    %dma_wait3A_422 = tpu.memref_slice %arg15[%dma_wait3A_420, %dma_wait3A_421] : memref<512x32xf32, #tpu.memory_space<vmem>> -> memref<128x32xf32, #tpu.memory_space<vmem>>
    %dma_wait3A_423 = arith.constant 0 : i32
    %dma_wait3A_424 = tpu.memref_slice %arg12[%dma_wait3A_419, %dma_wait3A_423] : memref<4x128xi32, #tpu.memory_space<vmem>> -> memref<1x128xi32, #tpu.memory_space<vmem>>
    %dma_wait3A_425 = tpu.memref_squeeze %dma_wait3A_424 : memref<1x128xi32, #tpu.memory_space<vmem>> -> memref<128xi32, #tpu.memory_space<vmem>>
    %dma_wait3A_426 = arith.constant 0 : i32
    %dma_wait3A_427 = arith.constant 0 : i32
    %dma_wait3A_428 = tpu.memref_slice %arg7[%dma_wait3A_426, %dma_wait3A_427] : memref<1000000x32xf32, #tpu.memory_space<hbm>> -> memref<1000000x32xf32, #tpu.memory_space<hbm>>
    tpu.wait_indirect_dma semaphore(%arg21 : memref<!tpu.dma_semaphore, #tpu.memory_space<semaphore_mem>>) src(%dma_wait3A_428 : memref<1000000x32xf32, #tpu.memory_space<hbm>>) dst(%dma_wait3A_422 : memref<128x32xf32, #tpu.memory_space<vmem>>)
    %dma_wait3A_429 = arith.constant 3 : i32
    %dma_wait3A_430 = arith.constant 384 : i32
    %dma_wait3A_431 = arith.constant 0 : i32
    %dma_wait3A_432 = tpu.memref_slice %arg16[%dma_wait3A_430, %dma_wait3A_431] : memref<512x32xf32, #tpu.memory_space<vmem>> -> memref<128x32xf32, #tpu.memory_space<vmem>>
    %dma_wait3A_433 = arith.constant 0 : i32
    %dma_wait3A_434 = tpu.memref_slice %arg12[%dma_wait3A_429, %dma_wait3A_433] : memref<4x128xi32, #tpu.memory_space<vmem>> -> memref<1x128xi32, #tpu.memory_space<vmem>>
    %dma_wait3A_435 = tpu.memref_squeeze %dma_wait3A_434 : memref<1x128xi32, #tpu.memory_space<vmem>> -> memref<128xi32, #tpu.memory_space<vmem>>
    %dma_wait3A_436 = arith.constant 0 : i32
    %dma_wait3A_437 = arith.constant 0 : i32
    %dma_wait3A_438 = tpu.memref_slice %arg5[%dma_wait3A_436, %dma_wait3A_437] : memref<1000000x32xf32, #tpu.memory_space<hbm>> -> memref<1000000x32xf32, #tpu.memory_space<hbm>>
    tpu.wait_indirect_dma semaphore(%arg21 : memref<!tpu.dma_semaphore, #tpu.memory_space<semaphore_mem>>) src(%dma_wait3A_438 : memref<1000000x32xf32, #tpu.memory_space<hbm>>) dst(%dma_wait3A_432 : memref<128x32xf32, #tpu.memory_space<vmem>>)
    %dma_wait3A_439 = arith.constant 3 : i32
    %dma_wait3A_440 = arith.constant 384 : i32
    %dma_wait3A_441 = arith.constant 0 : i32
    %dma_wait3A_442 = tpu.memref_slice %arg17[%dma_wait3A_440, %dma_wait3A_441] : memref<512x32xf32, #tpu.memory_space<vmem>> -> memref<128x32xf32, #tpu.memory_space<vmem>>
    %dma_wait3A_443 = arith.constant 0 : i32
    %dma_wait3A_444 = tpu.memref_slice %arg14[%dma_wait3A_439, %dma_wait3A_443] : memref<4x128xi32, #tpu.memory_space<vmem>> -> memref<1x128xi32, #tpu.memory_space<vmem>>
    %dma_wait3A_445 = tpu.memref_squeeze %dma_wait3A_444 : memref<1x128xi32, #tpu.memory_space<vmem>> -> memref<128xi32, #tpu.memory_space<vmem>>
    %dma_wait3A_446 = arith.constant 0 : i32
    %dma_wait3A_447 = arith.constant 0 : i32
    %dma_wait3A_448 = tpu.memref_slice %arg7[%dma_wait3A_446, %dma_wait3A_447] : memref<1000000x32xf32, #tpu.memory_space<hbm>> -> memref<1000000x32xf32, #tpu.memory_space<hbm>>
    tpu.wait_indirect_dma semaphore(%arg21 : memref<!tpu.dma_semaphore, #tpu.memory_space<semaphore_mem>>) src(%dma_wait3A_448 : memref<1000000x32xf32, #tpu.memory_space<hbm>>) dst(%dma_wait3A_442 : memref<128x32xf32, #tpu.memory_space<vmem>>)
    %dma_wait3A_449 = arith.constant 3 : i32
    %dma_wait3A_450 = arith.constant 384 : i32
    %dma_wait3A_451 = arith.constant 0 : i32
    %dma_wait3A_452 = tpu.memref_slice %arg18[%dma_wait3A_450, %dma_wait3A_451] : memref<512x32xf32, #tpu.memory_space<vmem>> -> memref<128x32xf32, #tpu.memory_space<vmem>>
    %dma_wait3A_453 = arith.constant 0 : i32
    %dma_wait3A_454 = tpu.memref_slice %arg14[%dma_wait3A_449, %dma_wait3A_453] : memref<4x128xi32, #tpu.memory_space<vmem>> -> memref<1x128xi32, #tpu.memory_space<vmem>>
    %dma_wait3A_455 = tpu.memref_squeeze %dma_wait3A_454 : memref<1x128xi32, #tpu.memory_space<vmem>> -> memref<128xi32, #tpu.memory_space<vmem>>
    %dma_wait3A_456 = arith.constant 0 : i32
    %dma_wait3A_457 = arith.constant 0 : i32
    %dma_wait3A_458 = tpu.memref_slice %arg5[%dma_wait3A_456, %dma_wait3A_457] : memref<1000000x32xf32, #tpu.memory_space<hbm>> -> memref<1000000x32xf32, #tpu.memory_space<hbm>>
    tpu.wait_indirect_dma semaphore(%arg21 : memref<!tpu.dma_semaphore, #tpu.memory_space<semaphore_mem>>) src(%dma_wait3A_458 : memref<1000000x32xf32, #tpu.memory_space<hbm>>) dst(%dma_wait3A_452 : memref<128x32xf32, #tpu.memory_space<vmem>>)
    %dma_wait3A_459 = arith.constant 3 : i32
    %dma_wait3A_460 = arith.constant 384 : i32
    %dma_wait3A_461 = arith.constant 0 : i32
    %dma_wait3A_462 = tpu.memref_slice %arg19[%dma_wait3A_460, %dma_wait3A_461] : memref<512x32xf32, #tpu.memory_space<vmem>> -> memref<128x32xf32, #tpu.memory_space<vmem>>
    %dma_wait3A_463 = arith.constant 0 : i32
    %dma_wait3A_464 = tpu.memref_slice %arg13[%dma_wait3A_459, %dma_wait3A_463] : memref<4x128xi32, #tpu.memory_space<vmem>> -> memref<1x128xi32, #tpu.memory_space<vmem>>
    %dma_wait3A_465 = tpu.memref_squeeze %dma_wait3A_464 : memref<1x128xi32, #tpu.memory_space<vmem>> -> memref<128xi32, #tpu.memory_space<vmem>>
    %dma_wait3A_466 = arith.constant 0 : i32
    %dma_wait3A_467 = arith.constant 0 : i32
    %dma_wait3A_468 = tpu.memref_slice %arg8[%dma_wait3A_466, %dma_wait3A_467] : memref<1000x32xf32, #tpu.memory_space<hbm>> -> memref<1000x32xf32, #tpu.memory_space<hbm>>
    tpu.wait_indirect_dma semaphore(%arg21 : memref<!tpu.dma_semaphore, #tpu.memory_space<semaphore_mem>>) src(%dma_wait3A_468 : memref<1000x32xf32, #tpu.memory_space<hbm>>) dst(%dma_wait3A_462 : memref<128x32xf32, #tpu.memory_space<vmem>>)
    %dma_wait3A_469 = arith.constant 3 : i32
    %dma_wait3A_470 = arith.constant 384 : i32
    %dma_wait3A_471 = arith.constant 0 : i32
    %dma_wait3A_472 = tpu.memref_slice %arg20[%dma_wait3A_470, %dma_wait3A_471] : memref<512x32xf32, #tpu.memory_space<vmem>> -> memref<128x32xf32, #tpu.memory_space<vmem>>
    %dma_wait3A_473 = arith.constant 0 : i32
    %dma_wait3A_474 = tpu.memref_slice %arg13[%dma_wait3A_469, %dma_wait3A_473] : memref<4x128xi32, #tpu.memory_space<vmem>> -> memref<1x128xi32, #tpu.memory_space<vmem>>
    %dma_wait3A_475 = tpu.memref_squeeze %dma_wait3A_474 : memref<1x128xi32, #tpu.memory_space<vmem>> -> memref<128xi32, #tpu.memory_space<vmem>>
    %dma_wait3A_476 = arith.constant 0 : i32
    %dma_wait3A_477 = arith.constant 0 : i32
    %dma_wait3A_478 = tpu.memref_slice %arg6[%dma_wait3A_476, %dma_wait3A_477] : memref<1000x32xf32, #tpu.memory_space<hbm>> -> memref<1000x32xf32, #tpu.memory_space<hbm>>
    tpu.wait_indirect_dma semaphore(%arg21 : memref<!tpu.dma_semaphore, #tpu.memory_space<semaphore_mem>>) src(%dma_wait3A_478 : memref<1000x32xf32, #tpu.memory_space<hbm>>) dst(%dma_wait3A_472 : memref<128x32xf32, #tpu.memory_space<vmem>>)
    %scan3A = arith.constant 0 : i32
    %scan3A_479 = arith.constant 0 : i32
    %scan3A_480 = arith.constant 128 : i32
    %scan3A_481 = arith.addi %scan3A_479, %scan3A_480 : i32
    %scan3A_482 = arith.constant 1 : i32
    scf.for %scan3A_486 = %scan3A_479 to %scan3A_481 step %scan3A_482  : i32 {
      %mul3A_487 = arith.constant 4 : i32
      %mul3A_488 = arith.muli %scan3A_486, %mul3A_487 : i32
      %add3A_489 = arith.constant 0 : i32
      %add3A_490 = arith.addi %mul3A_488, %add3A_489 : i32
      %get3A = arith.index_cast %add3A_490 : i32 to index
      %get3A_491 = arith.constant 0 : index
      %get3A_492 = tpu.vector_load %arg15[%get3A, %get3A_491] {strides = array<i32>} : memref<512x32xf32, #tpu.memory_space<vmem>>, vector<16xf32>,
      %get3A_493 = arith.index_cast %add3A_490 : i32 to index
      %get3A_494 = arith.constant 16 : index
      %get3A_495 = tpu.vector_load %arg15[%get3A_493, %get3A_494] {strides = array<i32>} : memref<512x32xf32, #tpu.memory_space<vmem>>, vector<16xf32>,
      %get3A_496 = arith.index_cast %add3A_490 : i32 to index
      %get3A_497 = arith.constant 0 : index
      %get3A_498 = tpu.vector_load %arg16[%get3A_496, %get3A_497] {strides = array<i32>} : memref<512x32xf32, #tpu.memory_space<vmem>>, vector<16xf32>,
      %get3A_499 = arith.index_cast %add3A_490 : i32 to index
      %get3A_500 = arith.constant 16 : index
      %get3A_501 = tpu.vector_load %arg16[%get3A_499, %get3A_500] {strides = array<i32>} : memref<512x32xf32, #tpu.memory_space<vmem>>, vector<16xf32>,
      %get3A_502 = arith.index_cast %add3A_490 : i32 to index
      %get3A_503 = arith.constant 0 : index
      %get3A_504 = tpu.vector_load %arg17[%get3A_502, %get3A_503] {strides = array<i32>} : memref<512x32xf32, #tpu.memory_space<vmem>>, vector<16xf32>,
      %get3A_505 = arith.index_cast %add3A_490 : i32 to index
      %get3A_506 = arith.constant 16 : index
      %get3A_507 = tpu.vector_load %arg17[%get3A_505, %get3A_506] {strides = array<i32>} : memref<512x32xf32, #tpu.memory_space<vmem>>, vector<16xf32>,
      %get3A_508 = arith.index_cast %add3A_490 : i32 to index
      %get3A_509 = arith.constant 0 : index
      %get3A_510 = tpu.vector_load %arg18[%get3A_508, %get3A_509] {strides = array<i32>} : memref<512x32xf32, #tpu.memory_space<vmem>>, vector<16xf32>,
      %get3A_511 = arith.index_cast %add3A_490 : i32 to index
      %get3A_512 = arith.constant 16 : index
      %get3A_513 = tpu.vector_load %arg18[%get3A_511, %get3A_512] {strides = array<i32>} : memref<512x32xf32, #tpu.memory_space<vmem>>, vector<16xf32>,
      %get3A_514 = arith.index_cast %add3A_490 : i32 to index
      %get3A_515 = arith.constant 0 : index
      %get3A_516 = tpu.vector_load %arg19[%get3A_514, %get3A_515] {strides = array<i32>} : memref<512x32xf32, #tpu.memory_space<vmem>>, vector<16xf32>,
      %get3A_517 = arith.index_cast %add3A_490 : i32 to index
      %get3A_518 = arith.constant 16 : index
      %get3A_519 = tpu.vector_load %arg19[%get3A_517, %get3A_518] {strides = array<i32>} : memref<512x32xf32, #tpu.memory_space<vmem>>, vector<16xf32>,
      %get3A_520 = arith.index_cast %add3A_490 : i32 to index
      %get3A_521 = arith.constant 0 : index
      %get3A_522 = tpu.vector_load %arg20[%get3A_520, %get3A_521] {strides = array<i32>} : memref<512x32xf32, #tpu.memory_space<vmem>>, vector<16xf32>,
      %get3A_523 = arith.index_cast %add3A_490 : i32 to index
      %get3A_524 = arith.constant 16 : index
      %get3A_525 = tpu.vector_load %arg20[%get3A_523, %get3A_524] {strides = array<i32>} : memref<512x32xf32, #tpu.memory_space<vmem>>, vector<16xf32>,
      %mul3A_526 = arith.mulf %get3A_492, %get3A_492 : vector<16xf32>
      %mul3A_527 = arith.mulf %get3A_495, %get3A_495 : vector<16xf32>
      %add3A_528 = arith.addf %mul3A_526, %mul3A_527 : vector<16xf32>
      %reduce_sum3A = arith.constant true
      %reduce_sum3A_529 = vector.broadcast %reduce_sum3A : i1 to vector<16xi1>
      %reduce_sum3A_530 = tpu.scan <sum>, %add3A_528 masked %reduce_sum3A_529 : vector<16xf32>, vector<16xi1> -> vector<16xf32>
      %reduce_sum3A_531 = vector.extract %reduce_sum3A_530[15] : f32 from vector<16xf32>
      %mul3A_532 = arith.mulf %get3A_498, %get3A_498 : vector<16xf32>
      %mul3A_533 = arith.mulf %get3A_501, %get3A_501 : vector<16xf32>
      %add3A_534 = arith.addf %mul3A_532, %mul3A_533 : vector<16xf32>
      %reduce_sum3A_535 = arith.constant true
      %reduce_sum3A_536 = vector.broadcast %reduce_sum3A_535 : i1 to vector<16xi1>
      %reduce_sum3A_537 = tpu.scan <sum>, %add3A_534 masked %reduce_sum3A_536 : vector<16xf32>, vector<16xi1> -> vector<16xf32>
      %reduce_sum3A_538 = vector.extract %reduce_sum3A_537[15] : f32 from vector<16xf32>
      %mul3A_539 = arith.mulf %get3A_492, %get3A_498 : vector<16xf32>
      %mul3A_540 = arith.mulf %get3A_495, %get3A_501 : vector<16xf32>
      %add3A_541 = arith.addf %mul3A_539, %mul3A_540 : vector<16xf32>
      %reduce_sum3A_542 = arith.constant true
      %reduce_sum3A_543 = vector.broadcast %reduce_sum3A_542 : i1 to vector<16xi1>
      %reduce_sum3A_544 = tpu.scan <sum>, %add3A_541 masked %reduce_sum3A_543 : vector<16xf32>, vector<16xi1> -> vector<16xf32>
      %reduce_sum3A_545 = vector.extract %reduce_sum3A_544[15] : f32 from vector<16xf32>
      %mul3A_546 = arith.mulf %get3A_504, %get3A_504 : vector<16xf32>
      %mul3A_547 = arith.mulf %get3A_507, %get3A_507 : vector<16xf32>
      %add3A_548 = arith.addf %mul3A_546, %mul3A_547 : vector<16xf32>
      %reduce_sum3A_549 = arith.constant true
      %reduce_sum3A_550 = vector.broadcast %reduce_sum3A_549 : i1 to vector<16xi1>
      %reduce_sum3A_551 = tpu.scan <sum>, %add3A_548 masked %reduce_sum3A_550 : vector<16xf32>, vector<16xi1> -> vector<16xf32>
      %reduce_sum3A_552 = vector.extract %reduce_sum3A_551[15] : f32 from vector<16xf32>
      %mul3A_553 = arith.mulf %get3A_510, %get3A_510 : vector<16xf32>
      %mul3A_554 = arith.mulf %get3A_513, %get3A_513 : vector<16xf32>
      %add3A_555 = arith.addf %mul3A_553, %mul3A_554 : vector<16xf32>
      %reduce_sum3A_556 = arith.constant true
      %reduce_sum3A_557 = vector.broadcast %reduce_sum3A_556 : i1 to vector<16xi1>
      %reduce_sum3A_558 = tpu.scan <sum>, %add3A_555 masked %reduce_sum3A_557 : vector<16xf32>, vector<16xi1> -> vector<16xf32>
      %reduce_sum3A_559 = vector.extract %reduce_sum3A_558[15] : f32 from vector<16xf32>
      %mul3A_560 = arith.mulf %get3A_504, %get3A_510 : vector<16xf32>
      %mul3A_561 = arith.mulf %get3A_507, %get3A_513 : vector<16xf32>
      %add3A_562 = arith.addf %mul3A_560, %mul3A_561 : vector<16xf32>
      %reduce_sum3A_563 = arith.constant true
      %reduce_sum3A_564 = vector.broadcast %reduce_sum3A_563 : i1 to vector<16xi1>
      %reduce_sum3A_565 = tpu.scan <sum>, %add3A_562 masked %reduce_sum3A_564 : vector<16xf32>, vector<16xi1> -> vector<16xf32>
      %reduce_sum3A_566 = vector.extract %reduce_sum3A_565[15] : f32 from vector<16xf32>
      %mul3A_567 = arith.mulf %get3A_516, %get3A_516 : vector<16xf32>
      %mul3A_568 = arith.mulf %get3A_519, %get3A_519 : vector<16xf32>
      %add3A_569 = arith.addf %mul3A_567, %mul3A_568 : vector<16xf32>
      %reduce_sum3A_570 = arith.constant true
      %reduce_sum3A_571 = vector.broadcast %reduce_sum3A_570 : i1 to vector<16xi1>
      %reduce_sum3A_572 = tpu.scan <sum>, %add3A_569 masked %reduce_sum3A_571 : vector<16xf32>, vector<16xi1> -> vector<16xf32>
      %reduce_sum3A_573 = vector.extract %reduce_sum3A_572[15] : f32 from vector<16xf32>
      %mul3A_574 = arith.mulf %get3A_522, %get3A_522 : vector<16xf32>
      %mul3A_575 = arith.mulf %get3A_525, %get3A_525 : vector<16xf32>
      %add3A_576 = arith.addf %mul3A_574, %mul3A_575 : vector<16xf32>
      %reduce_sum3A_577 = arith.constant true
      %reduce_sum3A_578 = vector.broadcast %reduce_sum3A_577 : i1 to vector<16xi1>
      %reduce_sum3A_579 = tpu.scan <sum>, %add3A_576 masked %reduce_sum3A_578 : vector<16xf32>, vector<16xi1> -> vector<16xf32>
      %reduce_sum3A_580 = vector.extract %reduce_sum3A_579[15] : f32 from vector<16xf32>
      %bitcast_convert_type3A = arith.bitcast %reduce_sum3A_531 : f32 to i32
      %shift_right_arithmetic3A = arith.constant 1 : i32
      %shift_right_arithmetic3A_581 = arith.shrsi %bitcast_convert_type3A, %shift_right_arithmetic3A : i32
      %sub3A = arith.constant 1597463007 : i32
      %sub3A_582 = arith.subi %sub3A, %shift_right_arithmetic3A_581 : i32
      %bitcast_convert_type3A_583 = arith.bitcast %sub3A_582 : i32 to f32
      %mul3A_584 = arith.constant 5.000000e-01 : f32
      %mul3A_585 = arith.mulf %mul3A_584, %reduce_sum3A_531 : f32
      %mul3A_586 = arith.mulf %mul3A_585, %bitcast_convert_type3A_583 : f32
      %mul3A_587 = arith.mulf %mul3A_586, %bitcast_convert_type3A_583 : f32
      %sub3A_588 = arith.constant 1.500000e+00 : f32
      %sub3A_589 = arith.subf %sub3A_588, %mul3A_587 : f32
      %mul3A_590 = arith.mulf %bitcast_convert_type3A_583, %sub3A_589 : f32
      %mul3A_591 = arith.constant 5.000000e-01 : f32
      %mul3A_592 = arith.mulf %mul3A_591, %reduce_sum3A_531 : f32
      %mul3A_593 = arith.mulf %mul3A_592, %mul3A_590 : f32
      %mul3A_594 = arith.mulf %mul3A_593, %mul3A_590 : f32
      %sub3A_595 = arith.constant 1.500000e+00 : f32
      %sub3A_596 = arith.subf %sub3A_595, %mul3A_594 : f32
      %mul3A_597 = arith.mulf %mul3A_590, %sub3A_596 : f32
      %mul3A_598 = arith.constant 5.000000e-01 : f32
      %mul3A_599 = arith.mulf %mul3A_598, %reduce_sum3A_531 : f32
      %mul3A_600 = arith.mulf %mul3A_599, %mul3A_597 : f32
      %mul3A_601 = arith.mulf %mul3A_600, %mul3A_597 : f32
      %sub3A_602 = arith.constant 1.500000e+00 : f32
      %sub3A_603 = arith.subf %sub3A_602, %mul3A_601 : f32
      %mul3A_604 = arith.mulf %mul3A_597, %sub3A_603 : f32
      %min3A = arith.constant 1.000000e+00 : f32
      %min3A_605 = arith.minimumf %min3A, %mul3A_604 : f32
      %bitcast_convert_type3A_606 = arith.bitcast %reduce_sum3A_538 : f32 to i32
      %shift_right_arithmetic3A_607 = arith.constant 1 : i32
      %shift_right_arithmetic3A_608 = arith.shrsi %bitcast_convert_type3A_606, %shift_right_arithmetic3A_607 : i32
      %sub3A_609 = arith.constant 1597463007 : i32
      %sub3A_610 = arith.subi %sub3A_609, %shift_right_arithmetic3A_608 : i32
      %bitcast_convert_type3A_611 = arith.bitcast %sub3A_610 : i32 to f32
      %mul3A_612 = arith.constant 5.000000e-01 : f32
      %mul3A_613 = arith.mulf %mul3A_612, %reduce_sum3A_538 : f32
      %mul3A_614 = arith.mulf %mul3A_613, %bitcast_convert_type3A_611 : f32
      %mul3A_615 = arith.mulf %mul3A_614, %bitcast_convert_type3A_611 : f32
      %sub3A_616 = arith.constant 1.500000e+00 : f32
      %sub3A_617 = arith.subf %sub3A_616, %mul3A_615 : f32
      %mul3A_618 = arith.mulf %bitcast_convert_type3A_611, %sub3A_617 : f32
      %mul3A_619 = arith.constant 5.000000e-01 : f32
      %mul3A_620 = arith.mulf %mul3A_619, %reduce_sum3A_538 : f32
      %mul3A_621 = arith.mulf %mul3A_620, %mul3A_618 : f32
      %mul3A_622 = arith.mulf %mul3A_621, %mul3A_618 : f32
      %sub3A_623 = arith.constant 1.500000e+00 : f32
      %sub3A_624 = arith.subf %sub3A_623, %mul3A_622 : f32
      %mul3A_625 = arith.mulf %mul3A_618, %sub3A_624 : f32
      %mul3A_626 = arith.constant 5.000000e-01 : f32
      %mul3A_627 = arith.mulf %mul3A_626, %reduce_sum3A_538 : f32
      %mul3A_628 = arith.mulf %mul3A_627, %mul3A_625 : f32
      %mul3A_629 = arith.mulf %mul3A_628, %mul3A_625 : f32
      %sub3A_630 = arith.constant 1.500000e+00 : f32
      %sub3A_631 = arith.subf %sub3A_630, %mul3A_629 : f32
      %mul3A_632 = arith.mulf %mul3A_625, %sub3A_631 : f32
      %min3A_633 = arith.constant 1.000000e+00 : f32
      %min3A_634 = arith.minimumf %min3A_633, %mul3A_632 : f32
      %bitcast_convert_type3A_635 = arith.bitcast %reduce_sum3A_552 : f32 to i32
      %shift_right_arithmetic3A_636 = arith.constant 1 : i32
      %shift_right_arithmetic3A_637 = arith.shrsi %bitcast_convert_type3A_635, %shift_right_arithmetic3A_636 : i32
      %sub3A_638 = arith.constant 1597463007 : i32
      %sub3A_639 = arith.subi %sub3A_638, %shift_right_arithmetic3A_637 : i32
      %bitcast_convert_type3A_640 = arith.bitcast %sub3A_639 : i32 to f32
      %mul3A_641 = arith.constant 5.000000e-01 : f32
      %mul3A_642 = arith.mulf %mul3A_641, %reduce_sum3A_552 : f32
      %mul3A_643 = arith.mulf %mul3A_642, %bitcast_convert_type3A_640 : f32
      %mul3A_644 = arith.mulf %mul3A_643, %bitcast_convert_type3A_640 : f32
      %sub3A_645 = arith.constant 1.500000e+00 : f32
      %sub3A_646 = arith.subf %sub3A_645, %mul3A_644 : f32
      %mul3A_647 = arith.mulf %bitcast_convert_type3A_640, %sub3A_646 : f32
      %mul3A_648 = arith.constant 5.000000e-01 : f32
      %mul3A_649 = arith.mulf %mul3A_648, %reduce_sum3A_552 : f32
      %mul3A_650 = arith.mulf %mul3A_649, %mul3A_647 : f32
      %mul3A_651 = arith.mulf %mul3A_650, %mul3A_647 : f32
      %sub3A_652 = arith.constant 1.500000e+00 : f32
      %sub3A_653 = arith.subf %sub3A_652, %mul3A_651 : f32
      %mul3A_654 = arith.mulf %mul3A_647, %sub3A_653 : f32
      %mul3A_655 = arith.constant 5.000000e-01 : f32
      %mul3A_656 = arith.mulf %mul3A_655, %reduce_sum3A_552 : f32
      %mul3A_657 = arith.mulf %mul3A_656, %mul3A_654 : f32
      %mul3A_658 = arith.mulf %mul3A_657, %mul3A_654 : f32
      %sub3A_659 = arith.constant 1.500000e+00 : f32
      %sub3A_660 = arith.subf %sub3A_659, %mul3A_658 : f32
      %mul3A_661 = arith.mulf %mul3A_654, %sub3A_660 : f32
      %min3A_662 = arith.constant 1.000000e+00 : f32
      %min3A_663 = arith.minimumf %min3A_662, %mul3A_661 : f32
      %bitcast_convert_type3A_664 = arith.bitcast %reduce_sum3A_559 : f32 to i32
      %shift_right_arithmetic3A_665 = arith.constant 1 : i32
      %shift_right_arithmetic3A_666 = arith.shrsi %bitcast_convert_type3A_664, %shift_right_arithmetic3A_665 : i32
      %sub3A_667 = arith.constant 1597463007 : i32
      %sub3A_668 = arith.subi %sub3A_667, %shift_right_arithmetic3A_666 : i32
      %bitcast_convert_type3A_669 = arith.bitcast %sub3A_668 : i32 to f32
      %mul3A_670 = arith.constant 5.000000e-01 : f32
      %mul3A_671 = arith.mulf %mul3A_670, %reduce_sum3A_559 : f32
      %mul3A_672 = arith.mulf %mul3A_671, %bitcast_convert_type3A_669 : f32
      %mul3A_673 = arith.mulf %mul3A_672, %bitcast_convert_type3A_669 : f32
      %sub3A_674 = arith.constant 1.500000e+00 : f32
      %sub3A_675 = arith.subf %sub3A_674, %mul3A_673 : f32
      %mul3A_676 = arith.mulf %bitcast_convert_type3A_669, %sub3A_675 : f32
      %mul3A_677 = arith.constant 5.000000e-01 : f32
      %mul3A_678 = arith.mulf %mul3A_677, %reduce_sum3A_559 : f32
      %mul3A_679 = arith.mulf %mul3A_678, %mul3A_676 : f32
      %mul3A_680 = arith.mulf %mul3A_679, %mul3A_676 : f32
      %sub3A_681 = arith.constant 1.500000e+00 : f32
      %sub3A_682 = arith.subf %sub3A_681, %mul3A_680 : f32
      %mul3A_683 = arith.mulf %mul3A_676, %sub3A_682 : f32
      %mul3A_684 = arith.constant 5.000000e-01 : f32
      %mul3A_685 = arith.mulf %mul3A_684, %reduce_sum3A_559 : f32
      %mul3A_686 = arith.mulf %mul3A_685, %mul3A_683 : f32
      %mul3A_687 = arith.mulf %mul3A_686, %mul3A_683 : f32
      %sub3A_688 = arith.constant 1.500000e+00 : f32
      %sub3A_689 = arith.subf %sub3A_688, %mul3A_687 : f32
      %mul3A_690 = arith.mulf %mul3A_683, %sub3A_689 : f32
      %min3A_691 = arith.constant 1.000000e+00 : f32
      %min3A_692 = arith.minimumf %min3A_691, %mul3A_690 : f32
      %bitcast_convert_type3A_693 = arith.bitcast %reduce_sum3A_573 : f32 to i32
      %shift_right_arithmetic3A_694 = arith.constant 1 : i32
      %shift_right_arithmetic3A_695 = arith.shrsi %bitcast_convert_type3A_693, %shift_right_arithmetic3A_694 : i32
      %sub3A_696 = arith.constant 1597463007 : i32
      %sub3A_697 = arith.subi %sub3A_696, %shift_right_arithmetic3A_695 : i32
      %bitcast_convert_type3A_698 = arith.bitcast %sub3A_697 : i32 to f32
      %mul3A_699 = arith.constant 5.000000e-01 : f32
      %mul3A_700 = arith.mulf %mul3A_699, %reduce_sum3A_573 : f32
      %mul3A_701 = arith.mulf %mul3A_700, %bitcast_convert_type3A_698 : f32
      %mul3A_702 = arith.mulf %mul3A_701, %bitcast_convert_type3A_698 : f32
      %sub3A_703 = arith.constant 1.500000e+00 : f32
      %sub3A_704 = arith.subf %sub3A_703, %mul3A_702 : f32
      %mul3A_705 = arith.mulf %bitcast_convert_type3A_698, %sub3A_704 : f32
      %mul3A_706 = arith.constant 5.000000e-01 : f32
      %mul3A_707 = arith.mulf %mul3A_706, %reduce_sum3A_573 : f32
      %mul3A_708 = arith.mulf %mul3A_707, %mul3A_705 : f32
      %mul3A_709 = arith.mulf %mul3A_708, %mul3A_705 : f32
      %sub3A_710 = arith.constant 1.500000e+00 : f32
      %sub3A_711 = arith.subf %sub3A_710, %mul3A_709 : f32
      %mul3A_712 = arith.mulf %mul3A_705, %sub3A_711 : f32
      %mul3A_713 = arith.constant 5.000000e-01 : f32
      %mul3A_714 = arith.mulf %mul3A_713, %reduce_sum3A_573 : f32
      %mul3A_715 = arith.mulf %mul3A_714, %mul3A_712 : f32
      %mul3A_716 = arith.mulf %mul3A_715, %mul3A_712 : f32
      %sub3A_717 = arith.constant 1.500000e+00 : f32
      %sub3A_718 = arith.subf %sub3A_717, %mul3A_716 : f32
      %mul3A_719 = arith.mulf %mul3A_712, %sub3A_718 : f32
      %min3A_720 = arith.constant 1.000000e+00 : f32
      %min3A_721 = arith.minimumf %min3A_720, %mul3A_719 : f32
      %bitcast_convert_type3A_722 = arith.bitcast %reduce_sum3A_580 : f32 to i32
      %shift_right_arithmetic3A_723 = arith.constant 1 : i32
      %shift_right_arithmetic3A_724 = arith.shrsi %bitcast_convert_type3A_722, %shift_right_arithmetic3A_723 : i32
      %sub3A_725 = arith.constant 1597463007 : i32
      %sub3A_726 = arith.subi %sub3A_725, %shift_right_arithmetic3A_724 : i32
      %bitcast_convert_type3A_727 = arith.bitcast %sub3A_726 : i32 to f32
      %mul3A_728 = arith.constant 5.000000e-01 : f32
      %mul3A_729 = arith.mulf %mul3A_728, %reduce_sum3A_580 : f32
      %mul3A_730 = arith.mulf %mul3A_729, %bitcast_convert_type3A_727 : f32
      %mul3A_731 = arith.mulf %mul3A_730, %bitcast_convert_type3A_727 : f32
      %sub3A_732 = arith.constant 1.500000e+00 : f32
      %sub3A_733 = arith.subf %sub3A_732, %mul3A_731 : f32
      %mul3A_734 = arith.mulf %bitcast_convert_type3A_727, %sub3A_733 : f32
      %mul3A_735 = arith.constant 5.000000e-01 : f32
      %mul3A_736 = arith.mulf %mul3A_735, %reduce_sum3A_580 : f32
      %mul3A_737 = arith.mulf %mul3A_736, %mul3A_734 : f32
      %mul3A_738 = arith.mulf %mul3A_737, %mul3A_734 : f32
      %sub3A_739 = arith.constant 1.500000e+00 : f32
      %sub3A_740 = arith.subf %sub3A_739, %mul3A_738 : f32
      %mul3A_741 = arith.mulf %mul3A_734, %sub3A_740 : f32
      %mul3A_742 = arith.constant 5.000000e-01 : f32
      %mul3A_743 = arith.mulf %mul3A_742, %reduce_sum3A_580 : f32
      %mul3A_744 = arith.mulf %mul3A_743, %mul3A_741 : f32
      %mul3A_745 = arith.mulf %mul3A_744, %mul3A_741 : f32
      %sub3A_746 = arith.constant 1.500000e+00 : f32
      %sub3A_747 = arith.subf %sub3A_746, %mul3A_745 : f32
      %mul3A_748 = arith.mulf %mul3A_741, %sub3A_747 : f32
      %min3A_749 = arith.constant 1.000000e+00 : f32
      %min3A_750 = arith.minimumf %min3A_749, %mul3A_748 : f32
      %mul3A_751 = arith.mulf %min3A_721, %min3A_605 : f32
      %mul3A_752 = arith.mulf %mul3A_751, %min3A_634 : f32
      %mul3A_753 = arith.mulf %mul3A_752, %reduce_sum3A_545 : f32
      %mul3A_754 = arith.mulf %min3A_721, %min3A_663 : f32
      %mul3A_755 = arith.mulf %mul3A_754, %min3A_692 : f32
      %mul3A_756 = arith.mulf %mul3A_755, %reduce_sum3A_566 : f32
      %mul3A_757 = vector.broadcast %mul3A_753 : f32 to vector<16xf32>
      %mul3A_758 = arith.mulf %mul3A_757, %get3A_516 : vector<16xf32>
      %mul3A_759 = vector.broadcast %min3A_634 : f32 to vector<16xf32>
      %mul3A_760 = arith.mulf %mul3A_759, %get3A_498 : vector<16xf32>
      %add3A_761 = arith.addf %mul3A_758, %mul3A_760 : vector<16xf32>
      %swap3A = arith.index_cast %add3A_490 : i32 to index
      %swap3A_762 = arith.constant 0 : index
      %swap3A_763 = tpu.vector_load %arg15[%swap3A, %swap3A_762] {strides = array<i32>} : memref<512x32xf32, #tpu.memory_space<vmem>>, vector<16xf32>,
      tpu.vector_store %arg15[%swap3A, %swap3A_762], %add3A_761 {strides = array<i32>} : memref<512x32xf32, #tpu.memory_space<vmem>>, vector<16xf32>,
      %mul3A_764 = vector.broadcast %mul3A_753 : f32 to vector<16xf32>
      %mul3A_765 = arith.mulf %mul3A_764, %get3A_519 : vector<16xf32>
      %mul3A_766 = vector.broadcast %min3A_634 : f32 to vector<16xf32>
      %mul3A_767 = arith.mulf %mul3A_766, %get3A_501 : vector<16xf32>
      %add3A_768 = arith.addf %mul3A_765, %mul3A_767 : vector<16xf32>
      %swap3A_769 = arith.index_cast %add3A_490 : i32 to index
      %swap3A_770 = arith.constant 16 : index
      %swap3A_771 = tpu.vector_load %arg15[%swap3A_769, %swap3A_770] {strides = array<i32>} : memref<512x32xf32, #tpu.memory_space<vmem>>, vector<16xf32>,
      tpu.vector_store %arg15[%swap3A_769, %swap3A_770], %add3A_768 {strides = array<i32>} : memref<512x32xf32, #tpu.memory_space<vmem>>, vector<16xf32>,
      %mul3A_772 = vector.broadcast %mul3A_756 : f32 to vector<16xf32>
      %mul3A_773 = arith.mulf %mul3A_772, %get3A_516 : vector<16xf32>
      %mul3A_774 = vector.broadcast %min3A_692 : f32 to vector<16xf32>
      %mul3A_775 = arith.mulf %mul3A_774, %get3A_510 : vector<16xf32>
      %add3A_776 = arith.addf %mul3A_773, %mul3A_775 : vector<16xf32>
      %swap3A_777 = arith.index_cast %add3A_490 : i32 to index
      %swap3A_778 = arith.constant 0 : index
      %swap3A_779 = tpu.vector_load %arg17[%swap3A_777, %swap3A_778] {strides = array<i32>} : memref<512x32xf32, #tpu.memory_space<vmem>>, vector<16xf32>,
      tpu.vector_store %arg17[%swap3A_777, %swap3A_778], %add3A_776 {strides = array<i32>} : memref<512x32xf32, #tpu.memory_space<vmem>>, vector<16xf32>,
      %mul3A_780 = vector.broadcast %mul3A_756 : f32 to vector<16xf32>
      %mul3A_781 = arith.mulf %mul3A_780, %get3A_519 : vector<16xf32>
      %mul3A_782 = vector.broadcast %min3A_692 : f32 to vector<16xf32>
      %mul3A_783 = arith.mulf %mul3A_782, %get3A_513 : vector<16xf32>
      %add3A_784 = arith.addf %mul3A_781, %mul3A_783 : vector<16xf32>
      %swap3A_785 = arith.index_cast %add3A_490 : i32 to index
      %swap3A_786 = arith.constant 16 : index
      %swap3A_787 = tpu.vector_load %arg17[%swap3A_785, %swap3A_786] {strides = array<i32>} : memref<512x32xf32, #tpu.memory_space<vmem>>, vector<16xf32>,
      tpu.vector_store %arg17[%swap3A_785, %swap3A_786], %add3A_784 {strides = array<i32>} : memref<512x32xf32, #tpu.memory_space<vmem>>, vector<16xf32>,
      %mul3A_788 = vector.broadcast %min3A_750 : f32 to vector<16xf32>
      %mul3A_789 = arith.mulf %mul3A_788, %get3A_522 : vector<16xf32>
      %swap3A_790 = arith.index_cast %add3A_490 : i32 to index
      %swap3A_791 = arith.constant 0 : index
      %swap3A_792 = tpu.vector_load %arg20[%swap3A_790, %swap3A_791] {strides = array<i32>} : memref<512x32xf32, #tpu.memory_space<vmem>>, vector<16xf32>,
      tpu.vector_store %arg20[%swap3A_790, %swap3A_791], %mul3A_789 {strides = array<i32>} : memref<512x32xf32, #tpu.memory_space<vmem>>, vector<16xf32>,
      %mul3A_793 = vector.broadcast %min3A_750 : f32 to vector<16xf32>
      %mul3A_794 = arith.mulf %mul3A_793, %get3A_525 : vector<16xf32>
      %swap3A_795 = arith.index_cast %add3A_490 : i32 to index
      %swap3A_796 = arith.constant 16 : index
      %swap3A_797 = tpu.vector_load %arg20[%swap3A_795, %swap3A_796] {strides = array<i32>} : memref<512x32xf32, #tpu.memory_space<vmem>>, vector<16xf32>,
      tpu.vector_store %arg20[%swap3A_795, %swap3A_796], %mul3A_794 {strides = array<i32>} : memref<512x32xf32, #tpu.memory_space<vmem>>, vector<16xf32>,
      %mul3A_798 = arith.constant 4 : i32
      %mul3A_799 = arith.muli %scan3A_486, %mul3A_798 : i32
      %add3A_800 = arith.constant 1 : i32
      %add3A_801 = arith.addi %mul3A_799, %add3A_800 : i32
      %get3A_802 = arith.index_cast %add3A_801 : i32 to index
      %get3A_803 = arith.constant 0 : index
      %get3A_804 = tpu.vector_load %arg15[%get3A_802, %get3A_803] {strides = array<i32>} : memref<512x32xf32, #tpu.memory_space<vmem>>, vector<16xf32>,
      %get3A_805 = arith.index_cast %add3A_801 : i32 to index
      %get3A_806 = arith.constant 16 : index
      %get3A_807 = tpu.vector_load %arg15[%get3A_805, %get3A_806] {strides = array<i32>} : memref<512x32xf32, #tpu.memory_space<vmem>>, vector<16xf32>,
      %get3A_808 = arith.index_cast %add3A_801 : i32 to index
      %get3A_809 = arith.constant 0 : index
      %get3A_810 = tpu.vector_load %arg16[%get3A_808, %get3A_809] {strides = array<i32>} : memref<512x32xf32, #tpu.memory_space<vmem>>, vector<16xf32>,
      %get3A_811 = arith.index_cast %add3A_801 : i32 to index
      %get3A_812 = arith.constant 16 : index
      %get3A_813 = tpu.vector_load %arg16[%get3A_811, %get3A_812] {strides = array<i32>} : memref<512x32xf32, #tpu.memory_space<vmem>>, vector<16xf32>,
      %get3A_814 = arith.index_cast %add3A_801 : i32 to index
      %get3A_815 = arith.constant 0 : index
      %get3A_816 = tpu.vector_load %arg17[%get3A_814, %get3A_815] {strides = array<i32>} : memref<512x32xf32, #tpu.memory_space<vmem>>, vector<16xf32>,
      %get3A_817 = arith.index_cast %add3A_801 : i32 to index
      %get3A_818 = arith.constant 16 : index
      %get3A_819 = tpu.vector_load %arg17[%get3A_817, %get3A_818] {strides = array<i32>} : memref<512x32xf32, #tpu.memory_space<vmem>>, vector<16xf32>,
      %get3A_820 = arith.index_cast %add3A_801 : i32 to index
      %get3A_821 = arith.constant 0 : index
      %get3A_822 = tpu.vector_load %arg18[%get3A_820, %get3A_821] {strides = array<i32>} : memref<512x32xf32, #tpu.memory_space<vmem>>, vector<16xf32>,
      %get3A_823 = arith.index_cast %add3A_801 : i32 to index
      %get3A_824 = arith.constant 16 : index
      %get3A_825 = tpu.vector_load %arg18[%get3A_823, %get3A_824] {strides = array<i32>} : memref<512x32xf32, #tpu.memory_space<vmem>>, vector<16xf32>,
      %get3A_826 = arith.index_cast %add3A_801 : i32 to index
      %get3A_827 = arith.constant 0 : index
      %get3A_828 = tpu.vector_load %arg19[%get3A_826, %get3A_827] {strides = array<i32>} : memref<512x32xf32, #tpu.memory_space<vmem>>, vector<16xf32>,
      %get3A_829 = arith.index_cast %add3A_801 : i32 to index
      %get3A_830 = arith.constant 16 : index
      %get3A_831 = tpu.vector_load %arg19[%get3A_829, %get3A_830] {strides = array<i32>} : memref<512x32xf32, #tpu.memory_space<vmem>>, vector<16xf32>,
      %get3A_832 = arith.index_cast %add3A_801 : i32 to index
      %get3A_833 = arith.constant 0 : index
      %get3A_834 = tpu.vector_load %arg20[%get3A_832, %get3A_833] {strides = array<i32>} : memref<512x32xf32, #tpu.memory_space<vmem>>, vector<16xf32>,
      %get3A_835 = arith.index_cast %add3A_801 : i32 to index
      %get3A_836 = arith.constant 16 : index
      %get3A_837 = tpu.vector_load %arg20[%get3A_835, %get3A_836] {strides = array<i32>} : memref<512x32xf32, #tpu.memory_space<vmem>>, vector<16xf32>,
      %mul3A_838 = arith.mulf %get3A_804, %get3A_804 : vector<16xf32>
      %mul3A_839 = arith.mulf %get3A_807, %get3A_807 : vector<16xf32>
      %add3A_840 = arith.addf %mul3A_838, %mul3A_839 : vector<16xf32>
      %reduce_sum3A_841 = arith.constant true
      %reduce_sum3A_842 = vector.broadcast %reduce_sum3A_841 : i1 to vector<16xi1>
      %reduce_sum3A_843 = tpu.scan <sum>, %add3A_840 masked %reduce_sum3A_842 : vector<16xf32>, vector<16xi1> -> vector<16xf32>
      %reduce_sum3A_844 = vector.extract %reduce_sum3A_843[15] : f32 from vector<16xf32>
      %mul3A_845 = arith.mulf %get3A_810, %get3A_810 : vector<16xf32>
      %mul3A_846 = arith.mulf %get3A_813, %get3A_813 : vector<16xf32>
      %add3A_847 = arith.addf %mul3A_845, %mul3A_846 : vector<16xf32>
      %reduce_sum3A_848 = arith.constant true
      %reduce_sum3A_849 = vector.broadcast %reduce_sum3A_848 : i1 to vector<16xi1>
      %reduce_sum3A_850 = tpu.scan <sum>, %add3A_847 masked %reduce_sum3A_849 : vector<16xf32>, vector<16xi1> -> vector<16xf32>
      %reduce_sum3A_851 = vector.extract %reduce_sum3A_850[15] : f32 from vector<16xf32>
      %mul3A_852 = arith.mulf %get3A_804, %get3A_810 : vector<16xf32>
      %mul3A_853 = arith.mulf %get3A_807, %get3A_813 : vector<16xf32>
      %add3A_854 = arith.addf %mul3A_852, %mul3A_853 : vector<16xf32>
      %reduce_sum3A_855 = arith.constant true
      %reduce_sum3A_856 = vector.broadcast %reduce_sum3A_855 : i1 to vector<16xi1>
      %reduce_sum3A_857 = tpu.scan <sum>, %add3A_854 masked %reduce_sum3A_856 : vector<16xf32>, vector<16xi1> -> vector<16xf32>
      %reduce_sum3A_858 = vector.extract %reduce_sum3A_857[15] : f32 from vector<16xf32>
      %mul3A_859 = arith.mulf %get3A_816, %get3A_816 : vector<16xf32>
      %mul3A_860 = arith.mulf %get3A_819, %get3A_819 : vector<16xf32>
      %add3A_861 = arith.addf %mul3A_859, %mul3A_860 : vector<16xf32>
      %reduce_sum3A_862 = arith.constant true
      %reduce_sum3A_863 = vector.broadcast %reduce_sum3A_862 : i1 to vector<16xi1>
      %reduce_sum3A_864 = tpu.scan <sum>, %add3A_861 masked %reduce_sum3A_863 : vector<16xf32>, vector<16xi1> -> vector<16xf32>
      %reduce_sum3A_865 = vector.extract %reduce_sum3A_864[15] : f32 from vector<16xf32>
      %mul3A_866 = arith.mulf %get3A_822, %get3A_822 : vector<16xf32>
      %mul3A_867 = arith.mulf %get3A_825, %get3A_825 : vector<16xf32>
      %add3A_868 = arith.addf %mul3A_866, %mul3A_867 : vector<16xf32>
      %reduce_sum3A_869 = arith.constant true
      %reduce_sum3A_870 = vector.broadcast %reduce_sum3A_869 : i1 to vector<16xi1>
      %reduce_sum3A_871 = tpu.scan <sum>, %add3A_868 masked %reduce_sum3A_870 : vector<16xf32>, vector<16xi1> -> vector<16xf32>
      %reduce_sum3A_872 = vector.extract %reduce_sum3A_871[15] : f32 from vector<16xf32>
      %mul3A_873 = arith.mulf %get3A_816, %get3A_822 : vector<16xf32>
      %mul3A_874 = arith.mulf %get3A_819, %get3A_825 : vector<16xf32>
      %add3A_875 = arith.addf %mul3A_873, %mul3A_874 : vector<16xf32>
      %reduce_sum3A_876 = arith.constant true
      %reduce_sum3A_877 = vector.broadcast %reduce_sum3A_876 : i1 to vector<16xi1>
      %reduce_sum3A_878 = tpu.scan <sum>, %add3A_875 masked %reduce_sum3A_877 : vector<16xf32>, vector<16xi1> -> vector<16xf32>
      %reduce_sum3A_879 = vector.extract %reduce_sum3A_878[15] : f32 from vector<16xf32>
      %mul3A_880 = arith.mulf %get3A_828, %get3A_828 : vector<16xf32>
      %mul3A_881 = arith.mulf %get3A_831, %get3A_831 : vector<16xf32>
      %add3A_882 = arith.addf %mul3A_880, %mul3A_881 : vector<16xf32>
      %reduce_sum3A_883 = arith.constant true
      %reduce_sum3A_884 = vector.broadcast %reduce_sum3A_883 : i1 to vector<16xi1>
      %reduce_sum3A_885 = tpu.scan <sum>, %add3A_882 masked %reduce_sum3A_884 : vector<16xf32>, vector<16xi1> -> vector<16xf32>
      %reduce_sum3A_886 = vector.extract %reduce_sum3A_885[15] : f32 from vector<16xf32>
      %mul3A_887 = arith.mulf %get3A_834, %get3A_834 : vector<16xf32>
      %mul3A_888 = arith.mulf %get3A_837, %get3A_837 : vector<16xf32>
      %add3A_889 = arith.addf %mul3A_887, %mul3A_888 : vector<16xf32>
      %reduce_sum3A_890 = arith.constant true
      %reduce_sum3A_891 = vector.broadcast %reduce_sum3A_890 : i1 to vector<16xi1>
      %reduce_sum3A_892 = tpu.scan <sum>, %add3A_889 masked %reduce_sum3A_891 : vector<16xf32>, vector<16xi1> -> vector<16xf32>
      %reduce_sum3A_893 = vector.extract %reduce_sum3A_892[15] : f32 from vector<16xf32>
      %bitcast_convert_type3A_894 = arith.bitcast %reduce_sum3A_844 : f32 to i32
      %shift_right_arithmetic3A_895 = arith.constant 1 : i32
      %shift_right_arithmetic3A_896 = arith.shrsi %bitcast_convert_type3A_894, %shift_right_arithmetic3A_895 : i32
      %sub3A_897 = arith.constant 1597463007 : i32
      %sub3A_898 = arith.subi %sub3A_897, %shift_right_arithmetic3A_896 : i32
      %bitcast_convert_type3A_899 = arith.bitcast %sub3A_898 : i32 to f32
      %mul3A_900 = arith.constant 5.000000e-01 : f32
      %mul3A_901 = arith.mulf %mul3A_900, %reduce_sum3A_844 : f32
      %mul3A_902 = arith.mulf %mul3A_901, %bitcast_convert_type3A_899 : f32
      %mul3A_903 = arith.mulf %mul3A_902, %bitcast_convert_type3A_899 : f32
      %sub3A_904 = arith.constant 1.500000e+00 : f32
      %sub3A_905 = arith.subf %sub3A_904, %mul3A_903 : f32
      %mul3A_906 = arith.mulf %bitcast_convert_type3A_899, %sub3A_905 : f32
      %mul3A_907 = arith.constant 5.000000e-01 : f32
      %mul3A_908 = arith.mulf %mul3A_907, %reduce_sum3A_844 : f32
      %mul3A_909 = arith.mulf %mul3A_908, %mul3A_906 : f32
      %mul3A_910 = arith.mulf %mul3A_909, %mul3A_906 : f32
      %sub3A_911 = arith.constant 1.500000e+00 : f32
      %sub3A_912 = arith.subf %sub3A_911, %mul3A_910 : f32
      %mul3A_913 = arith.mulf %mul3A_906, %sub3A_912 : f32
      %mul3A_914 = arith.constant 5.000000e-01 : f32
      %mul3A_915 = arith.mulf %mul3A_914, %reduce_sum3A_844 : f32
      %mul3A_916 = arith.mulf %mul3A_915, %mul3A_913 : f32
      %mul3A_917 = arith.mulf %mul3A_916, %mul3A_913 : f32
      %sub3A_918 = arith.constant 1.500000e+00 : f32
      %sub3A_919 = arith.subf %sub3A_918, %mul3A_917 : f32
      %mul3A_920 = arith.mulf %mul3A_913, %sub3A_919 : f32
      %min3A_921 = arith.constant 1.000000e+00 : f32
      %min3A_922 = arith.minimumf %min3A_921, %mul3A_920 : f32
      %bitcast_convert_type3A_923 = arith.bitcast %reduce_sum3A_851 : f32 to i32
      %shift_right_arithmetic3A_924 = arith.constant 1 : i32
      %shift_right_arithmetic3A_925 = arith.shrsi %bitcast_convert_type3A_923, %shift_right_arithmetic3A_924 : i32
      %sub3A_926 = arith.constant 1597463007 : i32
      %sub3A_927 = arith.subi %sub3A_926, %shift_right_arithmetic3A_925 : i32
      %bitcast_convert_type3A_928 = arith.bitcast %sub3A_927 : i32 to f32
      %mul3A_929 = arith.constant 5.000000e-01 : f32
      %mul3A_930 = arith.mulf %mul3A_929, %reduce_sum3A_851 : f32
      %mul3A_931 = arith.mulf %mul3A_930, %bitcast_convert_type3A_928 : f32
      %mul3A_932 = arith.mulf %mul3A_931, %bitcast_convert_type3A_928 : f32
      %sub3A_933 = arith.constant 1.500000e+00 : f32
      %sub3A_934 = arith.subf %sub3A_933, %mul3A_932 : f32
      %mul3A_935 = arith.mulf %bitcast_convert_type3A_928, %sub3A_934 : f32
      %mul3A_936 = arith.constant 5.000000e-01 : f32
      %mul3A_937 = arith.mulf %mul3A_936, %reduce_sum3A_851 : f32
      %mul3A_938 = arith.mulf %mul3A_937, %mul3A_935 : f32
      %mul3A_939 = arith.mulf %mul3A_938, %mul3A_935 : f32
      %sub3A_940 = arith.constant 1.500000e+00 : f32
      %sub3A_941 = arith.subf %sub3A_940, %mul3A_939 : f32
      %mul3A_942 = arith.mulf %mul3A_935, %sub3A_941 : f32
      %mul3A_943 = arith.constant 5.000000e-01 : f32
      %mul3A_944 = arith.mulf %mul3A_943, %reduce_sum3A_851 : f32
      %mul3A_945 = arith.mulf %mul3A_944, %mul3A_942 : f32
      %mul3A_946 = arith.mulf %mul3A_945, %mul3A_942 : f32
      %sub3A_947 = arith.constant 1.500000e+00 : f32
      %sub3A_948 = arith.subf %sub3A_947, %mul3A_946 : f32
      %mul3A_949 = arith.mulf %mul3A_942, %sub3A_948 : f32
      %min3A_950 = arith.constant 1.000000e+00 : f32
      %min3A_951 = arith.minimumf %min3A_950, %mul3A_949 : f32
      %bitcast_convert_type3A_952 = arith.bitcast %reduce_sum3A_865 : f32 to i32
      %shift_right_arithmetic3A_953 = arith.constant 1 : i32
      %shift_right_arithmetic3A_954 = arith.shrsi %bitcast_convert_type3A_952, %shift_right_arithmetic3A_953 : i32
      %sub3A_955 = arith.constant 1597463007 : i32
      %sub3A_956 = arith.subi %sub3A_955, %shift_right_arithmetic3A_954 : i32
      %bitcast_convert_type3A_957 = arith.bitcast %sub3A_956 : i32 to f32
      %mul3A_958 = arith.constant 5.000000e-01 : f32
      %mul3A_959 = arith.mulf %mul3A_958, %reduce_sum3A_865 : f32
      %mul3A_960 = arith.mulf %mul3A_959, %bitcast_convert_type3A_957 : f32
      %mul3A_961 = arith.mulf %mul3A_960, %bitcast_convert_type3A_957 : f32
      %sub3A_962 = arith.constant 1.500000e+00 : f32
      %sub3A_963 = arith.subf %sub3A_962, %mul3A_961 : f32
      %mul3A_964 = arith.mulf %bitcast_convert_type3A_957, %sub3A_963 : f32
      %mul3A_965 = arith.constant 5.000000e-01 : f32
      %mul3A_966 = arith.mulf %mul3A_965, %reduce_sum3A_865 : f32
      %mul3A_967 = arith.mulf %mul3A_966, %mul3A_964 : f32
      %mul3A_968 = arith.mulf %mul3A_967, %mul3A_964 : f32
      %sub3A_969 = arith.constant 1.500000e+00 : f32
      %sub3A_970 = arith.subf %sub3A_969, %mul3A_968 : f32
      %mul3A_971 = arith.mulf %mul3A_964, %sub3A_970 : f32
      %mul3A_972 = arith.constant 5.000000e-01 : f32
      %mul3A_973 = arith.mulf %mul3A_972, %reduce_sum3A_865 : f32
      %mul3A_974 = arith.mulf %mul3A_973, %mul3A_971 : f32
      %mul3A_975 = arith.mulf %mul3A_974, %mul3A_971 : f32
      %sub3A_976 = arith.constant 1.500000e+00 : f32
      %sub3A_977 = arith.subf %sub3A_976, %mul3A_975 : f32
      %mul3A_978 = arith.mulf %mul3A_971, %sub3A_977 : f32
      %min3A_979 = arith.constant 1.000000e+00 : f32
      %min3A_980 = arith.minimumf %min3A_979, %mul3A_978 : f32
      %bitcast_convert_type3A_981 = arith.bitcast %reduce_sum3A_872 : f32 to i32
      %shift_right_arithmetic3A_982 = arith.constant 1 : i32
      %shift_right_arithmetic3A_983 = arith.shrsi %bitcast_convert_type3A_981, %shift_right_arithmetic3A_982 : i32
      %sub3A_984 = arith.constant 1597463007 : i32
      %sub3A_985 = arith.subi %sub3A_984, %shift_right_arithmetic3A_983 : i32
      %bitcast_convert_type3A_986 = arith.bitcast %sub3A_985 : i32 to f32
      %mul3A_987 = arith.constant 5.000000e-01 : f32
      %mul3A_988 = arith.mulf %mul3A_987, %reduce_sum3A_872 : f32
      %mul3A_989 = arith.mulf %mul3A_988, %bitcast_convert_type3A_986 : f32
      %mul3A_990 = arith.mulf %mul3A_989, %bitcast_convert_type3A_986 : f32
      %sub3A_991 = arith.constant 1.500000e+00 : f32
      %sub3A_992 = arith.subf %sub3A_991, %mul3A_990 : f32
      %mul3A_993 = arith.mulf %bitcast_convert_type3A_986, %sub3A_992 : f32
      %mul3A_994 = arith.constant 5.000000e-01 : f32
      %mul3A_995 = arith.mulf %mul3A_994, %reduce_sum3A_872 : f32
      %mul3A_996 = arith.mulf %mul3A_995, %mul3A_993 : f32
      %mul3A_997 = arith.mulf %mul3A_996, %mul3A_993 : f32
      %sub3A_998 = arith.constant 1.500000e+00 : f32
      %sub3A_999 = arith.subf %sub3A_998, %mul3A_997 : f32
      %mul3A_1000 = arith.mulf %mul3A_993, %sub3A_999 : f32
      %mul3A_1001 = arith.constant 5.000000e-01 : f32
      %mul3A_1002 = arith.mulf %mul3A_1001, %reduce_sum3A_872 : f32
      %mul3A_1003 = arith.mulf %mul3A_1002, %mul3A_1000 : f32
      %mul3A_1004 = arith.mulf %mul3A_1003, %mul3A_1000 : f32
      %sub3A_1005 = arith.constant 1.500000e+00 : f32
      %sub3A_1006 = arith.subf %sub3A_1005, %mul3A_1004 : f32
      %mul3A_1007 = arith.mulf %mul3A_1000, %sub3A_1006 : f32
      %min3A_1008 = arith.constant 1.000000e+00 : f32
      %min3A_1009 = arith.minimumf %min3A_1008, %mul3A_1007 : f32
      %bitcast_convert_type3A_1010 = arith.bitcast %reduce_sum3A_886 : f32 to i32
      %shift_right_arithmetic3A_1011 = arith.constant 1 : i32
      %shift_right_arithmetic3A_1012 = arith.shrsi %bitcast_convert_type3A_1010, %shift_right_arithmetic3A_1011 : i32
      %sub3A_1013 = arith.constant 1597463007 : i32
      %sub3A_1014 = arith.subi %sub3A_1013, %shift_right_arithmetic3A_1012 : i32
      %bitcast_convert_type3A_1015 = arith.bitcast %sub3A_1014 : i32 to f32
      %mul3A_1016 = arith.constant 5.000000e-01 : f32
      %mul3A_1017 = arith.mulf %mul3A_1016, %reduce_sum3A_886 : f32
      %mul3A_1018 = arith.mulf %mul3A_1017, %bitcast_convert_type3A_1015 : f32
      %mul3A_1019 = arith.mulf %mul3A_1018, %bitcast_convert_type3A_1015 : f32
      %sub3A_1020 = arith.constant 1.500000e+00 : f32
      %sub3A_1021 = arith.subf %sub3A_1020, %mul3A_1019 : f32
      %mul3A_1022 = arith.mulf %bitcast_convert_type3A_1015, %sub3A_1021 : f32
      %mul3A_1023 = arith.constant 5.000000e-01 : f32
      %mul3A_1024 = arith.mulf %mul3A_1023, %reduce_sum3A_886 : f32
      %mul3A_1025 = arith.mulf %mul3A_1024, %mul3A_1022 : f32
      %mul3A_1026 = arith.mulf %mul3A_1025, %mul3A_1022 : f32
      %sub3A_1027 = arith.constant 1.500000e+00 : f32
      %sub3A_1028 = arith.subf %sub3A_1027, %mul3A_1026 : f32
      %mul3A_1029 = arith.mulf %mul3A_1022, %sub3A_1028 : f32
      %mul3A_1030 = arith.constant 5.000000e-01 : f32
      %mul3A_1031 = arith.mulf %mul3A_1030, %reduce_sum3A_886 : f32
      %mul3A_1032 = arith.mulf %mul3A_1031, %mul3A_1029 : f32
      %mul3A_1033 = arith.mulf %mul3A_1032, %mul3A_1029 : f32
      %sub3A_1034 = arith.constant 1.500000e+00 : f32
      %sub3A_1035 = arith.subf %sub3A_1034, %mul3A_1033 : f32
      %mul3A_1036 = arith.mulf %mul3A_1029, %sub3A_1035 : f32
      %min3A_1037 = arith.constant 1.000000e+00 : f32
      %min3A_1038 = arith.minimumf %min3A_1037, %mul3A_1036 : f32
      %bitcast_convert_type3A_1039 = arith.bitcast %reduce_sum3A_893 : f32 to i32
      %shift_right_arithmetic3A_1040 = arith.constant 1 : i32
      %shift_right_arithmetic3A_1041 = arith.shrsi %bitcast_convert_type3A_1039, %shift_right_arithmetic3A_1040 : i32
      %sub3A_1042 = arith.constant 1597463007 : i32
      %sub3A_1043 = arith.subi %sub3A_1042, %shift_right_arithmetic3A_1041 : i32
      %bitcast_convert_type3A_1044 = arith.bitcast %sub3A_1043 : i32 to f32
      %mul3A_1045 = arith.constant 5.000000e-01 : f32
      %mul3A_1046 = arith.mulf %mul3A_1045, %reduce_sum3A_893 : f32
      %mul3A_1047 = arith.mulf %mul3A_1046, %bitcast_convert_type3A_1044 : f32
      %mul3A_1048 = arith.mulf %mul3A_1047, %bitcast_convert_type3A_1044 : f32
      %sub3A_1049 = arith.constant 1.500000e+00 : f32
      %sub3A_1050 = arith.subf %sub3A_1049, %mul3A_1048 : f32
      %mul3A_1051 = arith.mulf %bitcast_convert_type3A_1044, %sub3A_1050 : f32
      %mul3A_1052 = arith.constant 5.000000e-01 : f32
      %mul3A_1053 = arith.mulf %mul3A_1052, %reduce_sum3A_893 : f32
      %mul3A_1054 = arith.mulf %mul3A_1053, %mul3A_1051 : f32
      %mul3A_1055 = arith.mulf %mul3A_1054, %mul3A_1051 : f32
      %sub3A_1056 = arith.constant 1.500000e+00 : f32
      %sub3A_1057 = arith.subf %sub3A_1056, %mul3A_1055 : f32
      %mul3A_1058 = arith.mulf %mul3A_1051, %sub3A_1057 : f32
      %mul3A_1059 = arith.constant 5.000000e-01 : f32
      %mul3A_1060 = arith.mulf %mul3A_1059, %reduce_sum3A_893 : f32
      %mul3A_1061 = arith.mulf %mul3A_1060, %mul3A_1058 : f32
      %mul3A_1062 = arith.mulf %mul3A_1061, %mul3A_1058 : f32
      %sub3A_1063 = arith.constant 1.500000e+00 : f32
      %sub3A_1064 = arith.subf %sub3A_1063, %mul3A_1062 : f32
      %mul3A_1065 = arith.mulf %mul3A_1058, %sub3A_1064 : f32
      %min3A_1066 = arith.constant 1.000000e+00 : f32
      %min3A_1067 = arith.minimumf %min3A_1066, %mul3A_1065 : f32
      %mul3A_1068 = arith.mulf %min3A_1038, %min3A_922 : f32
      %mul3A_1069 = arith.mulf %mul3A_1068, %min3A_951 : f32
      %mul3A_1070 = arith.mulf %mul3A_1069, %reduce_sum3A_858 : f32
      %mul3A_1071 = arith.mulf %min3A_1038, %min3A_980 : f32
      %mul3A_1072 = arith.mulf %mul3A_1071, %min3A_1009 : f32
      %mul3A_1073 = arith.mulf %mul3A_1072, %reduce_sum3A_879 : f32
      %mul3A_1074 = vector.broadcast %mul3A_1070 : f32 to vector<16xf32>
      %mul3A_1075 = arith.mulf %mul3A_1074, %get3A_828 : vector<16xf32>
      %mul3A_1076 = vector.broadcast %min3A_951 : f32 to vector<16xf32>
      %mul3A_1077 = arith.mulf %mul3A_1076, %get3A_810 : vector<16xf32>
      %add3A_1078 = arith.addf %mul3A_1075, %mul3A_1077 : vector<16xf32>
      %swap3A_1079 = arith.index_cast %add3A_801 : i32 to index
      %swap3A_1080 = arith.constant 0 : index
      %swap3A_1081 = tpu.vector_load %arg15[%swap3A_1079, %swap3A_1080] {strides = array<i32>} : memref<512x32xf32, #tpu.memory_space<vmem>>, vector<16xf32>,
      tpu.vector_store %arg15[%swap3A_1079, %swap3A_1080], %add3A_1078 {strides = array<i32>} : memref<512x32xf32, #tpu.memory_space<vmem>>, vector<16xf32>,
      %mul3A_1082 = vector.broadcast %mul3A_1070 : f32 to vector<16xf32>
      %mul3A_1083 = arith.mulf %mul3A_1082, %get3A_831 : vector<16xf32>
      %mul3A_1084 = vector.broadcast %min3A_951 : f32 to vector<16xf32>
      %mul3A_1085 = arith.mulf %mul3A_1084, %get3A_813 : vector<16xf32>
      %add3A_1086 = arith.addf %mul3A_1083, %mul3A_1085 : vector<16xf32>
      %swap3A_1087 = arith.index_cast %add3A_801 : i32 to index
      %swap3A_1088 = arith.constant 16 : index
      %swap3A_1089 = tpu.vector_load %arg15[%swap3A_1087, %swap3A_1088] {strides = array<i32>} : memref<512x32xf32, #tpu.memory_space<vmem>>, vector<16xf32>,
      tpu.vector_store %arg15[%swap3A_1087, %swap3A_1088], %add3A_1086 {strides = array<i32>} : memref<512x32xf32, #tpu.memory_space<vmem>>, vector<16xf32>,
      %mul3A_1090 = vector.broadcast %mul3A_1073 : f32 to vector<16xf32>
      %mul3A_1091 = arith.mulf %mul3A_1090, %get3A_828 : vector<16xf32>
      %mul3A_1092 = vector.broadcast %min3A_1009 : f32 to vector<16xf32>
      %mul3A_1093 = arith.mulf %mul3A_1092, %get3A_822 : vector<16xf32>
      %add3A_1094 = arith.addf %mul3A_1091, %mul3A_1093 : vector<16xf32>
      %swap3A_1095 = arith.index_cast %add3A_801 : i32 to index
      %swap3A_1096 = arith.constant 0 : index
      %swap3A_1097 = tpu.vector_load %arg17[%swap3A_1095, %swap3A_1096] {strides = array<i32>} : memref<512x32xf32, #tpu.memory_space<vmem>>, vector<16xf32>,
      tpu.vector_store %arg17[%swap3A_1095, %swap3A_1096], %add3A_1094 {strides = array<i32>} : memref<512x32xf32, #tpu.memory_space<vmem>>, vector<16xf32>,
      %mul3A_1098 = vector.broadcast %mul3A_1073 : f32 to vector<16xf32>
      %mul3A_1099 = arith.mulf %mul3A_1098, %get3A_831 : vector<16xf32>
      %mul3A_1100 = vector.broadcast %min3A_1009 : f32 to vector<16xf32>
      %mul3A_1101 = arith.mulf %mul3A_1100, %get3A_825 : vector<16xf32>
      %add3A_1102 = arith.addf %mul3A_1099, %mul3A_1101 : vector<16xf32>
      %swap3A_1103 = arith.index_cast %add3A_801 : i32 to index
      %swap3A_1104 = arith.constant 16 : index
      %swap3A_1105 = tpu.vector_load %arg17[%swap3A_1103, %swap3A_1104] {strides = array<i32>} : memref<512x32xf32, #tpu.memory_space<vmem>>, vector<16xf32>,
      tpu.vector_store %arg17[%swap3A_1103, %swap3A_1104], %add3A_1102 {strides = array<i32>} : memref<512x32xf32, #tpu.memory_space<vmem>>, vector<16xf32>,
      %mul3A_1106 = vector.broadcast %min3A_1067 : f32 to vector<16xf32>
      %mul3A_1107 = arith.mulf %mul3A_1106, %get3A_834 : vector<16xf32>
      %swap3A_1108 = arith.index_cast %add3A_801 : i32 to index
      %swap3A_1109 = arith.constant 0 : index
      %swap3A_1110 = tpu.vector_load %arg20[%swap3A_1108, %swap3A_1109] {strides = array<i32>} : memref<512x32xf32, #tpu.memory_space<vmem>>, vector<16xf32>,
      tpu.vector_store %arg20[%swap3A_1108, %swap3A_1109], %mul3A_1107 {strides = array<i32>} : memref<512x32xf32, #tpu.memory_space<vmem>>, vector<16xf32>,
      %mul3A_1111 = vector.broadcast %min3A_1067 : f32 to vector<16xf32>
      %mul3A_1112 = arith.mulf %mul3A_1111, %get3A_837 : vector<16xf32>
      %swap3A_1113 = arith.index_cast %add3A_801 : i32 to index
      %swap3A_1114 = arith.constant 16 : index
      %swap3A_1115 = tpu.vector_load %arg20[%swap3A_1113, %swap3A_1114] {strides = array<i32>} : memref<512x32xf32, #tpu.memory_space<vmem>>, vector<16xf32>,
      tpu.vector_store %arg20[%swap3A_1113, %swap3A_1114], %mul3A_1112 {strides = array<i32>} : memref<512x32xf32, #tpu.memory_space<vmem>>, vector<16xf32>,
      %mul3A_1116 = arith.constant 4 : i32
      %mul3A_1117 = arith.muli %scan3A_486, %mul3A_1116 : i32
      %add3A_1118 = arith.constant 2 : i32
      %add3A_1119 = arith.addi %mul3A_1117, %add3A_1118 : i32
      %get3A_1120 = arith.index_cast %add3A_1119 : i32 to index
      %get3A_1121 = arith.constant 0 : index
      %get3A_1122 = tpu.vector_load %arg15[%get3A_1120, %get3A_1121] {strides = array<i32>} : memref<512x32xf32, #tpu.memory_space<vmem>>, vector<16xf32>,
      %get3A_1123 = arith.index_cast %add3A_1119 : i32 to index
      %get3A_1124 = arith.constant 16 : index
      %get3A_1125 = tpu.vector_load %arg15[%get3A_1123, %get3A_1124] {strides = array<i32>} : memref<512x32xf32, #tpu.memory_space<vmem>>, vector<16xf32>,
      %get3A_1126 = arith.index_cast %add3A_1119 : i32 to index
      %get3A_1127 = arith.constant 0 : index
      %get3A_1128 = tpu.vector_load %arg16[%get3A_1126, %get3A_1127] {strides = array<i32>} : memref<512x32xf32, #tpu.memory_space<vmem>>, vector<16xf32>,
      %get3A_1129 = arith.index_cast %add3A_1119 : i32 to index
      %get3A_1130 = arith.constant 16 : index
      %get3A_1131 = tpu.vector_load %arg16[%get3A_1129, %get3A_1130] {strides = array<i32>} : memref<512x32xf32, #tpu.memory_space<vmem>>, vector<16xf32>,
      %get3A_1132 = arith.index_cast %add3A_1119 : i32 to index
      %get3A_1133 = arith.constant 0 : index
      %get3A_1134 = tpu.vector_load %arg17[%get3A_1132, %get3A_1133] {strides = array<i32>} : memref<512x32xf32, #tpu.memory_space<vmem>>, vector<16xf32>,
      %get3A_1135 = arith.index_cast %add3A_1119 : i32 to index
      %get3A_1136 = arith.constant 16 : index
      %get3A_1137 = tpu.vector_load %arg17[%get3A_1135, %get3A_1136] {strides = array<i32>} : memref<512x32xf32, #tpu.memory_space<vmem>>, vector<16xf32>,
      %get3A_1138 = arith.index_cast %add3A_1119 : i32 to index
      %get3A_1139 = arith.constant 0 : index
      %get3A_1140 = tpu.vector_load %arg18[%get3A_1138, %get3A_1139] {strides = array<i32>} : memref<512x32xf32, #tpu.memory_space<vmem>>, vector<16xf32>,
      %get3A_1141 = arith.index_cast %add3A_1119 : i32 to index
      %get3A_1142 = arith.constant 16 : index
      %get3A_1143 = tpu.vector_load %arg18[%get3A_1141, %get3A_1142] {strides = array<i32>} : memref<512x32xf32, #tpu.memory_space<vmem>>, vector<16xf32>,
      %get3A_1144 = arith.index_cast %add3A_1119 : i32 to index
      %get3A_1145 = arith.constant 0 : index
      %get3A_1146 = tpu.vector_load %arg19[%get3A_1144, %get3A_1145] {strides = array<i32>} : memref<512x32xf32, #tpu.memory_space<vmem>>, vector<16xf32>,
      %get3A_1147 = arith.index_cast %add3A_1119 : i32 to index
      %get3A_1148 = arith.constant 16 : index
      %get3A_1149 = tpu.vector_load %arg19[%get3A_1147, %get3A_1148] {strides = array<i32>} : memref<512x32xf32, #tpu.memory_space<vmem>>, vector<16xf32>,
      %get3A_1150 = arith.index_cast %add3A_1119 : i32 to index
      %get3A_1151 = arith.constant 0 : index
      %get3A_1152 = tpu.vector_load %arg20[%get3A_1150, %get3A_1151] {strides = array<i32>} : memref<512x32xf32, #tpu.memory_space<vmem>>, vector<16xf32>,
      %get3A_1153 = arith.index_cast %add3A_1119 : i32 to index
      %get3A_1154 = arith.constant 16 : index
      %get3A_1155 = tpu.vector_load %arg20[%get3A_1153, %get3A_1154] {strides = array<i32>} : memref<512x32xf32, #tpu.memory_space<vmem>>, vector<16xf32>,
      %mul3A_1156 = arith.mulf %get3A_1122, %get3A_1122 : vector<16xf32>
      %mul3A_1157 = arith.mulf %get3A_1125, %get3A_1125 : vector<16xf32>
      %add3A_1158 = arith.addf %mul3A_1156, %mul3A_1157 : vector<16xf32>
      %reduce_sum3A_1159 = arith.constant true
      %reduce_sum3A_1160 = vector.broadcast %reduce_sum3A_1159 : i1 to vector<16xi1>
      %reduce_sum3A_1161 = tpu.scan <sum>, %add3A_1158 masked %reduce_sum3A_1160 : vector<16xf32>, vector<16xi1> -> vector<16xf32>
      %reduce_sum3A_1162 = vector.extract %reduce_sum3A_1161[15] : f32 from vector<16xf32>
      %mul3A_1163 = arith.mulf %get3A_1128, %get3A_1128 : vector<16xf32>
      %mul3A_1164 = arith.mulf %get3A_1131, %get3A_1131 : vector<16xf32>
      %add3A_1165 = arith.addf %mul3A_1163, %mul3A_1164 : vector<16xf32>
      %reduce_sum3A_1166 = arith.constant true
      %reduce_sum3A_1167 = vector.broadcast %reduce_sum3A_1166 : i1 to vector<16xi1>
      %reduce_sum3A_1168 = tpu.scan <sum>, %add3A_1165 masked %reduce_sum3A_1167 : vector<16xf32>, vector<16xi1> -> vector<16xf32>
      %reduce_sum3A_1169 = vector.extract %reduce_sum3A_1168[15] : f32 from vector<16xf32>
      %mul3A_1170 = arith.mulf %get3A_1122, %get3A_1128 : vector<16xf32>
      %mul3A_1171 = arith.mulf %get3A_1125, %get3A_1131 : vector<16xf32>
      %add3A_1172 = arith.addf %mul3A_1170, %mul3A_1171 : vector<16xf32>
      %reduce_sum3A_1173 = arith.constant true
      %reduce_sum3A_1174 = vector.broadcast %reduce_sum3A_1173 : i1 to vector<16xi1>
      %reduce_sum3A_1175 = tpu.scan <sum>, %add3A_1172 masked %reduce_sum3A_1174 : vector<16xf32>, vector<16xi1> -> vector<16xf32>
      %reduce_sum3A_1176 = vector.extract %reduce_sum3A_1175[15] : f32 from vector<16xf32>
      %mul3A_1177 = arith.mulf %get3A_1134, %get3A_1134 : vector<16xf32>
      %mul3A_1178 = arith.mulf %get3A_1137, %get3A_1137 : vector<16xf32>
      %add3A_1179 = arith.addf %mul3A_1177, %mul3A_1178 : vector<16xf32>
      %reduce_sum3A_1180 = arith.constant true
      %reduce_sum3A_1181 = vector.broadcast %reduce_sum3A_1180 : i1 to vector<16xi1>
      %reduce_sum3A_1182 = tpu.scan <sum>, %add3A_1179 masked %reduce_sum3A_1181 : vector<16xf32>, vector<16xi1> -> vector<16xf32>
      %reduce_sum3A_1183 = vector.extract %reduce_sum3A_1182[15] : f32 from vector<16xf32>
      %mul3A_1184 = arith.mulf %get3A_1140, %get3A_1140 : vector<16xf32>
      %mul3A_1185 = arith.mulf %get3A_1143, %get3A_1143 : vector<16xf32>
      %add3A_1186 = arith.addf %mul3A_1184, %mul3A_1185 : vector<16xf32>
      %reduce_sum3A_1187 = arith.constant true
      %reduce_sum3A_1188 = vector.broadcast %reduce_sum3A_1187 : i1 to vector<16xi1>
      %reduce_sum3A_1189 = tpu.scan <sum>, %add3A_1186 masked %reduce_sum3A_1188 : vector<16xf32>, vector<16xi1> -> vector<16xf32>
      %reduce_sum3A_1190 = vector.extract %reduce_sum3A_1189[15] : f32 from vector<16xf32>
      %mul3A_1191 = arith.mulf %get3A_1134, %get3A_1140 : vector<16xf32>
      %mul3A_1192 = arith.mulf %get3A_1137, %get3A_1143 : vector<16xf32>
      %add3A_1193 = arith.addf %mul3A_1191, %mul3A_1192 : vector<16xf32>
      %reduce_sum3A_1194 = arith.constant true
      %reduce_sum3A_1195 = vector.broadcast %reduce_sum3A_1194 : i1 to vector<16xi1>
      %reduce_sum3A_1196 = tpu.scan <sum>, %add3A_1193 masked %reduce_sum3A_1195 : vector<16xf32>, vector<16xi1> -> vector<16xf32>
      %reduce_sum3A_1197 = vector.extract %reduce_sum3A_1196[15] : f32 from vector<16xf32>
      %mul3A_1198 = arith.mulf %get3A_1146, %get3A_1146 : vector<16xf32>
      %mul3A_1199 = arith.mulf %get3A_1149, %get3A_1149 : vector<16xf32>
      %add3A_1200 = arith.addf %mul3A_1198, %mul3A_1199 : vector<16xf32>
      %reduce_sum3A_1201 = arith.constant true
      %reduce_sum3A_1202 = vector.broadcast %reduce_sum3A_1201 : i1 to vector<16xi1>
      %reduce_sum3A_1203 = tpu.scan <sum>, %add3A_1200 masked %reduce_sum3A_1202 : vector<16xf32>, vector<16xi1> -> vector<16xf32>
      %reduce_sum3A_1204 = vector.extract %reduce_sum3A_1203[15] : f32 from vector<16xf32>
      %mul3A_1205 = arith.mulf %get3A_1152, %get3A_1152 : vector<16xf32>
      %mul3A_1206 = arith.mulf %get3A_1155, %get3A_1155 : vector<16xf32>
      %add3A_1207 = arith.addf %mul3A_1205, %mul3A_1206 : vector<16xf32>
      %reduce_sum3A_1208 = arith.constant true
      %reduce_sum3A_1209 = vector.broadcast %reduce_sum3A_1208 : i1 to vector<16xi1>
      %reduce_sum3A_1210 = tpu.scan <sum>, %add3A_1207 masked %reduce_sum3A_1209 : vector<16xf32>, vector<16xi1> -> vector<16xf32>
      %reduce_sum3A_1211 = vector.extract %reduce_sum3A_1210[15] : f32 from vector<16xf32>
      %bitcast_convert_type3A_1212 = arith.bitcast %reduce_sum3A_1162 : f32 to i32
      %shift_right_arithmetic3A_1213 = arith.constant 1 : i32
      %shift_right_arithmetic3A_1214 = arith.shrsi %bitcast_convert_type3A_1212, %shift_right_arithmetic3A_1213 : i32
      %sub3A_1215 = arith.constant 1597463007 : i32
      %sub3A_1216 = arith.subi %sub3A_1215, %shift_right_arithmetic3A_1214 : i32
      %bitcast_convert_type3A_1217 = arith.bitcast %sub3A_1216 : i32 to f32
      %mul3A_1218 = arith.constant 5.000000e-01 : f32
      %mul3A_1219 = arith.mulf %mul3A_1218, %reduce_sum3A_1162 : f32
      %mul3A_1220 = arith.mulf %mul3A_1219, %bitcast_convert_type3A_1217 : f32
      %mul3A_1221 = arith.mulf %mul3A_1220, %bitcast_convert_type3A_1217 : f32
      %sub3A_1222 = arith.constant 1.500000e+00 : f32
      %sub3A_1223 = arith.subf %sub3A_1222, %mul3A_1221 : f32
      %mul3A_1224 = arith.mulf %bitcast_convert_type3A_1217, %sub3A_1223 : f32
      %mul3A_1225 = arith.constant 5.000000e-01 : f32
      %mul3A_1226 = arith.mulf %mul3A_1225, %reduce_sum3A_1162 : f32
      %mul3A_1227 = arith.mulf %mul3A_1226, %mul3A_1224 : f32
      %mul3A_1228 = arith.mulf %mul3A_1227, %mul3A_1224 : f32
      %sub3A_1229 = arith.constant 1.500000e+00 : f32
      %sub3A_1230 = arith.subf %sub3A_1229, %mul3A_1228 : f32
      %mul3A_1231 = arith.mulf %mul3A_1224, %sub3A_1230 : f32
      %mul3A_1232 = arith.constant 5.000000e-01 : f32
      %mul3A_1233 = arith.mulf %mul3A_1232, %reduce_sum3A_1162 : f32
      %mul3A_1234 = arith.mulf %mul3A_1233, %mul3A_1231 : f32
      %mul3A_1235 = arith.mulf %mul3A_1234, %mul3A_1231 : f32
      %sub3A_1236 = arith.constant 1.500000e+00 : f32
      %sub3A_1237 = arith.subf %sub3A_1236, %mul3A_1235 : f32
      %mul3A_1238 = arith.mulf %mul3A_1231, %sub3A_1237 : f32
      %min3A_1239 = arith.constant 1.000000e+00 : f32
      %min3A_1240 = arith.minimumf %min3A_1239, %mul3A_1238 : f32
      %bitcast_convert_type3A_1241 = arith.bitcast %reduce_sum3A_1169 : f32 to i32
      %shift_right_arithmetic3A_1242 = arith.constant 1 : i32
      %shift_right_arithmetic3A_1243 = arith.shrsi %bitcast_convert_type3A_1241, %shift_right_arithmetic3A_1242 : i32
      %sub3A_1244 = arith.constant 1597463007 : i32
      %sub3A_1245 = arith.subi %sub3A_1244, %shift_right_arithmetic3A_1243 : i32
      %bitcast_convert_type3A_1246 = arith.bitcast %sub3A_1245 : i32 to f32
      %mul3A_1247 = arith.constant 5.000000e-01 : f32
      %mul3A_1248 = arith.mulf %mul3A_1247, %reduce_sum3A_1169 : f32
      %mul3A_1249 = arith.mulf %mul3A_1248, %bitcast_convert_type3A_1246 : f32
      %mul3A_1250 = arith.mulf %mul3A_1249, %bitcast_convert_type3A_1246 : f32
      %sub3A_1251 = arith.constant 1.500000e+00 : f32
      %sub3A_1252 = arith.subf %sub3A_1251, %mul3A_1250 : f32
      %mul3A_1253 = arith.mulf %bitcast_convert_type3A_1246, %sub3A_1252 : f32
      %mul3A_1254 = arith.constant 5.000000e-01 : f32
      %mul3A_1255 = arith.mulf %mul3A_1254, %reduce_sum3A_1169 : f32
      %mul3A_1256 = arith.mulf %mul3A_1255, %mul3A_1253 : f32
      %mul3A_1257 = arith.mulf %mul3A_1256, %mul3A_1253 : f32
      %sub3A_1258 = arith.constant 1.500000e+00 : f32
      %sub3A_1259 = arith.subf %sub3A_1258, %mul3A_1257 : f32
      %mul3A_1260 = arith.mulf %mul3A_1253, %sub3A_1259 : f32
      %mul3A_1261 = arith.constant 5.000000e-01 : f32
      %mul3A_1262 = arith.mulf %mul3A_1261, %reduce_sum3A_1169 : f32
      %mul3A_1263 = arith.mulf %mul3A_1262, %mul3A_1260 : f32
      %mul3A_1264 = arith.mulf %mul3A_1263, %mul3A_1260 : f32
      %sub3A_1265 = arith.constant 1.500000e+00 : f32
      %sub3A_1266 = arith.subf %sub3A_1265, %mul3A_1264 : f32
      %mul3A_1267 = arith.mulf %mul3A_1260, %sub3A_1266 : f32
      %min3A_1268 = arith.constant 1.000000e+00 : f32
      %min3A_1269 = arith.minimumf %min3A_1268, %mul3A_1267 : f32
      %bitcast_convert_type3A_1270 = arith.bitcast %reduce_sum3A_1183 : f32 to i32
      %shift_right_arithmetic3A_1271 = arith.constant 1 : i32
      %shift_right_arithmetic3A_1272 = arith.shrsi %bitcast_convert_type3A_1270, %shift_right_arithmetic3A_1271 : i32
      %sub3A_1273 = arith.constant 1597463007 : i32
      %sub3A_1274 = arith.subi %sub3A_1273, %shift_right_arithmetic3A_1272 : i32
      %bitcast_convert_type3A_1275 = arith.bitcast %sub3A_1274 : i32 to f32
      %mul3A_1276 = arith.constant 5.000000e-01 : f32
      %mul3A_1277 = arith.mulf %mul3A_1276, %reduce_sum3A_1183 : f32
      %mul3A_1278 = arith.mulf %mul3A_1277, %bitcast_convert_type3A_1275 : f32
      %mul3A_1279 = arith.mulf %mul3A_1278, %bitcast_convert_type3A_1275 : f32
      %sub3A_1280 = arith.constant 1.500000e+00 : f32
      %sub3A_1281 = arith.subf %sub3A_1280, %mul3A_1279 : f32
      %mul3A_1282 = arith.mulf %bitcast_convert_type3A_1275, %sub3A_1281 : f32
      %mul3A_1283 = arith.constant 5.000000e-01 : f32
      %mul3A_1284 = arith.mulf %mul3A_1283, %reduce_sum3A_1183 : f32
      %mul3A_1285 = arith.mulf %mul3A_1284, %mul3A_1282 : f32
      %mul3A_1286 = arith.mulf %mul3A_1285, %mul3A_1282 : f32
      %sub3A_1287 = arith.constant 1.500000e+00 : f32
      %sub3A_1288 = arith.subf %sub3A_1287, %mul3A_1286 : f32
      %mul3A_1289 = arith.mulf %mul3A_1282, %sub3A_1288 : f32
      %mul3A_1290 = arith.constant 5.000000e-01 : f32
      %mul3A_1291 = arith.mulf %mul3A_1290, %reduce_sum3A_1183 : f32
      %mul3A_1292 = arith.mulf %mul3A_1291, %mul3A_1289 : f32
      %mul3A_1293 = arith.mulf %mul3A_1292, %mul3A_1289 : f32
      %sub3A_1294 = arith.constant 1.500000e+00 : f32
      %sub3A_1295 = arith.subf %sub3A_1294, %mul3A_1293 : f32
      %mul3A_1296 = arith.mulf %mul3A_1289, %sub3A_1295 : f32
      %min3A_1297 = arith.constant 1.000000e+00 : f32
      %min3A_1298 = arith.minimumf %min3A_1297, %mul3A_1296 : f32
      %bitcast_convert_type3A_1299 = arith.bitcast %reduce_sum3A_1190 : f32 to i32
      %shift_right_arithmetic3A_1300 = arith.constant 1 : i32
      %shift_right_arithmetic3A_1301 = arith.shrsi %bitcast_convert_type3A_1299, %shift_right_arithmetic3A_1300 : i32
      %sub3A_1302 = arith.constant 1597463007 : i32
      %sub3A_1303 = arith.subi %sub3A_1302, %shift_right_arithmetic3A_1301 : i32
      %bitcast_convert_type3A_1304 = arith.bitcast %sub3A_1303 : i32 to f32
      %mul3A_1305 = arith.constant 5.000000e-01 : f32
      %mul3A_1306 = arith.mulf %mul3A_1305, %reduce_sum3A_1190 : f32
      %mul3A_1307 = arith.mulf %mul3A_1306, %bitcast_convert_type3A_1304 : f32
      %mul3A_1308 = arith.mulf %mul3A_1307, %bitcast_convert_type3A_1304 : f32
      %sub3A_1309 = arith.constant 1.500000e+00 : f32
      %sub3A_1310 = arith.subf %sub3A_1309, %mul3A_1308 : f32
      %mul3A_1311 = arith.mulf %bitcast_convert_type3A_1304, %sub3A_1310 : f32
      %mul3A_1312 = arith.constant 5.000000e-01 : f32
      %mul3A_1313 = arith.mulf %mul3A_1312, %reduce_sum3A_1190 : f32
      %mul3A_1314 = arith.mulf %mul3A_1313, %mul3A_1311 : f32
      %mul3A_1315 = arith.mulf %mul3A_1314, %mul3A_1311 : f32
      %sub3A_1316 = arith.constant 1.500000e+00 : f32
      %sub3A_1317 = arith.subf %sub3A_1316, %mul3A_1315 : f32
      %mul3A_1318 = arith.mulf %mul3A_1311, %sub3A_1317 : f32
      %mul3A_1319 = arith.constant 5.000000e-01 : f32
      %mul3A_1320 = arith.mulf %mul3A_1319, %reduce_sum3A_1190 : f32
      %mul3A_1321 = arith.mulf %mul3A_1320, %mul3A_1318 : f32
      %mul3A_1322 = arith.mulf %mul3A_1321, %mul3A_1318 : f32
      %sub3A_1323 = arith.constant 1.500000e+00 : f32
      %sub3A_1324 = arith.subf %sub3A_1323, %mul3A_1322 : f32
      %mul3A_1325 = arith.mulf %mul3A_1318, %sub3A_1324 : f32
      %min3A_1326 = arith.constant 1.000000e+00 : f32
      %min3A_1327 = arith.minimumf %min3A_1326, %mul3A_1325 : f32
      %bitcast_convert_type3A_1328 = arith.bitcast %reduce_sum3A_1204 : f32 to i32
      %shift_right_arithmetic3A_1329 = arith.constant 1 : i32
      %shift_right_arithmetic3A_1330 = arith.shrsi %bitcast_convert_type3A_1328, %shift_right_arithmetic3A_1329 : i32
      %sub3A_1331 = arith.constant 1597463007 : i32
      %sub3A_1332 = arith.subi %sub3A_1331, %shift_right_arithmetic3A_1330 : i32
      %bitcast_convert_type3A_1333 = arith.bitcast %sub3A_1332 : i32 to f32
      %mul3A_1334 = arith.constant 5.000000e-01 : f32
      %mul3A_1335 = arith.mulf %mul3A_1334, %reduce_sum3A_1204 : f32
      %mul3A_1336 = arith.mulf %mul3A_1335, %bitcast_convert_type3A_1333 : f32
      %mul3A_1337 = arith.mulf %mul3A_1336, %bitcast_convert_type3A_1333 : f32
      %sub3A_1338 = arith.constant 1.500000e+00 : f32
      %sub3A_1339 = arith.subf %sub3A_1338, %mul3A_1337 : f32
      %mul3A_1340 = arith.mulf %bitcast_convert_type3A_1333, %sub3A_1339 : f32
      %mul3A_1341 = arith.constant 5.000000e-01 : f32
      %mul3A_1342 = arith.mulf %mul3A_1341, %reduce_sum3A_1204 : f32
      %mul3A_1343 = arith.mulf %mul3A_1342, %mul3A_1340 : f32
      %mul3A_1344 = arith.mulf %mul3A_1343, %mul3A_1340 : f32
      %sub3A_1345 = arith.constant 1.500000e+00 : f32
      %sub3A_1346 = arith.subf %sub3A_1345, %mul3A_1344 : f32
      %mul3A_1347 = arith.mulf %mul3A_1340, %sub3A_1346 : f32
      %mul3A_1348 = arith.constant 5.000000e-01 : f32
      %mul3A_1349 = arith.mulf %mul3A_1348, %reduce_sum3A_1204 : f32
      %mul3A_1350 = arith.mulf %mul3A_1349, %mul3A_1347 : f32
      %mul3A_1351 = arith.mulf %mul3A_1350, %mul3A_1347 : f32
      %sub3A_1352 = arith.constant 1.500000e+00 : f32
      %sub3A_1353 = arith.subf %sub3A_1352, %mul3A_1351 : f32
      %mul3A_1354 = arith.mulf %mul3A_1347, %sub3A_1353 : f32
      %min3A_1355 = arith.constant 1.000000e+00 : f32
      %min3A_1356 = arith.minimumf %min3A_1355, %mul3A_1354 : f32
      %bitcast_convert_type3A_1357 = arith.bitcast %reduce_sum3A_1211 : f32 to i32
      %shift_right_arithmetic3A_1358 = arith.constant 1 : i32
      %shift_right_arithmetic3A_1359 = arith.shrsi %bitcast_convert_type3A_1357, %shift_right_arithmetic3A_1358 : i32
      %sub3A_1360 = arith.constant 1597463007 : i32
      %sub3A_1361 = arith.subi %sub3A_1360, %shift_right_arithmetic3A_1359 : i32
      %bitcast_convert_type3A_1362 = arith.bitcast %sub3A_1361 : i32 to f32
      %mul3A_1363 = arith.constant 5.000000e-01 : f32
      %mul3A_1364 = arith.mulf %mul3A_1363, %reduce_sum3A_1211 : f32
      %mul3A_1365 = arith.mulf %mul3A_1364, %bitcast_convert_type3A_1362 : f32
      %mul3A_1366 = arith.mulf %mul3A_1365, %bitcast_convert_type3A_1362 : f32
      %sub3A_1367 = arith.constant 1.500000e+00 : f32
      %sub3A_1368 = arith.subf %sub3A_1367, %mul3A_1366 : f32
      %mul3A_1369 = arith.mulf %bitcast_convert_type3A_1362, %sub3A_1368 : f32
      %mul3A_1370 = arith.constant 5.000000e-01 : f32
      %mul3A_1371 = arith.mulf %mul3A_1370, %reduce_sum3A_1211 : f32
      %mul3A_1372 = arith.mulf %mul3A_1371, %mul3A_1369 : f32
      %mul3A_1373 = arith.mulf %mul3A_1372, %mul3A_1369 : f32
      %sub3A_1374 = arith.constant 1.500000e+00 : f32
      %sub3A_1375 = arith.subf %sub3A_1374, %mul3A_1373 : f32
      %mul3A_1376 = arith.mulf %mul3A_1369, %sub3A_1375 : f32
      %mul3A_1377 = arith.constant 5.000000e-01 : f32
      %mul3A_1378 = arith.mulf %mul3A_1377, %reduce_sum3A_1211 : f32
      %mul3A_1379 = arith.mulf %mul3A_1378, %mul3A_1376 : f32
      %mul3A_1380 = arith.mulf %mul3A_1379, %mul3A_1376 : f32
      %sub3A_1381 = arith.constant 1.500000e+00 : f32
      %sub3A_1382 = arith.subf %sub3A_1381, %mul3A_1380 : f32
      %mul3A_1383 = arith.mulf %mul3A_1376, %sub3A_1382 : f32
      %min3A_1384 = arith.constant 1.000000e+00 : f32
      %min3A_1385 = arith.minimumf %min3A_1384, %mul3A_1383 : f32
      %mul3A_1386 = arith.mulf %min3A_1356, %min3A_1240 : f32
      %mul3A_1387 = arith.mulf %mul3A_1386, %min3A_1269 : f32
      %mul3A_1388 = arith.mulf %mul3A_1387, %reduce_sum3A_1176 : f32
      %mul3A_1389 = arith.mulf %min3A_1356, %min3A_1298 : f32
      %mul3A_1390 = arith.mulf %mul3A_1389, %min3A_1327 : f32
      %mul3A_1391 = arith.mulf %mul3A_1390, %reduce_sum3A_1197 : f32
      %mul3A_1392 = vector.broadcast %mul3A_1388 : f32 to vector<16xf32>
      %mul3A_1393 = arith.mulf %mul3A_1392, %get3A_1146 : vector<16xf32>
      %mul3A_1394 = vector.broadcast %min3A_1269 : f32 to vector<16xf32>
      %mul3A_1395 = arith.mulf %mul3A_1394, %get3A_1128 : vector<16xf32>
      %add3A_1396 = arith.addf %mul3A_1393, %mul3A_1395 : vector<16xf32>
      %swap3A_1397 = arith.index_cast %add3A_1119 : i32 to index
      %swap3A_1398 = arith.constant 0 : index
      %swap3A_1399 = tpu.vector_load %arg15[%swap3A_1397, %swap3A_1398] {strides = array<i32>} : memref<512x32xf32, #tpu.memory_space<vmem>>, vector<16xf32>,
      tpu.vector_store %arg15[%swap3A_1397, %swap3A_1398], %add3A_1396 {strides = array<i32>} : memref<512x32xf32, #tpu.memory_space<vmem>>, vector<16xf32>,
      %mul3A_1400 = vector.broadcast %mul3A_1388 : f32 to vector<16xf32>
      %mul3A_1401 = arith.mulf %mul3A_1400, %get3A_1149 : vector<16xf32>
      %mul3A_1402 = vector.broadcast %min3A_1269 : f32 to vector<16xf32>
      %mul3A_1403 = arith.mulf %mul3A_1402, %get3A_1131 : vector<16xf32>
      %add3A_1404 = arith.addf %mul3A_1401, %mul3A_1403 : vector<16xf32>
      %swap3A_1405 = arith.index_cast %add3A_1119 : i32 to index
      %swap3A_1406 = arith.constant 16 : index
      %swap3A_1407 = tpu.vector_load %arg15[%swap3A_1405, %swap3A_1406] {strides = array<i32>} : memref<512x32xf32, #tpu.memory_space<vmem>>, vector<16xf32>,
      tpu.vector_store %arg15[%swap3A_1405, %swap3A_1406], %add3A_1404 {strides = array<i32>} : memref<512x32xf32, #tpu.memory_space<vmem>>, vector<16xf32>,
      %mul3A_1408 = vector.broadcast %mul3A_1391 : f32 to vector<16xf32>
      %mul3A_1409 = arith.mulf %mul3A_1408, %get3A_1146 : vector<16xf32>
      %mul3A_1410 = vector.broadcast %min3A_1327 : f32 to vector<16xf32>
      %mul3A_1411 = arith.mulf %mul3A_1410, %get3A_1140 : vector<16xf32>
      %add3A_1412 = arith.addf %mul3A_1409, %mul3A_1411 : vector<16xf32>
      %swap3A_1413 = arith.index_cast %add3A_1119 : i32 to index
      %swap3A_1414 = arith.constant 0 : index
      %swap3A_1415 = tpu.vector_load %arg17[%swap3A_1413, %swap3A_1414] {strides = array<i32>} : memref<512x32xf32, #tpu.memory_space<vmem>>, vector<16xf32>,
      tpu.vector_store %arg17[%swap3A_1413, %swap3A_1414], %add3A_1412 {strides = array<i32>} : memref<512x32xf32, #tpu.memory_space<vmem>>, vector<16xf32>,
      %mul3A_1416 = vector.broadcast %mul3A_1391 : f32 to vector<16xf32>
      %mul3A_1417 = arith.mulf %mul3A_1416, %get3A_1149 : vector<16xf32>
      %mul3A_1418 = vector.broadcast %min3A_1327 : f32 to vector<16xf32>
      %mul3A_1419 = arith.mulf %mul3A_1418, %get3A_1143 : vector<16xf32>
      %add3A_1420 = arith.addf %mul3A_1417, %mul3A_1419 : vector<16xf32>
      %swap3A_1421 = arith.index_cast %add3A_1119 : i32 to index
      %swap3A_1422 = arith.constant 16 : index
      %swap3A_1423 = tpu.vector_load %arg17[%swap3A_1421, %swap3A_1422] {strides = array<i32>} : memref<512x32xf32, #tpu.memory_space<vmem>>, vector<16xf32>,
      tpu.vector_store %arg17[%swap3A_1421, %swap3A_1422], %add3A_1420 {strides = array<i32>} : memref<512x32xf32, #tpu.memory_space<vmem>>, vector<16xf32>,
      %mul3A_1424 = vector.broadcast %min3A_1385 : f32 to vector<16xf32>
      %mul3A_1425 = arith.mulf %mul3A_1424, %get3A_1152 : vector<16xf32>
      %swap3A_1426 = arith.index_cast %add3A_1119 : i32 to index
      %swap3A_1427 = arith.constant 0 : index
      %swap3A_1428 = tpu.vector_load %arg20[%swap3A_1426, %swap3A_1427] {strides = array<i32>} : memref<512x32xf32, #tpu.memory_space<vmem>>, vector<16xf32>,
      tpu.vector_store %arg20[%swap3A_1426, %swap3A_1427], %mul3A_1425 {strides = array<i32>} : memref<512x32xf32, #tpu.memory_space<vmem>>, vector<16xf32>,
      %mul3A_1429 = vector.broadcast %min3A_1385 : f32 to vector<16xf32>
      %mul3A_1430 = arith.mulf %mul3A_1429, %get3A_1155 : vector<16xf32>
      %swap3A_1431 = arith.index_cast %add3A_1119 : i32 to index
      %swap3A_1432 = arith.constant 16 : index
      %swap3A_1433 = tpu.vector_load %arg20[%swap3A_1431, %swap3A_1432] {strides = array<i32>} : memref<512x32xf32, #tpu.memory_space<vmem>>, vector<16xf32>,
      tpu.vector_store %arg20[%swap3A_1431, %swap3A_1432], %mul3A_1430 {strides = array<i32>} : memref<512x32xf32, #tpu.memory_space<vmem>>, vector<16xf32>,
      %mul3A_1434 = arith.constant 4 : i32
      %mul3A_1435 = arith.muli %scan3A_486, %mul3A_1434 : i32
      %add3A_1436 = arith.constant 3 : i32
      %add3A_1437 = arith.addi %mul3A_1435, %add3A_1436 : i32
      %get3A_1438 = arith.index_cast %add3A_1437 : i32 to index
      %get3A_1439 = arith.constant 0 : index
      %get3A_1440 = tpu.vector_load %arg15[%get3A_1438, %get3A_1439] {strides = array<i32>} : memref<512x32xf32, #tpu.memory_space<vmem>>, vector<16xf32>,
      %get3A_1441 = arith.index_cast %add3A_1437 : i32 to index
      %get3A_1442 = arith.constant 16 : index
      %get3A_1443 = tpu.vector_load %arg15[%get3A_1441, %get3A_1442] {strides = array<i32>} : memref<512x32xf32, #tpu.memory_space<vmem>>, vector<16xf32>,
      %get3A_1444 = arith.index_cast %add3A_1437 : i32 to index
      %get3A_1445 = arith.constant 0 : index
      %get3A_1446 = tpu.vector_load %arg16[%get3A_1444, %get3A_1445] {strides = array<i32>} : memref<512x32xf32, #tpu.memory_space<vmem>>, vector<16xf32>,
      %get3A_1447 = arith.index_cast %add3A_1437 : i32 to index
      %get3A_1448 = arith.constant 16 : index
      %get3A_1449 = tpu.vector_load %arg16[%get3A_1447, %get3A_1448] {strides = array<i32>} : memref<512x32xf32, #tpu.memory_space<vmem>>, vector<16xf32>,
      %get3A_1450 = arith.index_cast %add3A_1437 : i32 to index
      %get3A_1451 = arith.constant 0 : index
      %get3A_1452 = tpu.vector_load %arg17[%get3A_1450, %get3A_1451] {strides = array<i32>} : memref<512x32xf32, #tpu.memory_space<vmem>>, vector<16xf32>,
      %get3A_1453 = arith.index_cast %add3A_1437 : i32 to index
      %get3A_1454 = arith.constant 16 : index
      %get3A_1455 = tpu.vector_load %arg17[%get3A_1453, %get3A_1454] {strides = array<i32>} : memref<512x32xf32, #tpu.memory_space<vmem>>, vector<16xf32>,
      %get3A_1456 = arith.index_cast %add3A_1437 : i32 to index
      %get3A_1457 = arith.constant 0 : index
      %get3A_1458 = tpu.vector_load %arg18[%get3A_1456, %get3A_1457] {strides = array<i32>} : memref<512x32xf32, #tpu.memory_space<vmem>>, vector<16xf32>,
      %get3A_1459 = arith.index_cast %add3A_1437 : i32 to index
      %get3A_1460 = arith.constant 16 : index
      %get3A_1461 = tpu.vector_load %arg18[%get3A_1459, %get3A_1460] {strides = array<i32>} : memref<512x32xf32, #tpu.memory_space<vmem>>, vector<16xf32>,
      %get3A_1462 = arith.index_cast %add3A_1437 : i32 to index
      %get3A_1463 = arith.constant 0 : index
      %get3A_1464 = tpu.vector_load %arg19[%get3A_1462, %get3A_1463] {strides = array<i32>} : memref<512x32xf32, #tpu.memory_space<vmem>>, vector<16xf32>,
      %get3A_1465 = arith.index_cast %add3A_1437 : i32 to index
      %get3A_1466 = arith.constant 16 : index
      %get3A_1467 = tpu.vector_load %arg19[%get3A_1465, %get3A_1466] {strides = array<i32>} : memref<512x32xf32, #tpu.memory_space<vmem>>, vector<16xf32>,
      %get3A_1468 = arith.index_cast %add3A_1437 : i32 to index
      %get3A_1469 = arith.constant 0 : index
      %get3A_1470 = tpu.vector_load %arg20[%get3A_1468, %get3A_1469] {strides = array<i32>} : memref<512x32xf32, #tpu.memory_space<vmem>>, vector<16xf32>,
      %get3A_1471 = arith.index_cast %add3A_1437 : i32 to index
      %get3A_1472 = arith.constant 16 : index
      %get3A_1473 = tpu.vector_load %arg20[%get3A_1471, %get3A_1472] {strides = array<i32>} : memref<512x32xf32, #tpu.memory_space<vmem>>, vector<16xf32>,
      %mul3A_1474 = arith.mulf %get3A_1440, %get3A_1440 : vector<16xf32>
      %mul3A_1475 = arith.mulf %get3A_1443, %get3A_1443 : vector<16xf32>
      %add3A_1476 = arith.addf %mul3A_1474, %mul3A_1475 : vector<16xf32>
      %reduce_sum3A_1477 = arith.constant true
      %reduce_sum3A_1478 = vector.broadcast %reduce_sum3A_1477 : i1 to vector<16xi1>
      %reduce_sum3A_1479 = tpu.scan <sum>, %add3A_1476 masked %reduce_sum3A_1478 : vector<16xf32>, vector<16xi1> -> vector<16xf32>
      %reduce_sum3A_1480 = vector.extract %reduce_sum3A_1479[15] : f32 from vector<16xf32>
      %mul3A_1481 = arith.mulf %get3A_1446, %get3A_1446 : vector<16xf32>
      %mul3A_1482 = arith.mulf %get3A_1449, %get3A_1449 : vector<16xf32>
      %add3A_1483 = arith.addf %mul3A_1481, %mul3A_1482 : vector<16xf32>
      %reduce_sum3A_1484 = arith.constant true
      %reduce_sum3A_1485 = vector.broadcast %reduce_sum3A_1484 : i1 to vector<16xi1>
      %reduce_sum3A_1486 = tpu.scan <sum>, %add3A_1483 masked %reduce_sum3A_1485 : vector<16xf32>, vector<16xi1> -> vector<16xf32>
      %reduce_sum3A_1487 = vector.extract %reduce_sum3A_1486[15] : f32 from vector<16xf32>
      %mul3A_1488 = arith.mulf %get3A_1440, %get3A_1446 : vector<16xf32>
      %mul3A_1489 = arith.mulf %get3A_1443, %get3A_1449 : vector<16xf32>
      %add3A_1490 = arith.addf %mul3A_1488, %mul3A_1489 : vector<16xf32>
      %reduce_sum3A_1491 = arith.constant true
      %reduce_sum3A_1492 = vector.broadcast %reduce_sum3A_1491 : i1 to vector<16xi1>
      %reduce_sum3A_1493 = tpu.scan <sum>, %add3A_1490 masked %reduce_sum3A_1492 : vector<16xf32>, vector<16xi1> -> vector<16xf32>
      %reduce_sum3A_1494 = vector.extract %reduce_sum3A_1493[15] : f32 from vector<16xf32>
      %mul3A_1495 = arith.mulf %get3A_1452, %get3A_1452 : vector<16xf32>
      %mul3A_1496 = arith.mulf %get3A_1455, %get3A_1455 : vector<16xf32>
      %add3A_1497 = arith.addf %mul3A_1495, %mul3A_1496 : vector<16xf32>
      %reduce_sum3A_1498 = arith.constant true
      %reduce_sum3A_1499 = vector.broadcast %reduce_sum3A_1498 : i1 to vector<16xi1>
      %reduce_sum3A_1500 = tpu.scan <sum>, %add3A_1497 masked %reduce_sum3A_1499 : vector<16xf32>, vector<16xi1> -> vector<16xf32>
      %reduce_sum3A_1501 = vector.extract %reduce_sum3A_1500[15] : f32 from vector<16xf32>
      %mul3A_1502 = arith.mulf %get3A_1458, %get3A_1458 : vector<16xf32>
      %mul3A_1503 = arith.mulf %get3A_1461, %get3A_1461 : vector<16xf32>
      %add3A_1504 = arith.addf %mul3A_1502, %mul3A_1503 : vector<16xf32>
      %reduce_sum3A_1505 = arith.constant true
      %reduce_sum3A_1506 = vector.broadcast %reduce_sum3A_1505 : i1 to vector<16xi1>
      %reduce_sum3A_1507 = tpu.scan <sum>, %add3A_1504 masked %reduce_sum3A_1506 : vector<16xf32>, vector<16xi1> -> vector<16xf32>
      %reduce_sum3A_1508 = vector.extract %reduce_sum3A_1507[15] : f32 from vector<16xf32>
      %mul3A_1509 = arith.mulf %get3A_1452, %get3A_1458 : vector<16xf32>
      %mul3A_1510 = arith.mulf %get3A_1455, %get3A_1461 : vector<16xf32>
      %add3A_1511 = arith.addf %mul3A_1509, %mul3A_1510 : vector<16xf32>
      %reduce_sum3A_1512 = arith.constant true
      %reduce_sum3A_1513 = vector.broadcast %reduce_sum3A_1512 : i1 to vector<16xi1>
      %reduce_sum3A_1514 = tpu.scan <sum>, %add3A_1511 masked %reduce_sum3A_1513 : vector<16xf32>, vector<16xi1> -> vector<16xf32>
      %reduce_sum3A_1515 = vector.extract %reduce_sum3A_1514[15] : f32 from vector<16xf32>
      %mul3A_1516 = arith.mulf %get3A_1464, %get3A_1464 : vector<16xf32>
      %mul3A_1517 = arith.mulf %get3A_1467, %get3A_1467 : vector<16xf32>
      %add3A_1518 = arith.addf %mul3A_1516, %mul3A_1517 : vector<16xf32>
      %reduce_sum3A_1519 = arith.constant true
      %reduce_sum3A_1520 = vector.broadcast %reduce_sum3A_1519 : i1 to vector<16xi1>
      %reduce_sum3A_1521 = tpu.scan <sum>, %add3A_1518 masked %reduce_sum3A_1520 : vector<16xf32>, vector<16xi1> -> vector<16xf32>
      %reduce_sum3A_1522 = vector.extract %reduce_sum3A_1521[15] : f32 from vector<16xf32>
      %mul3A_1523 = arith.mulf %get3A_1470, %get3A_1470 : vector<16xf32>
      %mul3A_1524 = arith.mulf %get3A_1473, %get3A_1473 : vector<16xf32>
      %add3A_1525 = arith.addf %mul3A_1523, %mul3A_1524 : vector<16xf32>
      %reduce_sum3A_1526 = arith.constant true
      %reduce_sum3A_1527 = vector.broadcast %reduce_sum3A_1526 : i1 to vector<16xi1>
      %reduce_sum3A_1528 = tpu.scan <sum>, %add3A_1525 masked %reduce_sum3A_1527 : vector<16xf32>, vector<16xi1> -> vector<16xf32>
      %reduce_sum3A_1529 = vector.extract %reduce_sum3A_1528[15] : f32 from vector<16xf32>
      %bitcast_convert_type3A_1530 = arith.bitcast %reduce_sum3A_1480 : f32 to i32
      %shift_right_arithmetic3A_1531 = arith.constant 1 : i32
      %shift_right_arithmetic3A_1532 = arith.shrsi %bitcast_convert_type3A_1530, %shift_right_arithmetic3A_1531 : i32
      %sub3A_1533 = arith.constant 1597463007 : i32
      %sub3A_1534 = arith.subi %sub3A_1533, %shift_right_arithmetic3A_1532 : i32
      %bitcast_convert_type3A_1535 = arith.bitcast %sub3A_1534 : i32 to f32
      %mul3A_1536 = arith.constant 5.000000e-01 : f32
      %mul3A_1537 = arith.mulf %mul3A_1536, %reduce_sum3A_1480 : f32
      %mul3A_1538 = arith.mulf %mul3A_1537, %bitcast_convert_type3A_1535 : f32
      %mul3A_1539 = arith.mulf %mul3A_1538, %bitcast_convert_type3A_1535 : f32
      %sub3A_1540 = arith.constant 1.500000e+00 : f32
      %sub3A_1541 = arith.subf %sub3A_1540, %mul3A_1539 : f32
      %mul3A_1542 = arith.mulf %bitcast_convert_type3A_1535, %sub3A_1541 : f32
      %mul3A_1543 = arith.constant 5.000000e-01 : f32
      %mul3A_1544 = arith.mulf %mul3A_1543, %reduce_sum3A_1480 : f32
      %mul3A_1545 = arith.mulf %mul3A_1544, %mul3A_1542 : f32
      %mul3A_1546 = arith.mulf %mul3A_1545, %mul3A_1542 : f32
      %sub3A_1547 = arith.constant 1.500000e+00 : f32
      %sub3A_1548 = arith.subf %sub3A_1547, %mul3A_1546 : f32
      %mul3A_1549 = arith.mulf %mul3A_1542, %sub3A_1548 : f32
      %mul3A_1550 = arith.constant 5.000000e-01 : f32
      %mul3A_1551 = arith.mulf %mul3A_1550, %reduce_sum3A_1480 : f32
      %mul3A_1552 = arith.mulf %mul3A_1551, %mul3A_1549 : f32
      %mul3A_1553 = arith.mulf %mul3A_1552, %mul3A_1549 : f32
      %sub3A_1554 = arith.constant 1.500000e+00 : f32
      %sub3A_1555 = arith.subf %sub3A_1554, %mul3A_1553 : f32
      %mul3A_1556 = arith.mulf %mul3A_1549, %sub3A_1555 : f32
      %min3A_1557 = arith.constant 1.000000e+00 : f32
      %min3A_1558 = arith.minimumf %min3A_1557, %mul3A_1556 : f32
      %bitcast_convert_type3A_1559 = arith.bitcast %reduce_sum3A_1487 : f32 to i32
      %shift_right_arithmetic3A_1560 = arith.constant 1 : i32
      %shift_right_arithmetic3A_1561 = arith.shrsi %bitcast_convert_type3A_1559, %shift_right_arithmetic3A_1560 : i32
      %sub3A_1562 = arith.constant 1597463007 : i32
      %sub3A_1563 = arith.subi %sub3A_1562, %shift_right_arithmetic3A_1561 : i32
      %bitcast_convert_type3A_1564 = arith.bitcast %sub3A_1563 : i32 to f32
      %mul3A_1565 = arith.constant 5.000000e-01 : f32
      %mul3A_1566 = arith.mulf %mul3A_1565, %reduce_sum3A_1487 : f32
      %mul3A_1567 = arith.mulf %mul3A_1566, %bitcast_convert_type3A_1564 : f32
      %mul3A_1568 = arith.mulf %mul3A_1567, %bitcast_convert_type3A_1564 : f32
      %sub3A_1569 = arith.constant 1.500000e+00 : f32
      %sub3A_1570 = arith.subf %sub3A_1569, %mul3A_1568 : f32
      %mul3A_1571 = arith.mulf %bitcast_convert_type3A_1564, %sub3A_1570 : f32
      %mul3A_1572 = arith.constant 5.000000e-01 : f32
      %mul3A_1573 = arith.mulf %mul3A_1572, %reduce_sum3A_1487 : f32
      %mul3A_1574 = arith.mulf %mul3A_1573, %mul3A_1571 : f32
      %mul3A_1575 = arith.mulf %mul3A_1574, %mul3A_1571 : f32
      %sub3A_1576 = arith.constant 1.500000e+00 : f32
      %sub3A_1577 = arith.subf %sub3A_1576, %mul3A_1575 : f32
      %mul3A_1578 = arith.mulf %mul3A_1571, %sub3A_1577 : f32
      %mul3A_1579 = arith.constant 5.000000e-01 : f32
      %mul3A_1580 = arith.mulf %mul3A_1579, %reduce_sum3A_1487 : f32
      %mul3A_1581 = arith.mulf %mul3A_1580, %mul3A_1578 : f32
      %mul3A_1582 = arith.mulf %mul3A_1581, %mul3A_1578 : f32
      %sub3A_1583 = arith.constant 1.500000e+00 : f32
      %sub3A_1584 = arith.subf %sub3A_1583, %mul3A_1582 : f32
      %mul3A_1585 = arith.mulf %mul3A_1578, %sub3A_1584 : f32
      %min3A_1586 = arith.constant 1.000000e+00 : f32
      %min3A_1587 = arith.minimumf %min3A_1586, %mul3A_1585 : f32
      %bitcast_convert_type3A_1588 = arith.bitcast %reduce_sum3A_1501 : f32 to i32
      %shift_right_arithmetic3A_1589 = arith.constant 1 : i32
      %shift_right_arithmetic3A_1590 = arith.shrsi %bitcast_convert_type3A_1588, %shift_right_arithmetic3A_1589 : i32
      %sub3A_1591 = arith.constant 1597463007 : i32
      %sub3A_1592 = arith.subi %sub3A_1591, %shift_right_arithmetic3A_1590 : i32
      %bitcast_convert_type3A_1593 = arith.bitcast %sub3A_1592 : i32 to f32
      %mul3A_1594 = arith.constant 5.000000e-01 : f32
      %mul3A_1595 = arith.mulf %mul3A_1594, %reduce_sum3A_1501 : f32
      %mul3A_1596 = arith.mulf %mul3A_1595, %bitcast_convert_type3A_1593 : f32
      %mul3A_1597 = arith.mulf %mul3A_1596, %bitcast_convert_type3A_1593 : f32
      %sub3A_1598 = arith.constant 1.500000e+00 : f32
      %sub3A_1599 = arith.subf %sub3A_1598, %mul3A_1597 : f32
      %mul3A_1600 = arith.mulf %bitcast_convert_type3A_1593, %sub3A_1599 : f32
      %mul3A_1601 = arith.constant 5.000000e-01 : f32
      %mul3A_1602 = arith.mulf %mul3A_1601, %reduce_sum3A_1501 : f32
      %mul3A_1603 = arith.mulf %mul3A_1602, %mul3A_1600 : f32
      %mul3A_1604 = arith.mulf %mul3A_1603, %mul3A_1600 : f32
      %sub3A_1605 = arith.constant 1.500000e+00 : f32
      %sub3A_1606 = arith.subf %sub3A_1605, %mul3A_1604 : f32
      %mul3A_1607 = arith.mulf %mul3A_1600, %sub3A_1606 : f32
      %mul3A_1608 = arith.constant 5.000000e-01 : f32
      %mul3A_1609 = arith.mulf %mul3A_1608, %reduce_sum3A_1501 : f32
      %mul3A_1610 = arith.mulf %mul3A_1609, %mul3A_1607 : f32
      %mul3A_1611 = arith.mulf %mul3A_1610, %mul3A_1607 : f32
      %sub3A_1612 = arith.constant 1.500000e+00 : f32
      %sub3A_1613 = arith.subf %sub3A_1612, %mul3A_1611 : f32
      %mul3A_1614 = arith.mulf %mul3A_1607, %sub3A_1613 : f32
      %min3A_1615 = arith.constant 1.000000e+00 : f32
      %min3A_1616 = arith.minimumf %min3A_1615, %mul3A_1614 : f32
      %bitcast_convert_type3A_1617 = arith.bitcast %reduce_sum3A_1508 : f32 to i32
      %shift_right_arithmetic3A_1618 = arith.constant 1 : i32
      %shift_right_arithmetic3A_1619 = arith.shrsi %bitcast_convert_type3A_1617, %shift_right_arithmetic3A_1618 : i32
      %sub3A_1620 = arith.constant 1597463007 : i32
      %sub3A_1621 = arith.subi %sub3A_1620, %shift_right_arithmetic3A_1619 : i32
      %bitcast_convert_type3A_1622 = arith.bitcast %sub3A_1621 : i32 to f32
      %mul3A_1623 = arith.constant 5.000000e-01 : f32
      %mul3A_1624 = arith.mulf %mul3A_1623, %reduce_sum3A_1508 : f32
      %mul3A_1625 = arith.mulf %mul3A_1624, %bitcast_convert_type3A_1622 : f32
      %mul3A_1626 = arith.mulf %mul3A_1625, %bitcast_convert_type3A_1622 : f32
      %sub3A_1627 = arith.constant 1.500000e+00 : f32
      %sub3A_1628 = arith.subf %sub3A_1627, %mul3A_1626 : f32
      %mul3A_1629 = arith.mulf %bitcast_convert_type3A_1622, %sub3A_1628 : f32
      %mul3A_1630 = arith.constant 5.000000e-01 : f32
      %mul3A_1631 = arith.mulf %mul3A_1630, %reduce_sum3A_1508 : f32
      %mul3A_1632 = arith.mulf %mul3A_1631, %mul3A_1629 : f32
      %mul3A_1633 = arith.mulf %mul3A_1632, %mul3A_1629 : f32
      %sub3A_1634 = arith.constant 1.500000e+00 : f32
      %sub3A_1635 = arith.subf %sub3A_1634, %mul3A_1633 : f32
      %mul3A_1636 = arith.mulf %mul3A_1629, %sub3A_1635 : f32
      %mul3A_1637 = arith.constant 5.000000e-01 : f32
      %mul3A_1638 = arith.mulf %mul3A_1637, %reduce_sum3A_1508 : f32
      %mul3A_1639 = arith.mulf %mul3A_1638, %mul3A_1636 : f32
      %mul3A_1640 = arith.mulf %mul3A_1639, %mul3A_1636 : f32
      %sub3A_1641 = arith.constant 1.500000e+00 : f32
      %sub3A_1642 = arith.subf %sub3A_1641, %mul3A_1640 : f32
      %mul3A_1643 = arith.mulf %mul3A_1636, %sub3A_1642 : f32
      %min3A_1644 = arith.constant 1.000000e+00 : f32
      %min3A_1645 = arith.minimumf %min3A_1644, %mul3A_1643 : f32
      %bitcast_convert_type3A_1646 = arith.bitcast %reduce_sum3A_1522 : f32 to i32
      %shift_right_arithmetic3A_1647 = arith.constant 1 : i32
      %shift_right_arithmetic3A_1648 = arith.shrsi %bitcast_convert_type3A_1646, %shift_right_arithmetic3A_1647 : i32
      %sub3A_1649 = arith.constant 1597463007 : i32
      %sub3A_1650 = arith.subi %sub3A_1649, %shift_right_arithmetic3A_1648 : i32
      %bitcast_convert_type3A_1651 = arith.bitcast %sub3A_1650 : i32 to f32
      %mul3A_1652 = arith.constant 5.000000e-01 : f32
      %mul3A_1653 = arith.mulf %mul3A_1652, %reduce_sum3A_1522 : f32
      %mul3A_1654 = arith.mulf %mul3A_1653, %bitcast_convert_type3A_1651 : f32
      %mul3A_1655 = arith.mulf %mul3A_1654, %bitcast_convert_type3A_1651 : f32
      %sub3A_1656 = arith.constant 1.500000e+00 : f32
      %sub3A_1657 = arith.subf %sub3A_1656, %mul3A_1655 : f32
      %mul3A_1658 = arith.mulf %bitcast_convert_type3A_1651, %sub3A_1657 : f32
      %mul3A_1659 = arith.constant 5.000000e-01 : f32
      %mul3A_1660 = arith.mulf %mul3A_1659, %reduce_sum3A_1522 : f32
      %mul3A_1661 = arith.mulf %mul3A_1660, %mul3A_1658 : f32
      %mul3A_1662 = arith.mulf %mul3A_1661, %mul3A_1658 : f32
      %sub3A_1663 = arith.constant 1.500000e+00 : f32
      %sub3A_1664 = arith.subf %sub3A_1663, %mul3A_1662 : f32
      %mul3A_1665 = arith.mulf %mul3A_1658, %sub3A_1664 : f32
      %mul3A_1666 = arith.constant 5.000000e-01 : f32
      %mul3A_1667 = arith.mulf %mul3A_1666, %reduce_sum3A_1522 : f32
      %mul3A_1668 = arith.mulf %mul3A_1667, %mul3A_1665 : f32
      %mul3A_1669 = arith.mulf %mul3A_1668, %mul3A_1665 : f32
      %sub3A_1670 = arith.constant 1.500000e+00 : f32
      %sub3A_1671 = arith.subf %sub3A_1670, %mul3A_1669 : f32
      %mul3A_1672 = arith.mulf %mul3A_1665, %sub3A_1671 : f32
      %min3A_1673 = arith.constant 1.000000e+00 : f32
      %min3A_1674 = arith.minimumf %min3A_1673, %mul3A_1672 : f32
      %bitcast_convert_type3A_1675 = arith.bitcast %reduce_sum3A_1529 : f32 to i32
      %shift_right_arithmetic3A_1676 = arith.constant 1 : i32
      %shift_right_arithmetic3A_1677 = arith.shrsi %bitcast_convert_type3A_1675, %shift_right_arithmetic3A_1676 : i32
      %sub3A_1678 = arith.constant 1597463007 : i32
      %sub3A_1679 = arith.subi %sub3A_1678, %shift_right_arithmetic3A_1677 : i32
      %bitcast_convert_type3A_1680 = arith.bitcast %sub3A_1679 : i32 to f32
      %mul3A_1681 = arith.constant 5.000000e-01 : f32
      %mul3A_1682 = arith.mulf %mul3A_1681, %reduce_sum3A_1529 : f32
      %mul3A_1683 = arith.mulf %mul3A_1682, %bitcast_convert_type3A_1680 : f32
      %mul3A_1684 = arith.mulf %mul3A_1683, %bitcast_convert_type3A_1680 : f32
      %sub3A_1685 = arith.constant 1.500000e+00 : f32
      %sub3A_1686 = arith.subf %sub3A_1685, %mul3A_1684 : f32
      %mul3A_1687 = arith.mulf %bitcast_convert_type3A_1680, %sub3A_1686 : f32
      %mul3A_1688 = arith.constant 5.000000e-01 : f32
      %mul3A_1689 = arith.mulf %mul3A_1688, %reduce_sum3A_1529 : f32
      %mul3A_1690 = arith.mulf %mul3A_1689, %mul3A_1687 : f32
      %mul3A_1691 = arith.mulf %mul3A_1690, %mul3A_1687 : f32
      %sub3A_1692 = arith.constant 1.500000e+00 : f32
      %sub3A_1693 = arith.subf %sub3A_1692, %mul3A_1691 : f32
      %mul3A_1694 = arith.mulf %mul3A_1687, %sub3A_1693 : f32
      %mul3A_1695 = arith.constant 5.000000e-01 : f32
      %mul3A_1696 = arith.mulf %mul3A_1695, %reduce_sum3A_1529 : f32
      %mul3A_1697 = arith.mulf %mul3A_1696, %mul3A_1694 : f32
      %mul3A_1698 = arith.mulf %mul3A_1697, %mul3A_1694 : f32
      %sub3A_1699 = arith.constant 1.500000e+00 : f32
      %sub3A_1700 = arith.subf %sub3A_1699, %mul3A_1698 : f32
      %mul3A_1701 = arith.mulf %mul3A_1694, %sub3A_1700 : f32
      %min3A_1702 = arith.constant 1.000000e+00 : f32
      %min3A_1703 = arith.minimumf %min3A_1702, %mul3A_1701 : f32
      %mul3A_1704 = arith.mulf %min3A_1674, %min3A_1558 : f32
      %mul3A_1705 = arith.mulf %mul3A_1704, %min3A_1587 : f32
      %mul3A_1706 = arith.mulf %mul3A_1705, %reduce_sum3A_1494 : f32
      %mul3A_1707 = arith.mulf %min3A_1674, %min3A_1616 : f32
      %mul3A_1708 = arith.mulf %mul3A_1707, %min3A_1645 : f32
      %mul3A_1709 = arith.mulf %mul3A_1708, %reduce_sum3A_1515 : f32
      %mul3A_1710 = vector.broadcast %mul3A_1706 : f32 to vector<16xf32>
      %mul3A_1711 = arith.mulf %mul3A_1710, %get3A_1464 : vector<16xf32>
      %mul3A_1712 = vector.broadcast %min3A_1587 : f32 to vector<16xf32>
      %mul3A_1713 = arith.mulf %mul3A_1712, %get3A_1446 : vector<16xf32>
      %add3A_1714 = arith.addf %mul3A_1711, %mul3A_1713 : vector<16xf32>
      %swap3A_1715 = arith.index_cast %add3A_1437 : i32 to index
      %swap3A_1716 = arith.constant 0 : index
      %swap3A_1717 = tpu.vector_load %arg15[%swap3A_1715, %swap3A_1716] {strides = array<i32>} : memref<512x32xf32, #tpu.memory_space<vmem>>, vector<16xf32>,
      tpu.vector_store %arg15[%swap3A_1715, %swap3A_1716], %add3A_1714 {strides = array<i32>} : memref<512x32xf32, #tpu.memory_space<vmem>>, vector<16xf32>,
      %mul3A_1718 = vector.broadcast %mul3A_1706 : f32 to vector<16xf32>
      %mul3A_1719 = arith.mulf %mul3A_1718, %get3A_1467 : vector<16xf32>
      %mul3A_1720 = vector.broadcast %min3A_1587 : f32 to vector<16xf32>
      %mul3A_1721 = arith.mulf %mul3A_1720, %get3A_1449 : vector<16xf32>
      %add3A_1722 = arith.addf %mul3A_1719, %mul3A_1721 : vector<16xf32>
      %swap3A_1723 = arith.index_cast %add3A_1437 : i32 to index
      %swap3A_1724 = arith.constant 16 : index
      %swap3A_1725 = tpu.vector_load %arg15[%swap3A_1723, %swap3A_1724] {strides = array<i32>} : memref<512x32xf32, #tpu.memory_space<vmem>>, vector<16xf32>,
      tpu.vector_store %arg15[%swap3A_1723, %swap3A_1724], %add3A_1722 {strides = array<i32>} : memref<512x32xf32, #tpu.memory_space<vmem>>, vector<16xf32>,
      %mul3A_1726 = vector.broadcast %mul3A_1709 : f32 to vector<16xf32>
      %mul3A_1727 = arith.mulf %mul3A_1726, %get3A_1464 : vector<16xf32>
      %mul3A_1728 = vector.broadcast %min3A_1645 : f32 to vector<16xf32>
      %mul3A_1729 = arith.mulf %mul3A_1728, %get3A_1458 : vector<16xf32>
      %add3A_1730 = arith.addf %mul3A_1727, %mul3A_1729 : vector<16xf32>
      %swap3A_1731 = arith.index_cast %add3A_1437 : i32 to index
      %swap3A_1732 = arith.constant 0 : index
      %swap3A_1733 = tpu.vector_load %arg17[%swap3A_1731, %swap3A_1732] {strides = array<i32>} : memref<512x32xf32, #tpu.memory_space<vmem>>, vector<16xf32>,
      tpu.vector_store %arg17[%swap3A_1731, %swap3A_1732], %add3A_1730 {strides = array<i32>} : memref<512x32xf32, #tpu.memory_space<vmem>>, vector<16xf32>,
      %mul3A_1734 = vector.broadcast %mul3A_1709 : f32 to vector<16xf32>
      %mul3A_1735 = arith.mulf %mul3A_1734, %get3A_1467 : vector<16xf32>
      %mul3A_1736 = vector.broadcast %min3A_1645 : f32 to vector<16xf32>
      %mul3A_1737 = arith.mulf %mul3A_1736, %get3A_1461 : vector<16xf32>
      %add3A_1738 = arith.addf %mul3A_1735, %mul3A_1737 : vector<16xf32>
      %swap3A_1739 = arith.index_cast %add3A_1437 : i32 to index
      %swap3A_1740 = arith.constant 16 : index
      %swap3A_1741 = tpu.vector_load %arg17[%swap3A_1739, %swap3A_1740] {strides = array<i32>} : memref<512x32xf32, #tpu.memory_space<vmem>>, vector<16xf32>,
      tpu.vector_store %arg17[%swap3A_1739, %swap3A_1740], %add3A_1738 {strides = array<i32>} : memref<512x32xf32, #tpu.memory_space<vmem>>, vector<16xf32>,
      %mul3A_1742 = vector.broadcast %min3A_1703 : f32 to vector<16xf32>
      %mul3A_1743 = arith.mulf %mul3A_1742, %get3A_1470 : vector<16xf32>
      %swap3A_1744 = arith.index_cast %add3A_1437 : i32 to index
      %swap3A_1745 = arith.constant 0 : index
      %swap3A_1746 = tpu.vector_load %arg20[%swap3A_1744, %swap3A_1745] {strides = array<i32>} : memref<512x32xf32, #tpu.memory_space<vmem>>, vector<16xf32>,
      tpu.vector_store %arg20[%swap3A_1744, %swap3A_1745], %mul3A_1743 {strides = array<i32>} : memref<512x32xf32, #tpu.memory_space<vmem>>, vector<16xf32>,
      %mul3A_1747 = vector.broadcast %min3A_1703 : f32 to vector<16xf32>
      %mul3A_1748 = arith.mulf %mul3A_1747, %get3A_1473 : vector<16xf32>
      %swap3A_1749 = arith.index_cast %add3A_1437 : i32 to index
      %swap3A_1750 = arith.constant 16 : index
      %swap3A_1751 = tpu.vector_load %arg20[%swap3A_1749, %swap3A_1750] {strides = array<i32>} : memref<512x32xf32, #tpu.memory_space<vmem>>, vector<16xf32>,
      tpu.vector_store %arg20[%swap3A_1749, %swap3A_1750], %mul3A_1748 {strides = array<i32>} : memref<512x32xf32, #tpu.memory_space<vmem>>, vector<16xf32>,
    }
    %scan3A_483 = arith.constant 128 : i32
    %mul3A_484 = arith.constant 512 : i32
    %mul3A_485 = arith.muli %add3A, %mul3A_484 : i32
    "tpu.region"() ({
      %run_scoped3A = tpu.sem_alloc : memref<!tpu.dma_semaphore, #tpu.memory_space<semaphore_mem>>
      %dma_start3A_486 = arith.constant 0 : i32
      %dma_start3A_487 = tpu.memref_slice %arg9[%mul3A_485, %dma_start3A_486] : memref<16384x32xf32, #tpu.memory_space<hbm>> -> memref<512x32xf32, #tpu.memory_space<hbm>>
      %dma_start3A_488 = arith.constant 0 : i32
      %dma_start3A_489 = tpu.memref_slice %arg9[%mul3A_485, %dma_start3A_488] : memref<16384x32xf32, #tpu.memory_space<hbm>> -> memref<512x32xf32, #tpu.memory_space<hbm>>
      tpu.enqueue_dma source(%arg15 : memref<512x32xf32, #tpu.memory_space<vmem>>) target(%dma_start3A_489 : memref<512x32xf32, #tpu.memory_space<hbm>>) target_semaphore(%run_scoped3A : memref<!tpu.dma_semaphore, #tpu.memory_space<semaphore_mem>>)
      %dma_wait3A_490 = arith.constant 0 : i32
      %dma_wait3A_491 = tpu.memref_slice %arg9[%mul3A_485, %dma_wait3A_490] : memref<16384x32xf32, #tpu.memory_space<hbm>> -> memref<512x32xf32, #tpu.memory_space<hbm>>
      %dma_wait3A_492 = arith.constant 0 : i32
      %dma_wait3A_493 = tpu.memref_slice %arg9[%mul3A_485, %dma_wait3A_492] : memref<16384x32xf32, #tpu.memory_space<hbm>> -> memref<512x32xf32, #tpu.memory_space<hbm>>
      tpu.wait_dma2 semaphore(%run_scoped3A : memref<!tpu.dma_semaphore, #tpu.memory_space<semaphore_mem>>) src(%arg15 : memref<512x32xf32, #tpu.memory_space<vmem>>) dst(%dma_wait3A_493 : memref<512x32xf32, #tpu.memory_space<hbm>>)
      tpu.yield
    }) : () -> ()
    "tpu.region"() ({
      %run_scoped3A = tpu.sem_alloc : memref<!tpu.dma_semaphore, #tpu.memory_space<semaphore_mem>>
      %dma_start3A_486 = arith.constant 0 : i32
      %dma_start3A_487 = tpu.memref_slice %arg10[%mul3A_485, %dma_start3A_486] : memref<16384x32xf32, #tpu.memory_space<hbm>> -> memref<512x32xf32, #tpu.memory_space<hbm>>
      %dma_start3A_488 = arith.constant 0 : i32
      %dma_start3A_489 = tpu.memref_slice %arg10[%mul3A_485, %dma_start3A_488] : memref<16384x32xf32, #tpu.memory_space<hbm>> -> memref<512x32xf32, #tpu.memory_space<hbm>>
      tpu.enqueue_dma source(%arg20 : memref<512x32xf32, #tpu.memory_space<vmem>>) target(%dma_start3A_489 : memref<512x32xf32, #tpu.memory_space<hbm>>) target_semaphore(%run_scoped3A : memref<!tpu.dma_semaphore, #tpu.memory_space<semaphore_mem>>)
      %dma_wait3A_490 = arith.constant 0 : i32
      %dma_wait3A_491 = tpu.memref_slice %arg10[%mul3A_485, %dma_wait3A_490] : memref<16384x32xf32, #tpu.memory_space<hbm>> -> memref<512x32xf32, #tpu.memory_space<hbm>>
      %dma_wait3A_492 = arith.constant 0 : i32
      %dma_wait3A_493 = tpu.memref_slice %arg10[%mul3A_485, %dma_wait3A_492] : memref<16384x32xf32, #tpu.memory_space<hbm>> -> memref<512x32xf32, #tpu.memory_space<hbm>>
      tpu.wait_dma2 semaphore(%run_scoped3A : memref<!tpu.dma_semaphore, #tpu.memory_space<semaphore_mem>>) src(%arg20 : memref<512x32xf32, #tpu.memory_space<vmem>>) dst(%dma_wait3A_493 : memref<512x32xf32, #tpu.memory_space<hbm>>)
      tpu.yield
    }) : () -> ()
    "tpu.region"() ({
      %run_scoped3A = tpu.sem_alloc : memref<!tpu.dma_semaphore, #tpu.memory_space<semaphore_mem>>
      %dma_start3A_486 = arith.constant 0 : i32
      %dma_start3A_487 = tpu.memref_slice %arg11[%mul3A_485, %dma_start3A_486] : memref<16384x32xf32, #tpu.memory_space<hbm>> -> memref<512x32xf32, #tpu.memory_space<hbm>>
      %dma_start3A_488 = arith.constant 0 : i32
      %dma_start3A_489 = tpu.memref_slice %arg11[%mul3A_485, %dma_start3A_488] : memref<16384x32xf32, #tpu.memory_space<hbm>> -> memref<512x32xf32, #tpu.memory_space<hbm>>
      tpu.enqueue_dma source(%arg17 : memref<512x32xf32, #tpu.memory_space<vmem>>) target(%dma_start3A_489 : memref<512x32xf32, #tpu.memory_space<hbm>>) target_semaphore(%run_scoped3A : memref<!tpu.dma_semaphore, #tpu.memory_space<semaphore_mem>>)
      %dma_wait3A_490 = arith.constant 0 : i32
      %dma_wait3A_491 = tpu.memref_slice %arg11[%mul3A_485, %dma_wait3A_490] : memref<16384x32xf32, #tpu.memory_space<hbm>> -> memref<512x32xf32, #tpu.memory_space<hbm>>
      %dma_wait3A_492 = arith.constant 0 : i32
      %dma_wait3A_493 = tpu.memref_slice %arg11[%mul3A_485, %dma_wait3A_492] : memref<16384x32xf32, #tpu.memory_space<hbm>> -> memref<512x32xf32, #tpu.memory_space<hbm>>
      tpu.wait_dma2 semaphore(%run_scoped3A : memref<!tpu.dma_semaphore, #tpu.memory_space<semaphore_mem>>) src(%arg17 : memref<512x32xf32, #tpu.memory_space<vmem>>) dst(%dma_wait3A_493 : memref<512x32xf32, #tpu.memory_space<hbm>>)
      tpu.yield
    }) : () -> ()
    return
  }
}

</mosaic_0001>

<sc_bundles>
// kernel: kernel.3.cloned.1.call-start
scs
__scs_entry_jumppad:
0x0: {  	(pc) =	sbr.rel $0x88, $3  }
0x1: {  	(tag) =	ssettag $0x0;
	lr =	simm.s32 $0x1  }
0x2: {  	[smem:$0x3F9A] =	sst lr;
	_ =	strace $0xD0000000  }
0x3: {  	_ = 	snop  }
0x4: {  	_ = 	snop  }
0x5: {  	_ = 	snop  }
0x6: {  	_ = 	snop  }
0x7: {  	_ = 	snop  }
__scs_overlays_trampoline_lowered:
0x8: {  	[smem:$0x3FA9] =	sst s0  }
0x9: {  	[smem:$0x3FAA] =	sst s1  }
0xa: {  	[smem:$0x3FAB] =	sst s2  }
0xb: {  	[smem:$0x3FAC] =	sst s3  }
0xc: {  	[smem:$0x3FAD] =	sst s4  }
0xd: {  	[smem:$0x3FAE] =	sst s5  }
0xe: {  	[smem:$0x3FAF] =	sst s6  }
0xf: {  	[smem:$0x3FB0] =	sst s7  }
0x10: {  	[smem:$0x3FB1] =	sst s8  }
0x11: {  	[smem:$0x3FB2] =	sst s9;
	s0 =	simm.s32 @!p0 $0x0  }
0x12: {  	s1 =	sld [smem:$0x3F98];
	s0 =	simm.s32 @p0 $0x1  }
0x13: {  	[smem:$0x3FB3] =	sst s0;
	s0 =	simm.s32 @!p1 $0x0  }
0x14: {  	s2 =	sld [smem:$0x3F97];
	s0 =	simm.s32 @p1 $0x1  }
0x15: {  	[smem:$0x3FB4] =	sst s0;
	s0 =	simm.s32 @!p2 $0x0  }
0x16: {  	s3 =	sld [smem:$0x3FDB];
	s0 =	simm.s32 @p2 $0x1  }
0x17: {  	s4 =	simm.s32 $0x1BF5;
	[smem:$0x3FB6] =	sst s0  }
0x18: {  	s0 =	sld [smem:$0x3F99];
	_ =	swait.ge [sflag:s4], $0x0  }
0x19: {  	s7 =	sld [smem:$0x3F9A]  }
0x1a: {  	s8 =	sadd.s32 $0xFFFFE003, lr  }
0x1b: {  	s9 =	sadd.s32 $0xFFFFFEF7, lr;
	s5 =	simm.s32 $0xFFFFFFFF;
	p2 =	slt.u32 s8, $0xFFFFF086  }
0x1c: {  	p1 =	slt.u32 s9, $0xF7A;
	s5 =	simm.s32 @!p2 $0x0  }
0x1d: {  	s5 =	simm.s32 @p1 $0x1;
	p0 =	seq.s32 s7, s2  }
0x1e: {  	s7 =	smul.u32 @!p0 $0xF7A, s2;
	p2 =	seq.s32 @!p0 s5, $0x0  }
0x1f: {  	s9 =	smul.u32 $0xF7A, s1;
	s8 =	simm.s32 @!p0 $0x1BF5;
	p2 =	por !p2, p0  }
0x20: {  	[sflag:s8] =	ssyncset.s32 @!p0 $0xFFFFF086;
	s6 =	sadd.s32 @!p0 s3, s7;
	s7 =	simm.s32 @!p0 $0x108  }
0x21: {  	s3 =	sadd.s32 s3, s9;
	s6 =	sadd.s32 @!p0 $0x88, s6;
	s7 =	simm.s32 @p2 $0x1082  }
0x22: {  	[simem:s7], [sflag:s8] =	dma.local @!p0 [hbm:s6], $0xF7A  }
0x23: {  	s9 =	sor.u32 $0xD0000000, s2;
	s6 =	simm.s32 $0x108;
	_ =	swait.ge @!p0 [sflag:s8], $0x0  }
0x24: {  	s3 =	sadd.s32 $0x88, s3;
	s6 =	simm.s32 @!p1 $0x1082;
	[sflag:s4] =	ssyncset.s32 $0xFFFFF086  }
0x25: {  	[simem:s6], [sflag:s4] =	dma.local [hbm:s3], $0xF7A  }
0x26: {  	[smem:$0x3F9A] =	sst s1;
	(tag) =	ssettag s2;
	_ =	strace s9  }
0x27: {  	s1 =	sld [smem:$0x3FAA]  }
0x28: {  	s2 =	sld [smem:$0x3FAB]  }
0x29: {  	s4 =	sld [smem:$0x3FAD]  }
0x2a: {  	p0 =	seq.s32 s5, $0x0;
	s5 =	sld [smem:$0x3FAE]  }
0x2b: {  	s6 =	sld [smem:$0x3FAF]  }
0x2c: {  	s7 =	sld [smem:$0x3FB0]  }
0x2d: {  	s3 =	simm.s32 $0x108;
	s8 =	sld [smem:$0x3FB1]  }
0x2e: {  	s3 =	simm.s32 @!p0 $0x1082;
	s9 =	sld [smem:$0x3FB2]  }
0x2f: {  	lr =	sadd.s32 s0, s3;
	s0 =	sld [smem:$0x3FA9]  }
0x30: {  	s3 =	sld [smem:$0x3FAC]  }
0x31: {  	[smem:$0x3FB5] =	sst s10  }
0x32: {  	s10 =	sld [smem:$0x3FB3];
	_ =	sdelay $0x3  }
0x33: {  	p0 =	seq.s32 s10, $0x1;
	s10 =	sld [smem:$0x3FB5];
	_ =	sdelay $0x3  }
0x34: {  	[smem:$0x3FB5] =	sst s10  }
0x35: {  	s10 =	sld [smem:$0x3FB4];
	_ =	sdelay $0x3  }
0x36: {  	p1 =	seq.s32 s10, $0x1;
	s10 =	sld [smem:$0x3FB5];
	_ =	sdelay $0x3  }
0x37: {  	[smem:$0x3FB5] =	sst s10  }
0x38: {  	s10 =	sld [smem:$0x3FB6]  }
0x39: {  	_ = 	snop;
	(pc) =	sbr.ind lr, $3  }
0x3a: {  	_ = 	snop  }
0x3b: {  	_ = 	snop  }
0x3c: {  	p2 =	seq.s32 s10, $0x1;
	s10 =	sld [smem:$0x3FB5]  }
0x3d: {  	_ =	shalt  }
0x3e: {  	_ =	shalt  }
0x3f: {  	_ =	shalt  }
0x40: {  	_ =	shalt  }
0x41: {  	_ =	shalt  }
0x42: {  	_ =	shalt  }
0x43: {  	_ =	shalt  }
0x44: {  	_ =	shalt  }
0x45: {  	_ =	shalt  }
0x46: {  	_ =	shalt  }
0x47: {  	_ =	shalt  }
0x48: {  	_ =	shalt  }
0x49: {  	_ =	shalt  }
0x4a: {  	_ =	shalt  }
0x4b: {  	_ =	shalt  }
0x4c: {  	_ =	shalt  }
0x4d: {  	_ =	shalt  }
0x4e: {  	_ =	shalt  }
0x4f: {  	_ =	shalt  }
0x50: {  	_ =	shalt  }
0x51: {  	_ =	shalt  }
0x52: {  	_ =	shalt  }
0x53: {  	_ =	shalt  }
0x54: {  	_ =	shalt  }
0x55: {  	_ =	shalt  }
0x56: {  	_ =	shalt  }
0x57: {  	_ =	shalt  }
0x58: {  	_ =	shalt  }
0x59: {  	_ =	shalt  }
0x5a: {  	_ =	shalt  }
0x5b: {  	_ =	shalt  }
0x5c: {  	_ =	shalt  }
0x5d: {  	_ =	shalt  }
0x5e: {  	_ =	shalt  }
0x5f: {  	_ =	shalt  }
0x60: {  	_ =	shalt  }
0x61: {  	_ =	shalt  }
0x62: {  	_ =	shalt  }
0x63: {  	_ =	shalt  }
0x64: {  	_ =	shalt  }
0x65: {  	_ =	shalt  }
0x66: {  	_ =	shalt  }
0x67: {  	_ =	shalt  }
0x68: {  	_ =	shalt  }
0x69: {  	_ =	shalt  }
0x6a: {  	_ =	shalt  }
0x6b: {  	_ =	shalt  }
0x6c: {  	_ =	shalt  }
0x6d: {  	_ =	shalt  }
0x6e: {  	_ =	shalt  }
0x6f: {  	_ =	shalt  }
0x70: {  	_ =	shalt  }
0x71: {  	_ =	shalt  }
0x72: {  	_ =	shalt  }
0x73: {  	_ =	shalt  }
0x74: {  	_ =	shalt  }
0x75: {  	_ =	shalt  }
0x76: {  	_ =	shalt  }
0x77: {  	_ =	shalt  }
0x78: {  	_ =	shalt  }
0x79: {  	_ =	shalt  }
0x7a: {  	_ =	shalt  }
0x7b: {  	_ =	shalt  }
0x7c: {  	_ =	shalt  }
0x7d: {  	_ =	shalt  }
0x7e: {  	_ =	shalt  }
0x7f: {  	_ =	shalt  }
0x80: {  	_ =	shalt  }
0x81: {  	_ =	shalt  }
0x82: {  	_ =	shalt  }
0x83: {  	_ =	shalt  }
0x84: {  	_ =	shalt  }
0x85: {  	_ =	shalt  }
0x86: {  	_ =	shalt  }
0x87: {  	_ =	shalt  }
.Lfunc_end0:
.L_simem_size_0:
called_computation_lowered:
.L_overlay_start_0:
0x88: {  	s2 =	sld [smem:$0x3FD9]  }
0x89: {  	s3 =	sld [smem:$0x3FFE];
	_ =	sdelay $0x1  }
0x8a: {  	s1 =	srdreg.scid  }
0x8b: {  	s0 =	sand.u32 $0x1, s1  }
0x8c: {  	s14 =	sshll.u32 s0, $0xA;
	s2 =	sadd.s32 s3, s2  }
0x8d: {  	s2 =	sadd.s32 s2, s14  }
0x8e: {  	[smem:$0x3FC1] =	sst s2  }
0x8f: {  	_ = 	snop  }
0x90: {  	s2 =	sld [smem:$0x3FD0]  }
0x91: {  	s15 =	sld [smem:$0x3FC9]  }
0x92: {  	s4 =	sld [smem:$0x3FC8]  }
0x93: {  	s6 =	simm.s32 $0xA;
	s7 =	simm.s32 $0x10;
	s5 =	sld [smem:$0x3FC7]  }
0x94: {  	[smem:s7], [sflag:s6] =	dma.local [hbm:s2], $0x1  }
0x95: {  	_ =	swait.eq [sflag:s6], $0x1  }
0x96: {  	s16 =	sld [smem:$0x10];
	[sflag:s6] =	ssyncset.done $0x0  }
0x97: {  	s17 =	sld [smem:$0x11];
	[sflag:s6] =	ssyncadd.s32 $0xFFFFFFFF  }
0x98: {  	s18 =	sld [smem:$0x12];
	(tm) =	ssettm $0x1  }
0x99: {  	s8 =	sld [smem:$0x3FFB];
	_ =	sdelay $0x3  }
0x9a: {  	_ =	strace s8  }
0x9b: {  	s8 =	sld [smem:$0x3FFC];
	_ =	sdelay $0x3  }
0x9c: {  	_ =	strace s8  }
0x9d: {  	s8 =	sld [smem:$0x3FFD];
	_ =	sdelay $0x3  }
0x9e: {  	_ =	strace s8  }
0x9f: {  	_ =	strace $0x8FFFFFFF  }
0xa0: {  	s19 =	sld [smem:$0x3FDB];
	_ =	sdelay $0x1  }
0xa1: {  	s9 =	simm.s32 $_scs_section_size  }
0xa2: {  	s10 =	simm.s32 $_size__tile_overlayer_lowered;
	s11 =	simm.s32 $_tile_overlayer_lowered  }
0xa3: {  	s22 =	simm.s32 $0x1BFF;
	s21 =	sshll.u32 s11, $0x1;
	s8 =	sadd.s32 s9, s19  }
0xa4: {  	s12 =	simm.s32 $0x0;
	s20 =	sshll.u32 s10, $0x1;
	s10 =	sadd.s32 s21, s8  }
0xa5: {  	[timem:s12], [sflag:s22] =	dma.local [hbm:s10], s20  }
0xa6: {  	_ =	swait.ge [sflag:s22], s20  }
0xa7: {  	s9 =	ssub.s32 $0x0, s20;
	[sflag:s22] =	ssyncset.done $0x0  }
0xa8: {  	[sflag:s22] =	ssyncadd.s32 s9;
	_ =	sdelay $0x1  }
0xa9: {  	s23 =	simm.s32 $0x1B8B  }
0xaa: {  	_ =	swait.ge [sflag:s23], $0x1  }
0xab: {  	[sflag:s23] =	ssyncset.done $0x0  }
0xac: {  	s25 =	simm.s32 $0x1B8E;
	s24 =	sld [smem:$0x3FFE];
	[sflag:s23] =	ssyncadd.s32 $0xFFFFFFFF  }
0xad: {  	s26 =	simm.s32 $execute0_lowered;
	[smem:$0x3FD2] =	sst s25  }
0xae: {  	s10 =	sshll.u32 s26, $0x1;
	_ =	strace $0x80000046;
	[dreg:$0x1] =	wrdreg $0xFFFFFFFF  }
0xaf: {  	s28 =	simm.s32 $_size_execute0_lowered;
	s8 =	sadd.s32 s8, s10;
	[dreg:$0x0] =	wrdreg $0x0  }
0xb0: {  	s10 =	sshll.u32 s28, $0x1;
	[dreg:$0x2] =	wrdreg s8  }
0xb1: {  	[dreg:$0x3] =	wrdreg s10  }
0xb2: {  	[dreg:$0x4] =	wrdreg $0xC0  }
0xb3: {  	_ =	task [dreg:s12], $0x5FFFF  }
0xb4: {  	[dreg:$0x1] =	wrdreg $0xFFFFFFFF  }
0xb5: {  	[dreg:$0x0] =	wrdreg $0x60  }
0xb6: {  	[dreg:$0x2] =	wrdreg s15  }
0xb7: {  	[dreg:$0x3] =	wrdreg s4  }
0xb8: {  	[dreg:$0x4] =	wrdreg s5  }
0xb9: {  	[dreg:$0x5] =	wrdreg s24  }
0xba: {  	[dreg:$0x6] =	wrdreg s16  }
0xbb: {  	[dreg:$0x7] =	wrdreg s18  }
0xbc: {  	[dreg:$0x8] =	wrdreg s17  }
0xbd: {  	[dreg:$0x9] =	wrdreg $0x9  }
0xbe: {  	_ =	task.clear_ibuf [dreg:s12], $0xAFFFF;
	_ =	strace $0x90000046  }
0xbf: {  	s29 =	simm.s32 $0x9;
	_ =	strace $0x80000048  }
0xc0: {  	_ =	swait.ge [sflag:s29], $0x1  }
0xc1: {  	[sflag:s29] =	ssyncadd.s32 $0xFFFFFFFF  }
0xc2: {  	_ =	strace $0x90000048  }
0xc3: {  	_ =	sfence  }
0xc4: {  	s30 =	sld [smem:$0x0];
	_ =	sdelay $0x2  }
0xc5: {  	s31 =	sshll.u32 s1, $0xD;
	s1 =	sshrl.u32 s1, $0x2  }
0xc6: {  	s3 =	sand.u32 $0x4000, s31;
	s1 =	sadd.s32 s1, s30  }
0xc7: {  	s0 =	sor.u32 s3, s0;
	s1 =	sshll.u32 s1, $0x11  }
0xc8: {  	s0 =	sor.u32 s1, s0  }
0xc9: {  	s0 =	sadd.s32 $0x8F2B, s0  }
0xca: {  	[sflag:s0] =	ssyncadd.remote.s32 $0x1  }
0xcb: {  	_ =	sfence.sel $0xFFFF  }
0xcc: {  	[dreg:$0x0] =	wrdreg $0xFFFFFFFF;
	(pc) =	sbr.abs _section_cstart, $3  }
0xcd: {  	[dreg:$0x1] =	wrdreg $0xFFFFFFFF  }
0xce: {  	_ =	task.clear_ibuf [dreg:s12], $0x2FFFF;
	_ =	strace $0x9FFFFFFF  }
0xcf: {  	(tm) =	ssettm $0x7FFFFFFF  }
tec
execute0_lowered:
.L_overlay_start_1:
0x0: {  	(tag) =	ssettag $0x1  }
0x1: {  	s0 =	rddreg [dreg:$0x0]  }
0x2: {  	s1 =	rddreg [dreg:$0x1]  }
0x3: {  	s2 =	rddreg [dreg:$0x2]  }
0x4: {  	s3 =	rddreg [dreg:$0x3]  }
0x5: {  	s4 =	rddreg [dreg:$0x5]  }
0x6: {  	s5 =	rddreg [dreg:$0x6];
	s10 =	simm.s32 $0x0;
	s6 =	srdreg.scid  }
0x7: {  	s7 =	stileid.u32;
	[smem:$0x7FF] =	sst s10  }
0x8: {  	s6 =	sand.u32 $0x1, s6;
	s8 =	sadd.s32 $0x1313E00, s3;
	s7 =	sshll.u32 s7, $0xA  }
0x9: {  	s9 =	sadd.s32 $0xF43400, s3;
	s22 =	sadd.s32 $0x1000, s3;
	s21 =	sshll.u32 s6, $0x9  }
0xa: {  	_ =	strace $0x80000047;
	[dreg:$0x14] =	wrdreg s8;
	s7 =	sor.u32 s21, s7  }
0xb: {  	[dreg:$0x15] =	wrdreg s9;
	s23 =	sshll.u32 s7, $0x2;
	s7 =	sshrl.u32 s7, $0x3  }
0xc: {  	s6 =	ssub.s32 $0x2, s6;
	[dreg:$0x16] =	wrdreg s22;
	s0 =	sadd.s32 s0, s7  }
0xd: {  	s8 =	simm.s32 $0x14600;
	s25 =	sadd.s32 s1, s7;
	[dreg:$0x17] =	wrdreg s0  }
0xe: {  	s24 =	sshrl.u32 s6, $0x1;
	s26 =	sadd.s32 s2, s7;
	[dreg:$0x18] =	wrdreg s25  }
0xf: {  	s6 =	ssub.s32 s6, s24;
	s28 =	sadd.s32 s4, s23;
	[dreg:$0x19] =	wrdreg s26  }
0x10: {  	s3 =	sadd.s32 s23, s3;
	s29 =	sadd.s32 s5, s23;
	[dreg:$0x1a] =	wrdreg s28  }
0x11: {  	s31 =	smax.u32 s6, $0x1;
	s1 =	simm.s32 $0x2;
	[dreg:$0x1b] =	wrdreg s29  }
0x12: {  	s6 =	simm.s32 $0x600;
	s30 =	sadd.s32 $0x2000, s3;
	[dreg:$0x1d] =	wrdreg s31  }
0x13: {  	s7 =	simm.s32 $0x8600;
	s2 =	simm.s32 $0x0;
	[dreg:$0x1c] =	wrdreg s30  }
.LBB2_1:
0x14: {  	[dreg:$0x1e] =	wrdreg s2  }
0x15: {  	s0 =	rddreg [dreg:$0x17]  }
0x16: {  	[tilespmem:s10], [sflag:$0x2] =	stream.linear.gather [hbm4b:s0+s10], $0x200, $0x38;
	[tilespmem:$0x18600] =	vst v63  }
0x17: {  	_ =	swait.ge [sflag:s1], $0x200  }
0x18: {  	[sflag:s1] =	ssyncset.done $0x0  }
0x19: {  	s4 =	simm.s32 $0x200;
	s20 =	rddreg [dreg:$0x18];
	[sflag:s1] =	ssyncadd.s32 $0xFFFFFE00  }
0x1a: {  	[tilespmem:s4], [sflag:$0x2] =	stream.linear.gather [hbm4b:s20+s10], $0x200, $0x38;
	[tilespmem:$0x18600] =	vst v63  }
0x1b: {  	_ =	swait.ge [sflag:s1], $0x200  }
0x1c: {  	[sflag:s1] =	ssyncset.done $0x0  }
0x1d: {  	s3 =	simm.s32 $0x400;
	s21 =	rddreg [dreg:$0x19];
	[sflag:s1] =	ssyncadd.s32 $0xFFFFFE00  }
0x1e: {  	[tilespmem:s3], [sflag:$0x2] =	stream.linear.gather [hbm4b:s21+s10], $0x200, $0x38;
	[tilespmem:$0x18600] =	vst v63  }
0x1f: {  	_ =	swait.ge [sflag:s1], $0x200  }
0x20: {  	[sflag:s1] =	ssyncset.done $0x0  }
0x21: {  	s5 =	simm.s32 $0x80;
	s2 =	rddreg [dreg:$0x15];
	[sflag:s1] =	ssyncadd.s32 $0xFFFFFE00  }
0x22: {  	[tilespmem:s6], [sflag:$0x1] =	stream.indirect.gather [hbm4b:s2+s5], $0x20, s10, s5, $0xb8;
	[tilespmem:$0x18600] =	vst v63  }
0x23: {  	s22 =	simm.s32 $0x4600;
	s1 =	rddreg [dreg:$0x14]  }
0x24: {  	[tilespmem:s22], [sflag:$0x1] =	stream.indirect.gather [hbm4b:s1+s5], $0x20, s10, s5, $0xb8;
	[tilespmem:$0x18600] =	vst v63  }
0x25: {  	_ = 	snop  }
0x26: {  	[tilespmem:s7], [sflag:$0x1] =	stream.indirect.gather [hbm4b:s2+s5], $0x20, s3, s5, $0xb8;
	[tilespmem:$0x18600] =	vst v63  }
0x27: {  	s23 =	simm.s32 $0xC600  }
0x28: {  	[tilespmem:s23], [sflag:$0x1] =	stream.indirect.gather [hbm4b:s1+s5], $0x20, s3, s5, $0xb8;
	[tilespmem:$0x18600] =	vst v63  }
0x29: {  	s24 =	simm.s32 $0x10600;
	s3 =	rddreg [dreg:$0x16]  }
0x2a: {  	[tilespmem:s24], [sflag:$0x1] =	stream.indirect.gather [hbm4b:s3+s5], $0x20, s4, s5, $0xb8;
	[tilespmem:$0x18600] =	vst v63  }
0x2b: {  	s0 =	rddreg [dreg:$0x4]  }
0x2c: {  	[tilespmem:s8], [sflag:$0x1] =	stream.indirect.gather [hbm4b:s0+s5], $0x20, s4, s5, $0xb8;
	[tilespmem:$0x18600] =	vst v63  }
0x2d: {  	s25 =	simm.s32 $0x1600  }
0x2e: {  	[tilespmem:s25], [sflag:$0x1] =	stream.indirect.gather [hbm4b:s2+s5], $0x20, s5, s5, $0xb8;
	[tilespmem:$0x18600] =	vst v63  }
0x2f: {  	s26 =	simm.s32 $0x5600  }
0x30: {  	[tilespmem:s26], [sflag:$0x1] =	stream.indirect.gather [hbm4b:s1+s5], $0x20, s5, s5, $0xb8;
	[tilespmem:$0x18600] =	vst v63  }
0x31: {  	s29 =	simm.s32 $0x480;
	s31 =	simm.s32 $0x9600  }
0x32: {  	[tilespmem:s31], [sflag:$0x1] =	stream.indirect.gather [hbm4b:s2+s5], $0x20, s29, s5, $0xb8;
	[tilespmem:$0x18600] =	vst v63  }
0x33: {  	s7 =	simm.s32 $0xD600  }
0x34: {  	[tilespmem:s7], [sflag:$0x1] =	stream.indirect.gather [hbm4b:s1+s5], $0x20, s29, s5, $0xb8;
	[tilespmem:$0x18600] =	vst v63  }
0x35: {  	s9 =	simm.s32 $0x11600;
	s8 =	simm.s32 $0x280  }
0x36: {  	[tilespmem:s9], [sflag:$0x1] =	stream.indirect.gather [hbm4b:s3+s5], $0x20, s8, s5, $0xb8;
	[tilespmem:$0x18600] =	vst v63  }
0x37: {  	s10 =	simm.s32 $0x15600  }
0x38: {  	[tilespmem:s10], [sflag:$0x1] =	stream.indirect.gather [hbm4b:s0+s5], $0x20, s8, s5, $0xb8;
	[tilespmem:$0x18600] =	vst v63  }
0x39: {  	s11 =	simm.s32 $0x100;
	s12 =	simm.s32 $0x2600  }
0x3a: {  	[tilespmem:s12], [sflag:$0x1] =	stream.indirect.gather [hbm4b:s2+s5], $0x20, s11, s5, $0xb8;
	[tilespmem:$0x18600] =	vst v63  }
0x3b: {  	s13 =	simm.s32 $0x6600  }
0x3c: {  	[tilespmem:s13], [sflag:$0x1] =	stream.indirect.gather [hbm4b:s1+s5], $0x20, s11, s5, $0xb8;
	[tilespmem:$0x18600] =	vst v63  }
0x3d: {  	s14 =	simm.s32 $0x500;
	s15 =	simm.s32 $0xA600  }
0x3e: {  	[tilespmem:s15], [sflag:$0x1] =	stream.indirect.gather [hbm4b:s2+s5], $0x20, s14, s5, $0xb8;
	[tilespmem:$0x18600] =	vst v63  }
0x3f: {  	s16 =	simm.s32 $0xE600  }
0x40: {  	[tilespmem:s16], [sflag:$0x1] =	stream.indirect.gather [hbm4b:s1+s5], $0x20, s14, s5, $0xb8;
	[tilespmem:$0x18600] =	vst v63  }
0x41: {  	s17 =	simm.s32 $0x300;
	s18 =	simm.s32 $0x12600  }
0x42: {  	[tilespmem:s18], [sflag:$0x1] =	stream.indirect.gather [hbm4b:s3+s5], $0x20, s17, s5, $0xb8;
	[tilespmem:$0x18600] =	vst v63  }
0x43: {  	s19 =	simm.s32 $0x16600  }
0x44: {  	[tilespmem:s19], [sflag:$0x1] =	stream.indirect.gather [hbm4b:s0+s5], $0x20, s17, s5, $0xb8;
	[tilespmem:$0x18600] =	vst v63  }
0x45: {  	s20 =	simm.s32 $0x180;
	s21 =	simm.s32 $0x3600  }
0x46: {  	[tilespmem:s21], [sflag:$0x1] =	stream.indirect.gather [hbm4b:s2+s5], $0x20, s20, s5, $0xb8;
	[tilespmem:$0x18600] =	vst v63  }
0x47: {  	s22 =	simm.s32 $0x7600  }
0x48: {  	[tilespmem:s22], [sflag:$0x1] =	stream.indirect.gather [hbm4b:s1+s5], $0x20, s20, s5, $0xb8;
	[tilespmem:$0x18600] =	vst v63  }
0x49: {  	s23 =	simm.s32 $0x580;
	s24 =	simm.s32 $0xB600  }
0x4a: {  	[tilespmem:s24], [sflag:$0x1] =	stream.indirect.gather [hbm4b:s2+s5], $0x20, s23, s5, $0xb8;
	[tilespmem:$0x18600] =	vst v63  }
0x4b: {  	s25 =	simm.s32 $0xF600  }
0x4c: {  	[tilespmem:s25], [sflag:$0x1] =	stream.indirect.gather [hbm4b:s1+s5], $0x20, s23, s5, $0xb8;
	[tilespmem:$0x18600] =	vst v63  }
0x4d: {  	s26 =	simm.s32 $0x380;
	s29 =	simm.s32 $0x13600  }
0x4e: {  	[tilespmem:s29], [sflag:$0x1] =	stream.indirect.gather [hbm4b:s3+s5], $0x20, s26, s5, $0xb8;
	[tilespmem:$0x18600] =	vst v63  }
0x4f: {  	s31 =	simm.s32 $0x17600;
	s3 =	simm.s32 $0x1  }
0x50: {  	[tilespmem:s31], [sflag:$0x1] =	stream.indirect.gather [hbm4b:s0+s5], $0x20, s26, s5, $0xb8;
	[tilespmem:$0x18600] =	vst v63  }
0x51: {  	_ =	swait.ge [sflag:s3], $0x1000  }
0x52: {  	[sflag:s3] =	ssyncset.done $0x0  }
0x53: {  	[sflag:s3] =	ssyncadd.s32 $0xFFFFF000  }
0x54: {  	_ =	swait.ge [sflag:s3], $0x1000  }
0x55: {  	[sflag:s3] =	ssyncset.done $0x0  }
0x56: {  	[sflag:s3] =	ssyncadd.s32 $0xFFFFF000  }
0x57: {  	_ =	swait.ge [sflag:s3], $0x1000  }
0x58: {  	[sflag:s3] =	ssyncset.done $0x0  }
0x59: {  	[sflag:s3] =	ssyncadd.s32 $0xFFFFF000  }
0x5a: {  	_ =	swait.ge [sflag:s3], $0x1000  }
0x5b: {  	[sflag:s3] =	ssyncset.done $0x0  }
0x5c: {  	[sflag:s3] =	ssyncadd.s32 $0xFFFFF000  }
0x5d: {  	_ =	swait.ge [sflag:s3], $0x1000  }
0x5e: {  	[sflag:s3] =	ssyncset.done $0x0  }
0x5f: {  	[sflag:s3] =	ssyncadd.s32 $0xFFFFF000  }
0x60: {  	_ =	swait.ge [sflag:s3], $0x1000  }
0x61: {  	[sflag:s3] =	ssyncset.done $0x0  }
0x62: {  	[sflag:s3] =	ssyncadd.s32 $0xFFFFF000  }
0x63: {  	_ =	swait.ge [sflag:s3], $0x1000  }
0x64: {  	[sflag:s3] =	ssyncset.done $0x0  }
0x65: {  	[sflag:s3] =	ssyncadd.s32 $0xFFFFF000  }
0x66: {  	_ =	swait.ge [sflag:s3], $0x1000  }
0x67: {  	[sflag:s3] =	ssyncset.done $0x0  }
0x68: {  	[sflag:s3] =	ssyncadd.s32 $0xFFFFF000  }
0x69: {  	_ =	swait.ge [sflag:s3], $0x1000  }
0x6a: {  	[sflag:s3] =	ssyncset.done $0x0  }
0x6b: {  	[sflag:s3] =	ssyncadd.s32 $0xFFFFF000  }
0x6c: {  	_ =	swait.ge [sflag:s3], $0x1000  }
0x6d: {  	[sflag:s3] =	ssyncset.done $0x0  }
0x6e: {  	[sflag:s3] =	ssyncadd.s32 $0xFFFFF000  }
0x6f: {  	_ =	swait.ge [sflag:s3], $0x1000  }
0x70: {  	[sflag:s3] =	ssyncset.done $0x0  }
0x71: {  	[sflag:s3] =	ssyncadd.s32 $0xFFFFF000  }
0x72: {  	_ =	swait.ge [sflag:s3], $0x1000  }
0x73: {  	[sflag:s3] =	ssyncset.done $0x0  }
0x74: {  	[sflag:s3] =	ssyncadd.s32 $0xFFFFF000  }
0x75: {  	_ =	swait.ge [sflag:s3], $0x1000  }
0x76: {  	[sflag:s3] =	ssyncset.done $0x0  }
0x77: {  	[sflag:s3] =	ssyncadd.s32 $0xFFFFF000  }
0x78: {  	_ =	swait.ge [sflag:s3], $0x1000  }
0x79: {  	[sflag:s3] =	ssyncset.done $0x0  }
0x7a: {  	[sflag:s3] =	ssyncadd.s32 $0xFFFFF000  }
0x7b: {  	_ =	swait.ge [sflag:s3], $0x1000  }
0x7c: {  	[sflag:s3] =	ssyncset.done $0x0  }
0x7d: {  	[sflag:s3] =	ssyncadd.s32 $0xFFFFF000  }
0x7e: {  	_ =	swait.ge [sflag:s3], $0x1000  }
0x7f: {  	[sflag:s3] =	ssyncset.done $0x0  }
0x80: {  	[sflag:s3] =	ssyncadd.s32 $0xFFFFF000  }
0x81: {  	_ =	swait.ge [sflag:s3], $0x1000  }
0x82: {  	[sflag:s3] =	ssyncset.done $0x0  }
0x83: {  	[sflag:s3] =	ssyncadd.s32 $0xFFFFF000  }
0x84: {  	_ =	swait.ge [sflag:s3], $0x1000  }
0x85: {  	[sflag:s3] =	ssyncset.done $0x0  }
0x86: {  	[sflag:s3] =	ssyncadd.s32 $0xFFFFF000  }
0x87: {  	_ =	swait.ge [sflag:s3], $0x1000  }
0x88: {  	[sflag:s3] =	ssyncset.done $0x0  }
0x89: {  	[sflag:s3] =	ssyncadd.s32 $0xFFFFF000  }
0x8a: {  	_ =	swait.ge [sflag:s3], $0x1000  }
0x8b: {  	[sflag:s3] =	ssyncset.done $0x0  }
0x8c: {  	[sflag:s3] =	ssyncadd.s32 $0xFFFFF000  }
0x8d: {  	_ =	swait.ge [sflag:s3], $0x1000  }
0x8e: {  	[sflag:s3] =	ssyncset.done $0x0  }
0x8f: {  	[sflag:s3] =	ssyncadd.s32 $0xFFFFF000  }
0x90: {  	_ =	swait.ge [sflag:s3], $0x1000  }
0x91: {  	[sflag:s3] =	ssyncset.done $0x0  }
0x92: {  	[sflag:s3] =	ssyncadd.s32 $0xFFFFF000  }
0x93: {  	_ =	swait.ge [sflag:s3], $0x1000  }
0x94: {  	[sflag:s3] =	ssyncset.done $0x0  }
0x95: {  	[sflag:s3] =	ssyncadd.s32 $0xFFFFF000  }
0x96: {  	_ =	swait.ge [sflag:s3], $0x1000  }
0x97: {  	[sflag:s3] =	ssyncset.done $0x0  }
0x98: {  	s22 =	simm.s32 $0x0;
	[sflag:s3] =	ssyncadd.s32 $0xFFFFF000  }
0x99: {  	v31 =	vld [tilespmem:s22+$0x4600]  }
0x9a: {  	v10 =	vld [tilespmem:s22+$0x4610]  }
0x9b: {  	v20 =	vld [tilespmem:s22+$0xC600]  }
0x9c: {  	v9 =	vld [tilespmem:s22+$0xC610]  }
0x9d: {  	v18 =	vld [tilespmem:s22+$0x4620]  }
0x9e: {  	v7 =	vld [tilespmem:s22+$0x4630]  }
0x9f: {  	v17 =	vld [tilespmem:s22+$0xC620]  }
0xa0: {  	v6 =	vld [tilespmem:s22+$0xC630]  }
0xa1: {  	v11 =	vld [tilespmem:s22+$0x4640]  }
0xa2: {  	v5 =	vld [tilespmem:s22+$0x4650]  }
0xa3: {  	v8 =	vld [tilespmem:s22+$0xC640]  }
0xa4: {  	v3 =	vld [tilespmem:s22+$0xC650]  }
0xa5: {  	v0 =	vld [tilespmem:s22+$0x4660]  }
0xa6: {  	v4 =	vld [tilespmem:s22+$0x4670]  }
0xa7: {  	v1 =	vld [tilespmem:s22+$0xC660]  }
0xa8: {  	v2 =	vld [tilespmem:s22+$0xC670];
	v12 =	vmul.f32 v31, v31;
	v13 =	vmul.f32 v10, v10  }
0xa9: {  	v22 =	vld [tilespmem:s22+$0x10600];
	v15 =	vmul.f32 v20, v20;
	v16 =	vmul.f32 v9, v9  }
0xaa: {  	v14 =	vld [tilespmem:s22+$0x10610];
	v19 =	vmul.f32 v7, v7;
	v12 =	vadd.f32 v13, v12;
	v13 =	vmul.f32 v18, v18  }
0xab: {  	v21 =	vld [tilespmem:s22+$0x10620];
	v23 =	vmul.f32 v6, v6;
	v15 =	vadd.f32 v16, v15;
	v16 =	vmul.f32 v17, v17  }
0xac: {  	v24 =	vmul.f32 v5, v5;
	(xrf2) =	vadd.scan.msk.f32 $0xffff, v12;
	v12 =	vadd.f32 v19, v13;
	v19 =	vmul.f32 v11, v11;
	v13 =	vld [tilespmem:s22+$0x10630]  }
0xad: {  	v25 =	vmul.f32 v3, v3;
	v16 =	vadd.f32 v23, v16;
	v23 =	vmul.f32 v8, v8;
	(xrf2) =	vadd.scan.msk.f32 $0xffff, v15;
	v15 =	vld [tilespmem:s22+$0x10640]  }
0xae: {  	v26 =	vmul.f32 v4, v4;
	(xrf2) =	vadd.scan.msk.f32 $0xffff, v12;
	v19 =	vadd.f32 v24, v19;
	v24 =	vmul.f32 v0, v0;
	v12 =	vld [tilespmem:s22+$0x10650]  }
0xaf: {  	(xrf2) =	vadd.scan.msk.f32 $0xffff, v16;
	v16 =	vadd.f32 v25, v23;
	v23 =	vmul.f32 v1, v1;
	v25 =	vmul.f32 v2, v2  }
0xb0: {  	(xrf2) =	vadd.scan.msk.f32 $0xffff, v19;
	v19 =	vadd.f32 v26, v24;
	v24 =	vmul.f32 v22, v22;
	v26 =	vmul.f32 v14, v14  }
0xb1: {  	(xrf2) =	vadd.scan.msk.f32 $0xffff, v16;
	v16 =	vadd.f32 v25, v23;
	v23 =	vmul.f32 v21, v21;
	v25 =	vmul.f32 v13, v13  }
0xb2: {  	(xrf2) =	vadd.scan.msk.f32 $0xffff, v19;
	v19 =	vadd.f32 v26, v24  }
0xb3: {  	(xrf2) =	vadd.scan.msk.f32 $0xffff, v16;
	v16 =	vadd.f32 v25, v23;
	v23 =	vmul.f32 v15, v15;
	v24 =	vmul.f32 v12, v12  }
0xb4: {  	(xrf2) =	vadd.scan.msk.f32 $0xffff, v19  }
0xb5: {  	(xrf2) =	vadd.scan.msk.f32 $0xffff, v16;
	v16 =	vadd.f32 v24, v23  }
0xb6: {  	v19, _, _ =	vpop (xrf2)  }
0xb7: {  	v23, _, _ =	vpop (xrf2);
	(v2sf) =	vpush v19, $0xF  }
0xb8: {  	(v2sf) =	vpush v23, $0xF  }
0xb9: {  	(xrf2) =	vadd.scan.msk.f32 $0xffff, v16;
	v16, _, _ =	vpop (xrf2)  }
0xba: {  	(v2sf) =	vpush v16, $0xF  }
0xbb: {  	v19, _, _ =	vpop (xrf2)  }
0xbc: {  	(v2sf) =	vpush v19, $0xF  }
0xbd: {  	v16, _, _ =	vpop (xrf2)  }
0xbe: {  	(v2sf) =	vpush v16, $0xF;
	_ =	sdelay $0x1  }
0xbf: {  	v19, _, _ =	vpop (xrf2)  }
0xc0: {  	(v2sf) =	vpush v19, $0xF  }
0xc1: {  	v16, _, _ =	vpop (xrf2)  }
0xc2: {  	(v2sf) =	vpush v16, $0xF;
	_ =	sdelay $0x1  }
0xc3: {  	v19, _, _ =	vpop (xrf2)  }
0xc4: {  	(v2sf) =	vpush v19, $0xF;
	s4 =	spop (v2sf)  }
0xc5: {  	s5 =	spop (v2sf);
	s18 =	smul.f32 $5.000000000e-01, s4;
	s1 =	sshra.s32 s4, $0x1  }
0xc6: {  	s2 =	smul.f32 $5.000000000e-01, s5;
	s1 =	ssub.s32 $0x5F3759DF, s1  }
0xc7: {  	v16, _, _ =	vpop (xrf2);
	s3 =	sshra.s32 s5, $0x1;
	s6 =	spop (v2sf);
	s24 =	smul.f32 s1, s18  }
0xc8: {  	(v2sf) =	vpush v16, $0xF;
	s3 =	ssub.s32 $0x5F3759DF, s3;
	s7 =	smul.f32 $5.000000000e-01, s6  }
0xc9: {  	s8 =	spop (v2sf);
	s26 =	smul.f32 s3, s2  }
0xca: {  	s17 =	smul.f32 $5.000000000e-01, s8  }
0xcb: {  	v19, _, _ =	vpop (xrf2);
	s4 =	sshra.s32 s6, $0x1;
	s10 =	spop (v2sf);
	s24 =	smul.f32 s1, s24  }
0xcc: {  	(v2sf) =	vpush v19, $0xF;
	s4 =	ssub.s32 $0x5F3759DF, s4;
	s11 =	smul.f32 $5.000000000e-01, s10  }
0xcd: {  	v16, _, _ =	vpop (xrf2);
	v19 =	vld [tilespmem:s22+$0x10670];
	s28 =	smul.f32 s4, s7  }
0xce: {  	(v2sf) =	vpush v16, $0xF;
	v16 =	vld [tilespmem:s22+$0x10660];
	s5 =	sshra.s32 s8, $0x1;
	s14 =	spop (v2sf);
	s26 =	smul.f32 s3, s26  }
0xcf: {  	s5 =	ssub.s32 $0x5F3759DF, s5;
	[smem:$0x7FB] =	sst s17;
	s13 =	smul.f32 $5.000000000e-01, s14  }
0xd0: {  	s16 =	spop (v2sf);
	s17 =	smul.f32 s5, s17  }
0xd1: {  	s6 =	sshra.s32 s10, $0x1;
	s19 =	smul.f32 $5.000000000e-01, s16  }
0xd2: {  	s24 =	ssub.f32 $1.500000000e+00, s24;
	s6 =	ssub.s32 $0x5F3759DF, s6;
	s28 =	smul.f32 s4, s28  }
0xd3: {  	v24 =	vmul.f32 v19, v19;
	v23 =	vmul.f32 v16, v16;
	s20 =	spop (v2sf);
	s29 =	smul.f32 s6, s11  }
0xd4: {  	s12 =	smul.f32 $5.000000000e-01, s20  }
0xd5: {  	v23 =	vadd.f32 v24, v23;
	s14 =	sshra.s32 s14, $0x1;
	s1 =	smul.f32 s1, s24  }
0xd6: {  	s26 =	ssub.f32 $1.500000000e+00, s26;
	s14 =	ssub.s32 $0x5F3759DF, s14;
	s24 =	smul.f32 s5, s17  }
0xd7: {  	(xrf2) =	vadd.scan.msk.f32 $0xffff, v23;
	s21 =	spop (v2sf);
	s31 =	smul.f32 s14, s13  }
0xd8: {  	s9 =	smul.f32 $5.000000000e-01, s21  }
0xd9: {  	s16 =	sshra.s32 s16, $0x1;
	s3 =	smul.f32 s3, s26  }
0xda: {  	[dreg:$0x1f] =	wrdreg s11;
	s16 =	ssub.s32 $0x5F3759DF, s16;
	s26 =	smul.f32 s6, s29  }
0xdb: {  	s20 =	sshra.s32 s20, $0x1;
	s0 =	spop (v2sf);
	s8 =	smul.f32 s16, s19  }
0xdc: {  	s28 =	ssub.f32 $1.500000000e+00, s28;
	s20 =	ssub.s32 $0x5F3759DF, s20;
	s15 =	smul.f32 $5.000000000e-01, s0  }
0xdd: {  	s23 =	spop (v2sf);
	s11 =	smul.f32 s20, s12  }
0xde: {  	s25 =	smul.f32 $5.000000000e-01, s23  }
0xdf: {  	s21 =	sshra.s32 s21, $0x1;
	s28 =	smul.f32 s4, s28  }
0xe0: {  	s24 =	ssub.f32 $1.500000000e+00, s24;
	s21 =	ssub.s32 $0x5F3759DF, s21;
	s4 =	smul.f32 s14, s31  }
0xe1: {  	s17 =	smul.f32 s21, s9;
	v23, _, _ =	vpop (xrf2)  }
0xe2: {  	s10 =	smov.u32 s13;
	s13 =	sshra.s32 s0, $0x1;
	s24 =	smul.f32 s5, s24;
	(v2sf) =	vpush v23, $0xF  }
0xe3: {  	s26 =	ssub.f32 $1.500000000e+00, s26;
	s29 =	ssub.s32 $0x5F3759DF, s13;
	s5 =	smul.f32 s16, s8  }
0xe4: {  	s8 =	smul.f32 s29, s15  }
0xe5: {  	s6 =	smul.f32 s6, s26  }
0xe6: {  	[smem:$0x7FD] =	sst s15;
	s15 =	sshra.s32 s23, $0x1;
	s26 =	smul.f32 s20, s11  }
0xe7: {  	s4 =	ssub.f32 $1.500000000e+00, s4;
	s13 =	smul.f32 s21, s17;
	s0 =	ssub.s32 $0x5F3759DF, s15  }
0xe8: {  	s17 =	smul.f32 s0, s25  }
0xe9: {  	s5 =	ssub.f32 $1.500000000e+00, s5;
	s14 =	smul.f32 s14, s4  }
0xea: {  	s4 =	smul.f32 s3, s2  }
0xeb: {  	s31 =	ssub.f32 $1.500000000e+00, s26;
	s26 =	smul.f32 s16, s5  }
0xec: {  	s5 =	smul.f32 s29, s8  }
0xed: {  	s23 =	smul.f32 s0, s17  }
0xee: {  	s30 =	smul.f32 s20, s31;
	s20 =	ssub.f32 $1.500000000e+00, s13  }
0xef: {  	[smem:$0x7FC] =	sst s9;
	s8 =	smul.f32 s28, s7  }
0xf0: {  	s5 =	ssub.f32 $1.500000000e+00, s5;
	s17 =	smul.f32 s21, s20  }
0xf1: {  	s20 =	smul.f32 s8, s28;
	s9 =	spop (v2sf)  }
0xf2: {  	s11 =	smul.f32 $5.000000000e-01, s9;
	s16 =	sshra.s32 s9, $0x1  }
0xf3: {  	s15 =	smov.u32 s25;
	s25 =	smul.f32 s29, s5;
	s16 =	ssub.s32 $0x5F3759DF, s16  }
0xf4: {  	s31 =	smul.f32 s16, s11  }
0xf5: {  	s29 =	smul.f32 s1, s18  }
0xf6: {  	s31 =	smul.f32 s16, s31  }
0xf7: {  	s21 =	ssub.f32 $1.500000000e+00, s23;
	s5 =	smul.f32 s29, s1  }
0xf8: {  	s29 =	smul.f32 s26, s19;
	s23 =	ssub.f32 $1.500000000e+00, s31  }
0xf9: {  	s31 =	smul.f32 s0, s21  }
0xfa: {  	s5 =	ssub.f32 $1.500000000e+00, s5;
	s0 =	smul.f32 s16, s23  }
0xfb: {  	s16 =	smul.f32 s4, s3;
	s4 =	sld [smem:$0x7FB]  }
0xfc: {  	s5 =	smul.f32 s5, s1;
	s9 =	smov.u32 s2;
	s2 =	rddreg [dreg:$0x1f]  }
0xfd: {  	s23 =	smul.f32 s6, s2  }
0xfe: {  	s13 =	smov.u32 s18;
	s18 =	smul.f32 s24, s4  }
0xff: {  	s16 =	ssub.f32 $1.500000000e+00, s16;
	s1 =	smul.f32 s23, s6  }
0x100: {  	s21 =	smul.f32 s18, s24  }
0x101: {  	s20 =	ssub.f32 $1.500000000e+00, s20;
	s18 =	smul.f32 s16, s3  }
0x102: {  	s3 =	smov.u32 s12;
	s12 =	smul.f32 s30, s12  }
0x103: {  	s16 =	smul.f32 s20, s28  }
0x104: {  	s21 =	ssub.f32 $1.500000000e+00, s21;
	s28 =	smul.f32 s12, s30  }
0x105: {  	s9 =	smul.f32 s18, s9  }
0x106: {  	s8 =	smul.f32 s21, s24  }
0x107: {  	s24 =	smul.f32 s14, s10  }
0x108: {  	v24 =	vld [tilespmem:s22+$0x14610];
	s7 =	smul.f32 s16, s7  }
0x109: {  	v23 =	vld [tilespmem:s22+$0x14600];
	s1 =	ssub.f32 $1.500000000e+00, s1;
	s20 =	smul.f32 s24, s14  }
0x10a: {  	s12 =	sld [smem:$0x7FD];
	s21 =	smul.f32 s29, s26  }
0x10b: {  	s7 =	smul.f32 s7, s16;
	s20 =	ssub.f32 $1.500000000e+00, s20  }
0x10c: {  	s24 =	smul.f32 s1, s6;
	s21 =	ssub.f32 $1.500000000e+00, s21  }
0x10d: {  	s29 =	ssub.f32 $1.500000000e+00, s28;
	s23 =	smul.f32 s20, s14  }
0x10e: {  	v26 =	vmul.f32 v24, v24;
	v25 =	vmul.f32 v23, v23;
	s20 =	smul.f32 s21, s26  }
0x10f: {  	s21 =	smul.f32 s29, s30;
	s30 =	sld [smem:$0x7FC]  }
0x110: {  	v25 =	vadd.f32 v26, v25;
	s14 =	smul.f32 s25, s12  }
0x111: {  	v29 =	vld [tilespmem:s22+$0x14630];
	s26 =	smul.f32 s31, s15  }
0x112: {  	(xrf2) =	vadd.scan.msk.f32 $0xffff, v25;
	v25 =	vld [tilespmem:s22+$0x14620];
	s6 =	smul.f32 s17, s30  }
0x113: {  	s29 =	smul.f32 s0, s11  }
0x114: {  	s1 =	smul.f32 s6, s17  }
0x115: {  	s6 =	smul.f32 s14, s25  }
0x116: {  	s14 =	smul.f32 s26, s31;
	s1 =	ssub.f32 $1.500000000e+00, s1  }
0x117: {  	v30 =	vmul.f32 v29, v29;
	v27 =	vmul.f32 v25, v25;
	s26 =	smul.f32 s29, s0;
	s6 =	ssub.f32 $1.500000000e+00, s6  }
0x118: {  	s29 =	smul.f32 s1, s17  }
0x119: {  	v27 =	vadd.f32 v30, v27;
	s28 =	smul.f32 s6, s25  }
0x11a: {  	s25 =	ssub.f32 $1.500000000e+00, s26;
	s26 =	smul.f32 s5, s13  }
0x11b: {  	(xrf2) =	vadd.scan.msk.f32 $0xffff, v27;
	s7 =	ssub.f32 $1.500000000e+00, s7;
	s13 =	smul.f32 s20, s19  }
0x11c: {  	s17 =	ssub.f32 $1.500000000e+00, s14;
	s14 =	smul.f32 s21, s3  }
0x11d: {  	s19 =	smul.f32 s7, s16  }
0x11e: {  	s6 =	smul.f32 s17, s31  }
0x11f: {  	v26, _, _ =	vpop (xrf2);
	s1 =	smul.f32 s25, s0  }
0x120: {  	v28 =	vld [tilespmem:s22+$0x14650];
	(v2sf) =	vpush v26, $0xF;
	s25 =	smul.f32 s8, s4  }
0x121: {  	v26 =	vld [tilespmem:s22+$0x14640];
	s17 =	smul.f32 s24, s2  }
0x122: {  	s31 =	smov.u32 s8;
	s8 =	smul.f32 s23, s10  }
0x123: {  	s2 =	smul.f32 s29, s30  }
0x124: {  	s3 =	smul.f32 s28, s12  }
0x125: {  	v34, _, _ =	vpop (xrf2);
	s0 =	smul.f32 s26, s5  }
0x126: {  	v33 =	vmul.f32 v28, v28;
	v32 =	vmul.f32 v26, v26;
	(v2sf) =	vpush v34, $0xF;
	s12 =	smul.f32 s9, s18  }
0x127: {  	s15 =	smul.f32 s6, s15  }
0x128: {  	v30 =	vadd.f32 v33, v32;
	s4 =	smul.f32 s1, s11  }
0x129: {  	s9 =	smul.f32 s25, s31  }
0x12a: {  	(xrf2) =	vadd.scan.msk.f32 $0xffff, v30;
	s10 =	smul.f32 s17, s24  }
0x12b: {  	s17 =	smul.f32 s8, s23  }
0x12c: {  	s8 =	smul.f32 s13, s20  }
0x12d: {  	s11 =	smul.f32 s14, s21  }
0x12e: {  	s13 =	smul.f32 s2, s29;
	s0 =	ssub.f32 $1.500000000e+00, s0  }
0x12f: {  	s14 =	smul.f32 s3, s28;
	s25 =	spop (v2sf)  }
0x130: {  	v43 =	vld [tilespmem:s22+$0x600];
	s2 =	ssub.f32 $1.500000000e+00, s12;
	s26 =	sshra.s32 s25, $0x1;
	s25 =	smul.f32 $5.000000000e-01, s25  }
0x131: {  	v27 =	vld [tilespmem:s22+$0x14660];
	s0 =	smul.f32 s0, s5  }
0x132: {  	v30 =	vld [tilespmem:s22+$0x14670];
	s12 =	smul.f32 s2, s18  }
0x133: {  	v44 =	vld [tilespmem:s22+$0x610];
	s15 =	smul.f32 s15, s6;
	s9 =	ssub.f32 $1.500000000e+00, s9  }
0x134: {  	v45, _, _ =	vpop (xrf2);
	s5 =	ssub.s32 $0x5F3759DF, s26;
	s4 =	smul.f32 s4, s1;
	s16 =	ssub.f32 $1.500000000e+00, s8  }
0x135: {  	(v2sf) =	vpush v45, $0xF;
	s8 =	spop (v2sf);
	s3 =	smul.f32 s5, s25  }
0x136: {  	s7 =	smul.f32 $5.000000000e-01, s8  }
0x137: {  	v46 =	vmul.f32 v27, v27;
	v35 =	vmul.f32 v30, v30;
	s18 =	smul.f32 s9, s31;
	s9 =	ssub.f32 $1.500000000e+00, s10  }
0x138: {  	v36 =	vmul.f32 v43, v43;
	v37 =	vmul.f32 v44, v44;
	s10 =	ssub.f32 $1.500000000e+00, s17;
	s20 =	smul.f32 s16, s20  }
0x139: {  	v34 =	vadd.f32 v35, v46;
	s17 =	ssub.f32 $1.500000000e+00, s11;
	s2 =	smul.f32 s5, s3  }
0x13a: {  	v47 =	vadd.f32 v37, v36;
	s31 =	ssub.f32 $1.500000000e+00, s14;
	s26 =	smul.f32 s9, s24  }
0x13b: {  	(xrf2) =	vadd.scan.msk.f32 $0xffff, v34;
	s15 =	ssub.f32 $1.500000000e+00, s15;
	s23 =	smul.f32 s10, s23  }
0x13c: {  	(xrf2) =	vadd.scan.msk.f32 $0xffff, v47;
	s11 =	smul.f32 s17, s21;
	s2 =	ssub.f32 $1.500000000e+00, s2  }
0x13d: {  	s24 =	ssub.f32 $1.500000000e+00, s13;
	s13 =	smul.f32 s31, s28  }
0x13e: {  	s2 =	smul.f32 s5, s2  }
0x13f: {  	s28 =	smul.f32 s15, s6  }
0x140: {  	s5 =	smul.f32 s2, s25  }
0x141: {  	s9 =	sshra.s32 s8, $0x1;
	s3 =	smul.f32 s24, s29  }
0x142: {  	s8 =	ssub.s32 $0x5F3759DF, s9;
	s5 =	smul.f32 s5, s2  }
0x143: {  	s16 =	smul.f32 s8, s7  }
0x144: {  	s5 =	ssub.f32 $1.500000000e+00, s5;
	s10 =	spop (v2sf)  }
0x145: {  	v34, _, _ =	vpop (xrf2);
	s9 =	smul.f32 $5.000000000e-01, s10  }
0x146: {  	v35, _, _ =	vpop (xrf2);
	s14 =	sshra.s32 s10, $0x1;
	s2 =	smul.f32 s5, s2  }
0x147: {  	(v2sf) =	vpush v35, $0xF;
	s10 =	ssub.s32 $0x5F3759DF, s14;
	s14 =	smul.f32 s8, s16  }
0x148: {  	v38 =	vld [tilespmem:s22+$0x8600];
	(v2sf) =	vpush v34, $0xF;
	s17 =	smul.f32 s10, s9  }
0x149: {  	v39 =	vld [tilespmem:s22+$0x8610];
	s5 =	smul.f32 s2, s25;
	s14 =	ssub.f32 $1.500000000e+00, s14  }
0x14a: {  	s16 =	smul.f32 s10, s17  }
0x14b: {  	s8 =	smul.f32 s8, s14  }
0x14c: {  	s5 =	smul.f32 s5, s2;
	s21 =	ssub.f32 $1.500000000e+00, s16  }
0x14d: {  	v50 =	vld [tilespmem:s22+$0x620];
	s24 =	smul.f32 s8, s7  }
0x14e: {  	v51 =	vld [tilespmem:s22+$0x630];
	v48 =	vmul.f32 v38, v38;
	v49 =	vmul.f32 v39, v39;
	s6 =	smul.f32 s10, s21  }
0x14f: {  	s4 =	ssub.f32 $1.500000000e+00, s4;
	s10 =	smul.f32 s24, s8  }
0x150: {  	v34 =	vadd.f32 v49, v48;
	s25 =	smul.f32 s6, s9  }
0x151: {  	s30 =	smul.f32 s4, s1;
	s10 =	ssub.f32 $1.500000000e+00, s10  }
0x152: {  	(xrf2) =	vadd.scan.msk.f32 $0xffff, v34;
	s5 =	ssub.f32 $1.500000000e+00, s5;
	s14 =	smul.f32 s25, s6  }
0x153: {  	v52 =	vmul.f32 v50, v50;
	v53 =	vmul.f32 v51, v51;
	s31 =	smul.f32 s10, s8  }
0x154: {  	s2 =	smul.f32 s5, s2;
	s29 =	ssub.f32 $1.500000000e+00, s14  }
0x155: {  	v34 =	vadd.f32 v53, v52;
	s7 =	smul.f32 s31, s7  }
0x156: {  	s1 =	smul.f32 s29, s6;
	s6 =	spop (v2sf)  }
0x157: {  	(xrf2) =	vadd.scan.msk.f32 $0xffff, v34;
	s8 =	sshra.s32 s6, $0x1;
	s5 =	smul.f32 $5.000000000e-01, s6;
	s10 =	spop (v2sf)  }
0x158: {  	s6 =	ssub.s32 $0x5F3759DF, s8;
	s8 =	smul.f32 $5.000000000e-01, s10  }
0x159: {  	s14 =	sshra.s32 s10, $0x1;
	s9 =	smul.f32 s1, s9  }
0x15a: {  	s15 =	smul.f32 s6, s5;
	s10 =	ssub.s32 $0x5F3759DF, s14  }
0x15b: {  	v40 =	vld [tilespmem:s22+$0x8620];
	s16 =	smul.f32 s10, s8  }
0x15c: {  	v42 =	vld [tilespmem:s22+$0x8630];
	v54, _, _ =	vpop (xrf2);
	s14 =	smul.f32 s6, s15  }
0x15d: {  	(v2sf) =	vpush v54, $0xF;
	s15 =	smul.f32 s10, s16  }
0x15e: {  	v32 =	vmul.f32 v31, v43;
	v33 =	vmul.f32 v10, v44;
	s7 =	smul.f32 s7, s31;
	s14 =	ssub.f32 $1.500000000e+00, s14  }
0x15f: {  	s9 =	smul.f32 s9, s1;
	s15 =	ssub.f32 $1.500000000e+00, s15  }
0x160: {  	v32 =	vadd.f32 v33, v32;
	s6 =	smul.f32 s6, s14  }
0x161: {  	v55 =	vmul.f32 v40, v40;
	v56 =	vmul.f32 v42, v42;
	v57, _, _ =	vpop (xrf2);
	s10 =	smul.f32 s10, s15  }
0x162: {  	(xrf2) =	vadd.scan.msk.f32 $0xffff, v32;
	(v2sf) =	vpush v57, $0xF;
	s14 =	smul.f32 s6, s5  }
0x163: {  	v32 =	vadd.f32 v56, v55;
	s15 =	smul.f32 s10, s8  }
0x164: {  	s7 =	ssub.f32 $1.500000000e+00, s7;
	s14 =	smul.f32 s14, s6  }
0x165: {  	(xrf2) =	vadd.scan.msk.f32 $0xffff, v32;
	s17 =	ssub.f32 $1.500000000e+00, s9;
	s15 =	smul.f32 s15, s10  }
0x166: {  	s14 =	ssub.f32 $1.500000000e+00, s14  }
0x167: {  	s9 =	smul.f32 s7, s31;
	s15 =	ssub.f32 $1.500000000e+00, s15  }
0x168: {  	s6 =	smul.f32 s14, s6  }
0x169: {  	s10 =	smul.f32 s15, s10  }
0x16a: {  	s5 =	smul.f32 s6, s5  }
0x16b: {  	s8 =	smul.f32 s10, s8  }
0x16c: {  	v58, _, _ =	vpop (xrf2);
	s24 =	spop (v2sf);
	s5 =	smul.f32 s5, s6  }
0x16d: {  	(v2sf) =	vpush v58, $0xF;
	s14 =	smul.f32 $5.000000000e-01, s24  }
0x16e: {  	s15 =	smul.f32 s8, s10;
	s5 =	ssub.f32 $1.500000000e+00, s5  }
0x16f: {  	v59, _, _ =	vpop (xrf2);
	s25 =	sshra.s32 s24, $0x1;
	s8 =	smul.f32 s17, s1  }
0x170: {  	(v2sf) =	vpush v59, $0xF;
	s21 =	ssub.f32 $1.500000000e+00, s15;
	s5 =	smul.f32 s5, s6;
	s6 =	ssub.s32 $0x5F3759DF, s25  }
0x171: {  	s15 =	spop (v2sf);
	s31 =	smul.f32 s6, s14  }
0x172: {  	s1 =	smin.f32 s3, $1.000000000e+00;
	s4 =	smul.f32 $5.000000000e-01, s15  }
0x173: {  	s29 =	smin.f32 s5, $1.000000000e+00;
	s5 =	smul.f32 s6, s31  }
0x174: {  	s16 =	sshra.s32 s15, $0x1;
	s7 =	smul.f32 s21, s10;
	s10 =	smin.f32 s0, $1.000000000e+00  }
0x175: {  	v34 =	vld [tilespmem:s22+$0x650];
	s3 =	smul.f32 s1, s29;
	s0 =	ssub.f32 $1.500000000e+00, s5;
	s5 =	ssub.s32 $0x5F3759DF, s16  }
0x176: {  	v32 =	vld [tilespmem:s22+$0x640];
	s17 =	smul.f32 s5, s4  }
0x177: {  	s6 =	smul.f32 s6, s0  }
0x178: {  	v33 =	vld [tilespmem:s22+$0x8640];
	s0 =	smul.f32 s5, s17  }
0x179: {  	v35 =	vld [tilespmem:s22+$0x8650];
	s21 =	smul.f32 s6, s14  }
0x17a: {  	s3 =	smul.f32 s3, s10;
	s24 =	ssub.f32 $1.500000000e+00, s0  }
0x17b: {  	v43 =	vmul.f32 v34, v34;
	v41 =	vmul.f32 v32, v32;
	s15 =	smul.f32 s21, s6  }
0x17c: {  	v38 =	vmul.f32 v20, v38;
	v39 =	vmul.f32 v9, v39;
	s25 =	spop (v2sf);
	s29 =	smul.f32 s5, s24  }
0x17d: {  	v41 =	vadd.f32 v43, v41;
	s0 =	smul.f32 s3, s25;
	s15 =	ssub.f32 $1.500000000e+00, s15  }
0x17e: {  	v38 =	vadd.f32 v39, v38;
	v60 =	vmul.f32 v33, v33;
	v44 =	vmul.f32 v35, v35;
	s16 =	smul.f32 s29, s4  }
0x17f: {  	(xrf2) =	vadd.scan.msk.f32 $0xffff, v41;
	s17 =	spop (v2sf);
	s31 =	smul.f32 s15, s6  }
0x180: {  	v61 =	vadd.f32 v44, v60;
	(xrf2) =	vadd.scan.msk.f32 $0xffff, v38;
	s15 =	smul.f32 $5.000000000e-01, s17  }
0x181: {  	s21 =	sshra.s32 s17, $0x1;
	s6 =	smul.f32 s16, s29  }
0x182: {  	(xrf2) =	vadd.scan.msk.f32 $0xffff, v61;
	s16 =	ssub.s32 $0x5F3759DF, s21;
	s14 =	smul.f32 s31, s14  }
0x183: {  	v31 =	vmul.f32 s10, v31;
	v62 =	vmul.f32 s0, v22;
	s24 =	smul.f32 s16, s15;
	s6 =	ssub.f32 $1.500000000e+00, s6  }
0x184: {  	s14 =	smul.f32 s14, s31  }
0x185: {  	v31 =	vadd.f32 v62, v31;
	s6 =	smul.f32 s6, s29  }
0x186: {  	s29 =	smul.f32 s16, s24;
	s25 =	ssub.f32 $1.500000000e+00, s14  }
0x187: {  	s4 =	smul.f32 s6, s4  }
0x188: {  	s5 =	smul.f32 s25, s31;
	s31 =	ssub.f32 $1.500000000e+00, s29  }
0x189: {  	[tilespmem:s22+$0x600] =	vst v31;
	v31, _, _ =	vpop (xrf2);
	s4 =	smul.f32 s4, s6  }
0x18a: {  	v63 =	vmul.f32 v18, v50;
	v37 =	vmul.f32 v7, v51;
	(v2sf) =	vpush v31, $0xF;
	v31, _, _ =	vpop (xrf2);
	s3 =	smul.f32 s16, s31;
	s5 =	smin.f32 s5, $1.000000000e+00  }
0x18b: {  	v36 =	vld [tilespmem:s22+$0x660];
	(v2sf) =	vpush v31, $0xF;
	s1 =	smul.f32 s1, s5;
	s4 =	ssub.f32 $1.500000000e+00, s4  }
0x18c: {  	v41 =	vadd.f32 v37, v63;
	v37 =	vld [tilespmem:s22+$0x8660];
	v31, _, _ =	vpop (xrf2);
	s5 =	smul.f32 s3, s15  }
0x18d: {  	v39 =	vmul.f32 v6, v42;
	v38 =	vld [tilespmem:s22+$0x670];
	(v2sf) =	vpush v31, $0xF;
	v31 =	vmul.f32 v17, v40;
	s4 =	smul.f32 s4, s6;
	s6 =	simm.s32 $0x200  }
.LBB2_2:
0x18e: {  	_ =	sdelay $0x1  }
0x18f: {  	v51 =	vld [tilespmem:s22+$0x8670]  }
0x190: {  	s24 =	smin.f32 s12, $1.000000000e+00;
	s12 =	sshra.s32 s6, $0x2;
	s5 =	smul.f32 s5, s3  }
0x191: {  	(xrf2) =	vadd.scan.msk.f32 $0xffff, v41;
	v40 =	vadd.f32 v39, v31;
	v31 =	vld [tilespmem:s12+$0x4600]  }
0x192: {  	v39 =	vld [tilespmem:s12+$0x4610];
	s5 =	ssub.f32 $1.500000000e+00, s5  }
0x193: {  	v60 =	vmul.f32 v36, v36;
	v42 =	vmul.f32 v38, v38  }
0x194: {  	v43 =	vmul.f32 v37, v37;
	s14 =	smul.f32 s5, s3;
	v44 =	vmul.f32 v51, v51  }
0x195: {  	v62 =	vld [tilespmem:s12+$0xC600];
	(xrf2) =	vadd.scan.msk.f32 $0xffff, v40;
	v61 =	vadd.f32 v42, v60  }
0x196: {  	v41 =	vld [tilespmem:s12+$0xC610];
	s15 =	smul.f32 s14, s15;
	v43 =	vadd.f32 v44, v43  }
0x197: {  	s21 =	smul.f32 s1, s24;
	s1 =	smin.f32 s13, $1.000000000e+00;
	v49 =	vld [tilespmem:s12+$0x4620];
	v46 =	vmul.f32 v31, v31;
	v45 =	vmul.f32 v39, v39;
	(xrf2) =	vadd.scan.msk.f32 $0xffff, v61  }
0x198: {  	v52 =	vld [tilespmem:s12+$0xC620];
	s15 =	smul.f32 s15, s14;
	(xrf2) =	vadd.scan.msk.f32 $0xffff, v43;
	s25 =	spop (v2sf)  }
0x199: {  	v40 =	vld [tilespmem:s12+$0x4630];
	v63 =	vadd.f32 v45, v46;
	s29 =	sshra.s32 s25, $0x1;
	s3 =	smul.f32 $5.000000000e-01, s25;
	s31 =	spop (v2sf)  }
0x19a: {  	s13 =	smin.f32 s19, $1.000000000e+00;
	v44 =	vld [tilespmem:s12+$0xC630];
	s16 =	ssub.s32 $0x5F3759DF, s29;
	s19 =	smul.f32 s21, s31  }
0x19b: {  	s4 =	smin.f32 s4, $1.000000000e+00;
	v55 =	vmul.f32 s24, v20;
	v47 =	vmul.f32 v62, v62;
	v46 =	vld [tilespmem:s12+$0x4640];
	v48, _, _ =	vpop (xrf2);
	(xrf2) =	vadd.scan.msk.f32 $0xffff, v63;
	s5 =	smul.f32 s16, s3  }
0x19c: {  	[dreg:$0x8] =	wrdreg s6;
	s4 =	smul.f32 s1, s4;
	v50 =	vmul.f32 v41, v41;
	v43 =	vld [tilespmem:s12+$0x4650];
	v22 =	vmul.f32 s19, v22  }
0x19d: {  	s15 =	ssub.f32 $1.500000000e+00, s15;
	(v2sf) =	vpush v48, $0xF;
	s17 =	smul.f32 s16, s5  }
0x19e: {  	v56 =	vadd.f32 v50, v47;
	s25 =	spop (v2sf);
	s5 =	smul.f32 s4, s13;
	v50 =	vadd.f32 v22, v55  }
0x19f: {  	p0 =	sne.s32 s6, $0xFE00;
	v58 =	vmul.f32 v49, v49;
	v48 =	vmul.f32 v40, v40;
	v57, _, _ =	vpop (xrf2);
	s29 =	sshra.s32 s25, $0x1;
	s4 =	smul.f32 $5.000000000e-01, s25  }
0x1a0: {  	v20 =	vmovc v62;
	v59 =	vmul.f32 v52, v52;
	v60 =	vmul.f32 v44, v44;
	s6 =	smul.f32 s15, s14;
	(v2sf) =	vpush v57, $0xF;
	s15 =	ssub.s32 $0x5F3759DF, s29;
	s21 =	ssub.f32 $1.500000000e+00, s17;
	[tilespmem:s22+$0x8600] =	vst v50  }
0x1a1: {  	(xrf2) =	vadd.scan.msk.f32 $0xffff, v56;
	v61 =	vmul.f32 v46, v46;
	v47 =	vadd.f32 v48, v58;
	v62 =	vmul.f32 v43, v43;
	s31 =	smul.f32 s15, s4;
	v22, _, _ =	vpop (xrf2);
	v45 =	vld [tilespmem:s12+$0xC640]  }
0x1a2: {  	v53 =	vadd.f32 v60, v59;
	s14 =	smul.f32 s16, s21;
	v42 =	vld [tilespmem:s12+$0xC650];
	(v2sf) =	vpush v22, $0xF;
	v22, _, _ =	vpop (xrf2)  }
0x1a3: {  	(xrf2) =	vadd.scan.msk.f32 $0xffff, v47;
	s17 =	smul.f32 s15, s31;
	(v2sf) =	vpush v22, $0xF;
	v22 =	vadd.f32 v62, v61  }
0x1a4: {  	s6 =	smin.f32 s6, $1.000000000e+00;
	(xrf2) =	vadd.scan.msk.f32 $0xffff, v53;
	s16 =	smul.f32 s14, s3  }
0x1a5: {  	s1 =	smul.f32 s1, s6;
	v47, _, _ =	vpop (xrf2);
	s21 =	ssub.f32 $1.500000000e+00, s17;
	(xrf2) =	vadd.scan.msk.f32 $0xffff, v22  }
0x1a6: {  	s16 =	smul.f32 s16, s14  }
0x1a7: {  	s6 =	smul.f32 s15, s21;
	s15 =	smin.f32 s18, $1.000000000e+00;
	v63 =	vmul.f32 v45, v45;
	v56 =	vmul.f32 v42, v42  }
0x1a8: {  	s1 =	smul.f32 s1, s15;
	s16 =	ssub.f32 $1.500000000e+00, s16  }
0x1a9: {  	v32 =	vmul.f32 v11, v32;
	v34 =	vmul.f32 v5, v34;
	s25 =	smul.f32 s6, s4;
	v22 =	vadd.f32 v56, v63  }
0x1aa: {  	s14 =	smul.f32 s16, s14  }
0x1ab: {  	v33 =	vmul.f32 v8, v33;
	v35 =	vmul.f32 v3, v35;
	v50, _, _ =	vpop (xrf2);
	s16 =	smul.f32 s25, s6;
	(xrf2) =	vadd.scan.msk.f32 $0xffff, v22;
	v22 =	vadd.f32 v34, v32  }
0x1ac: {  	s29 =	spop (v2sf);
	s3 =	smul.f32 s14, s3  }
0x1ad: {  	v59 =	vadd.f32 v35, v33;
	s18 =	smul.f32 s5, s29;
	v48, _, _ =	vpop (xrf2);
	s31 =	ssub.f32 $1.500000000e+00, s16;
	(xrf2) =	vadd.scan.msk.f32 $0xffff, v22  }
0x1ae: {  	v32, _, _ =	vpop (xrf2);
	s3 =	smul.f32 s3, s14  }
0x1af: {  	v58 =	vmul.f32 s13, v18;
	v57 =	vmul.f32 s18, v21;
	s16 =	spop (v2sf);
	s5 =	smul.f32 s31, s6;
	v33, _, _ =	vpop (xrf2);
	(xrf2) =	vadd.scan.msk.f32 $0xffff, v59  }
0x1b0: {  	s31 =	smul.f32 s1, s16  }
0x1b1: {  	v22 =	vadd.f32 v57, v58;
	s3 =	ssub.f32 $1.500000000e+00, s3  }
0x1b2: {  	v61 =	vmul.f32 s15, v17;
	s4 =	smul.f32 s5, s4;
	v21 =	vmul.f32 s31, v21  }
0x1b3: {  	v18 =	vmov v49;
	v60 =	vmul.f32 v4, v38;
	v49 =	vld [tilespmem:s12+$0x4660];
	[tilespmem:s22+$0x620] =	vst v22;
	v22 =	vmul.f32 v0, v36;
	s21 =	spop (v2sf);
	s14 =	smul.f32 s3, s14  }
0x1b4: {  	v35 =	vld [tilespmem:s12+$0x4670];
	s3 =	smin.f32 s28, $1.000000000e+00;
	s4 =	smul.f32 s4, s5;
	v21 =	vadd.f32 v21, v61  }
0x1b5: {  	v51 =	vmul.f32 v2, v51;
	v62 =	vmul.f32 v1, v37;
	v36 =	vld [tilespmem:s12+$0xC660];
	v22 =	vadd.f32 v60, v22;
	s6 =	smul.f32 $5.000000000e-01, s21;
	s29 =	spop (v2sf)  }
0x1b6: {  	v37 =	vld [tilespmem:s12+$0xC670];
	s25 =	sshra.s32 s21, $0x1;
	s16 =	smul.f32 $5.000000000e-01, s29;
	s17 =	smin.f32 s14, $1.000000000e+00;
	[tilespmem:s22+$0x8620] =	vst v21;
	v34, _, _ =	vpop (xrf2)  }
0x1b7: {  	v21 =	vadd.f32 v51, v62;
	s14 =	smul.f32 s3, s17;
	s17 =	ssub.s32 $0x5F3759DF, s25;
	s25 =	sshra.s32 s29, $0x1;
	(xrf2) =	vadd.scan.msk.f32 $0xffff, v22;
	v22 =	vld [tilespmem:s12+$0x10600];
	v58, _, _ =	vpop (xrf2)  }
0x1b8: {  	v55 =	vld [tilespmem:s12+$0x10610];
	s28 =	smul.f32 s17, s6;
	s25 =	ssub.s32 $0x5F3759DF, s25;
	(v2sf) =	vpush v58, $0xF  }
0x1b9: {  	s29 =	smul.f32 s25, s16;
	(xrf2) =	vadd.scan.msk.f32 $0xffff, v21;
	v61, _, _ =	vpop (xrf2)  }
0x1ba: {  	s1 =	smin.f32 s26, $1.000000000e+00;
	s21 =	smul.f32 s17, s28;
	(v2sf) =	vpush v61, $0xF  }
0x1bb: {  	v63 =	vmul.f32 v49, v49;
	v57 =	vmul.f32 v35, v35;
	s28 =	ssub.f32 $1.500000000e+00, s4;
	s29 =	smul.f32 s25, s29  }
0x1bc: {  	s4 =	smul.f32 s14, s1;
	s26 =	ssub.f32 $1.500000000e+00, s21  }
0x1bd: {  	v54 =	vadd.f32 v57, v63;
	s5 =	smul.f32 s28, s5;
	v62 =	vmul.f32 v22, v22;
	v63 =	vmul.f32 v55, v55;
	s21 =	ssub.f32 $1.500000000e+00, s29  }
0x1be: {  	v59 =	vmul.f32 v36, v36;
	v60 =	vmul.f32 v37, v37;
	s14 =	smul.f32 s17, s26  }
0x1bf: {  	(xrf2) =	vadd.scan.msk.f32 $0xffff, v54;
	v54 =	vadd.f32 v63, v62;
	s17 =	smul.f32 s25, s21  }
0x1c0: {  	v17 =	vmov v52;
	v38 =	vld [tilespmem:s12+$0x10630];
	v52 =	vadd.f32 v60, v59;
	s29 =	smul.f32 s14, s6  }
0x1c1: {  	v56 =	vld [tilespmem:s12+$0x10640];
	s26 =	smul.f32 s17, s16  }
0x1c2: {  	v21 =	vld [tilespmem:s12+$0x10620];
	(xrf2) =	vadd.scan.msk.f32 $0xffff, v52;
	v57, _, _ =	vpop (xrf2);
	s25 =	smul.f32 s29, s14  }
0x1c3: {  	s2 =	smin.f32 s2, $1.000000000e+00;
	v51 =	vld [tilespmem:s12+$0x10650];
	(xrf2) =	vadd.scan.msk.f32 $0xffff, v54;
	(v2sf) =	vpush v57, $0xF;
	s26 =	smul.f32 s26, s17;
	v54, _, _ =	vpop (xrf2)  }
0x1c4: {  	v53 =	vld [tilespmem:s12+$0x10670];
	s5 =	smin.f32 s5, $1.000000000e+00;
	s25 =	ssub.f32 $1.500000000e+00, s25;
	(v2sf) =	vpush v54, $0xF  }
0x1c5: {  	v52 =	vld [tilespmem:s12+$0x10660];
	s28 =	smul.f32 s3, s5;
	s21 =	ssub.f32 $1.500000000e+00, s26  }
0x1c6: {  	s9 =	smin.f32 s9, $1.000000000e+00;
	s14 =	smul.f32 s25, s14  }
0x1c7: {  	v59 =	vmul.f32 v38, v38;
	v58 =	vmul.f32 v21, v21;
	s17 =	smul.f32 s21, s17;
	s26 =	spop (v2sf);
	(v2sf) =	vpush v47, $0xF  }
0x1c8: {  	s7 =	smin.f32 s7, $1.000000000e+00;
	v61 =	vmul.f32 v56, v56;
	v62 =	vmul.f32 v51, v51;
	s6 =	smul.f32 s14, s6;
	(v2sf) =	vpush v50, $0xF  }
0x1c9: {  	v60 =	vadd.f32 v59, v58;
	s25 =	smul.f32 s17, s16;
	s21 =	spop (v2sf);
	(v2sf) =	vpush v48, $0xF  }
0x1ca: {  	s3 =	smin.f32 s23, $1.000000000e+00;
	v59 =	vmul.f32 v53, v53;
	v57 =	vadd.f32 v62, v61;
	v58 =	vmul.f32 v52, v52;
	s6 =	smul.f32 s6, s14  }
0x1cb: {  	s5 =	smin.f32 s30, $1.000000000e+00;
	(xrf2) =	vadd.scan.msk.f32 $0xffff, v60;
	v60 =	vmul.f32 s10, v10;
	s10 =	smul.f32 s25, s17  }
0x1cc: {  	v63 =	vadd.f32 v59, v58;
	v58 =	vmul.f32 s15, v6;
	s15 =	smul.f32 s28, s3;
	v54, _, _ =	vpop (xrf2);
	(xrf2) =	vadd.scan.msk.f32 $0xffff, v57;
	v57 =	vmul.f32 s13, v7;
	s13 =	ssub.f32 $1.500000000e+00, s6  }
0x1cd: {  	s29 =	smul.f32 s4, s26;
	s16 =	ssub.f32 $1.500000000e+00, s10  }
0x1ce: {  	v29 =	vmul.f32 s9, v29;
	v10 =	vmov v39;
	v39 =	vmul.f32 s24, v9;
	s24 =	smin.f32 s20, $1.000000000e+00;
	s4 =	smul.f32 s13, s14  }
0x1cf: {  	v25 =	vmul.f32 s9, v25;
	s25 =	smin.f32 s11, $1.000000000e+00;
	s17 =	smul.f32 s16, s17  }
0x1d0: {  	v23 =	vmul.f32 s2, v23;
	[tilespmem:s22+$0x14630] =	vst v29;
	s23 =	smul.f32 s15, s21;
	s4 =	smin.f32 s4, $1.000000000e+00  }
0x1d1: {  	v29 =	vmul.f32 s1, v11;
	[tilespmem:s22+$0x14620] =	vst v25;
	v25 =	vmul.f32 s1, v5;
	s1 =	smin.f32 s17, $1.000000000e+00;
	s4 =	smul.f32 s5, s4  }
0x1d2: {  	v30 =	vmul.f32 s7, v30;
	v61 =	vmul.f32 s2, v24;
	s26 =	spop (v2sf);
	s1 =	smul.f32 s5, s1  }
0x1d3: {  	v59 =	vmul.f32 s31, v13;
	v24, _, _ =	vpop (xrf2);
	(xrf2) =	vadd.scan.msk.f32 $0xffff, v63;
	v63 =	vmul.f32 s0, v14;
	s4 =	smul.f32 s4, s24;
	s31 =	spop (v2sf);
	(v2sf) =	vpush v32, $0xF  }
0x1d4: {  	v11 =	vmovc v46;
	[tilespmem:s22+$0x14600] =	vst v23;
	v46 =	vmul.f32 s19, v14;
	v23 =	vmul.f32 s29, v15;
	s1 =	smul.f32 s1, s25;
	(v2sf) =	vpush v33, $0xF  }
0x1d5: {  	s8 =	smin.f32 s8, $1.000000000e+00;
	[tilespmem:s22+$0x14670] =	vst v30;
	v30 =	vadd.f32 v63, v60;
	v48 =	vmul.f32 s3, v3;
	v60 =	vmul.f32 s29, v12;
	s29 =	smul.f32 s4, s26  }
0x1d6: {  	v23 =	vadd.f32 v23, v29;
	v29 =	vmul.f32 s3, v8;
	v63 =	vmul.f32 s23, v12;
	s3 =	smul.f32 s1, s31;
	s4 =	spop (v2sf)  }
0x1d7: {  	v47 =	vmul.f32 s7, v27;
	(v2sf) =	vpush v34, $0xF;
	s5 =	spop (v2sf);
	s7 =	smul.f32 $5.000000000e-01, s4  }
0x1d8: {  	v39 =	vadd.f32 v46, v39;
	v46 =	vadd.f32 v63, v48;
	s1 =	sshra.s32 s4, $0x1;
	s6 =	spop (v2sf);
	s9 =	smul.f32 $5.000000000e-01, s5  }
0x1d9: {  	[tilespmem:s22+$0x14660] =	vst v47;
	v47 =	vmul.f32 s3, v16;
	v48 =	vmul.f32 s3, v19;
	(v2sf) =	vpush v54, $0xF;
	s1 =	ssub.s32 $0x5F3759DF, s1;
	s3 =	sshra.s32 s5, $0x1;
	s11 =	smul.f32 $5.000000000e-01, s6  }
0x1da: {  	(v2sf) =	vpush v24, $0xF;
	s31 =	smul.f32 s1, s7;
	s3 =	ssub.s32 $0x5F3759DF, s3;
	s4 =	sshra.s32 s6, $0x1  }
0x1db: {  	[tilespmem:s22+$0x14610] =	vst v61;
	v61 =	vmul.f32 s8, v28;
	v28, _, _ =	vpop (xrf2);
	s21 =	smul.f32 s3, s9;
	s4 =	ssub.s32 $0x5F3759DF, s4  }
0x1dc: {  	(v2sf) =	vpush v28, $0xF;
	s2 =	smul.f32 s4, s11  }
0x1dd: {  	v62 =	vmul.f32 s8, v26;
	v26, _, _ =	vpop (xrf2);
	s31 =	smul.f32 s1, s31  }
0x1de: {  	(v2sf) =	vpush v26, $0xF;
	s21 =	smul.f32 s3, s21  }
0x1df: {  	s31 =	ssub.f32 $1.500000000e+00, s31  }
0x1e0: {  	[tilespmem:s22+$0x14640] =	vst v62;
	v27, _, _ =	vpop (xrf2);
	s2 =	smul.f32 s4, s2;
	s21 =	ssub.f32 $1.500000000e+00, s21  }
0x1e1: {  	[tilespmem:s22+$0x14650] =	vst v61;
	[dreg:$0xf] =	wrdreg s7;
	(v2sf) =	vpush v27, $0xF;
	s1 =	smul.f32 s1, s31  }
0x1e2: {  	v6 =	vmov v44;
	[tilespmem:s22+$0x8610] =	vst v39;
	v50 =	vmul.f32 s18, v13;
	v44, _, _ =	vpop (xrf2);
	s14 =	spop (v2sf);
	s3 =	smul.f32 s3, s21  }
0x1e3: {  	v62 =	vadd.f32 v59, v58;
	[tilespmem:s22+$0x610] =	vst v30;
	(v2sf) =	vpush v44, $0xF;
	s15 =	smul.f32 $5.000000000e-01, s14;
	s16 =	spop (v2sf);
	s5 =	sshra.s32 s14, $0x1  }
0x1e4: {  	v30 =	vadd.f32 v50, v57;
	[tilespmem:s22+$0x640] =	vst v23;
	v23 =	vmul.f32 s23, v15;
	s18 =	smul.f32 $5.000000000e-01, s16;
	s5 =	ssub.s32 $0x5F3759DF, s5;
	s6 =	sshra.s32 s16, $0x1  }
0x1e5: {  	v14 =	vmov v55;
	v55 =	vmul.f32 s24, v0;
	[tilespmem:s22+$0x8630] =	vst v62;
	v25 =	vadd.f32 v60, v25;
	[dreg:$0x10] =	wrdreg s11;
	s7 =	smul.f32 s5, s15;
	s6 =	ssub.s32 $0x5F3759DF, s6  }
0x1e6: {  	v8 =	vmovc v45;
	[tilespmem:s22+$0x630] =	vst v30;
	v23 =	vadd.f32 v23, v29;
	v29 =	vmul.f32 s24, v4;
	v45 =	vmul.f32 s29, v19;
	s11 =	smul.f32 s6, s18;
	s24 =	spop (v2sf)  }
0x1e7: {  	[tilespmem:s22+$0x650] =	vst v25;
	v30 =	vmul.f32 s29, v16;
	[dreg:$0xa] =	wrdreg s15;
	s29 =	smul.f32 $5.000000000e-01, s24  }
0x1e8: {  	s20 =	smov.u32 s12;
	[tilespmem:s22+$0x8640] =	vst v23;
	v23 =	vmul.f32 s25, v2;
	v29 =	vadd.f32 v45, v29;
	s17 =	spop (v2sf);
	s11 =	smul.f32 s6, s11  }
0x1e9: {  	v61 =	vmul.f32 s25, v1;
	[tilespmem:s22+$0x8650] =	vst v46;
	v25 =	vadd.f32 v30, v55;
	s14 =	sshra.s32 s24, $0x1;
	s12 =	smul.f32 $5.000000000e-01, s17;
	s23 =	spop (v2sf)  }
0x1ea: {  	v23 =	vadd.f32 v48, v23;
	[tilespmem:s22+$0x670] =	vst v29;
	[dreg:$0xd] =	wrdreg s18;
	s15 =	ssub.s32 $0x5F3759DF, s14;
	s13 =	smul.f32 $5.000000000e-01, s23  }
0x1eb: {  	v30 =	vadd.f32 v47, v61;
	[tilespmem:s22+$0x660] =	vst v25;
	s24 =	sshra.s32 s17, $0x1;
	s25 =	spop (v2sf);
	s18 =	smul.f32 s15, s29  }
0x1ec: {  	[tilespmem:s22+$0x8670] =	vst v23;
	[dreg:$0xe] =	wrdreg s29;
	s16 =	ssub.s32 $0x5F3759DF, s24;
	s8 =	smul.f32 $5.000000000e-01, s25  }
0x1ed: {  	[tilespmem:s22+$0x8660] =	vst v30;
	s29 =	sshra.s32 s23, $0x1;
	s22 =	spop (v2sf);
	s23 =	smul.f32 s16, s12  }
0x1ee: {  	s28 =	ssub.s32 $0x5F3759DF, s29;
	s0 =	smul.f32 $5.000000000e-01, s22  }
0x1ef: {  	[dreg:$0x9] =	wrdreg s9;
	s9 =	sshra.s32 s25, $0x1;
	s25 =	smul.f32 s28, s13  }
0x1f0: {  	s26 =	spop (v2sf);
	s18 =	smul.f32 s15, s18  }
0x1f1: {  	s24 =	ssub.s32 $0x5F3759DF, s9;
	s10 =	smul.f32 $5.000000000e-01, s26  }
0x1f2: {  	s17 =	sshra.s32 s22, $0x1;
	s30 =	spop (v2sf);
	s22 =	smul.f32 s24, s8  }
0x1f3: {  	s2 =	ssub.f32 $1.500000000e+00, s2;
	s29 =	ssub.s32 $0x5F3759DF, s17;
	s19 =	smul.f32 $5.000000000e-01, s30  }
0x1f4: {  	[dreg:$0xc] =	wrdreg s13;
	s13 =	smov.u32 s8;
	s8 =	smul.f32 s29, s0  }
0x1f5: {  	s26 =	sshra.s32 s26, $0x1;
	s17 =	smul.f32 s28, s25  }
0x1f6: {  	s14 =	ssub.s32 $0x5F3759DF, s26;
	s26 =	smul.f32 s4, s2  }
0x1f7: {  	[dreg:$0xb] =	wrdreg s12;
	s30 =	sshra.s32 s30, $0x1;
	s9 =	smul.f32 s14, s10  }
0x1f8: {  	s12 =	smov.u32 s0;
	s0 =	ssub.s32 $0x5F3759DF, s30;
	s25 =	smul.f32 s24, s22  }
0x1f9: {  	s30 =	smul.f32 s0, s19  }
0x1fa: {  	[dreg:$0x13] =	wrdreg s10;
	s10 =	smov.u32 s19;
	s19 =	smul.f32 s5, s7  }
0x1fb: {  	s31 =	ssub.f32 $1.500000000e+00, s18;
	s7 =	smul.f32 s16, s23  }
0x1fc: {  	s8 =	smul.f32 s29, s8  }
0x1fd: {  	s23 =	ssub.f32 $1.500000000e+00, s11;
	s31 =	smul.f32 s15, s31  }
0x1fe: {  	s18 =	ssub.f32 $1.500000000e+00, s17;
	s22 =	smul.f32 s14, s9  }
0x1ff: {  	s9 =	smul.f32 s0, s30;
	s19 =	ssub.f32 $1.500000000e+00, s19  }
0x200: {  	s23 =	smul.f32 s6, s23;
	s11 =	ssub.f32 $1.500000000e+00, s7  }
0x201: {  	s30 =	smul.f32 s28, s18;
	s7 =	rddreg [dreg:$0x9]  }
0x202: {  	s2 =	smul.f32 s3, s7  }
0x203: {  	s21 =	ssub.f32 $1.500000000e+00, s8;
	s5 =	smul.f32 s5, s19  }
0x204: {  	s16 =	smul.f32 s16, s11  }
0x205: {  	s19 =	ssub.f32 $1.500000000e+00, s25;
	s15 =	smul.f32 s29, s21  }
0x206: {  	s25 =	ssub.f32 $1.500000000e+00, s22;
	s2 =	smul.f32 s2, s3  }
0x207: {  	s6 =	ssub.f32 $1.500000000e+00, s9;
	s28 =	smul.f32 s24, s19  }
0x208: {  	s24 =	smul.f32 s14, s25  }
0x209: {  	s22 =	smov.u32 s20;
	s20 =	rddreg [dreg:$0x10];
	s4 =	smul.f32 s0, s6  }
0x20a: {  	s8 =	rddreg [dreg:$0xa];
	s6 =	smul.f32 s26, s20  }
0x20b: {  	s9 =	rddreg [dreg:$0xd];
	s7 =	smul.f32 s5, s8  }
0x20c: {  	s11 =	rddreg [dreg:$0xe];
	s8 =	smul.f32 s23, s9  }
0x20d: {  	s9 =	smul.f32 s31, s11  }
0x20e: {  	s25 =	rddreg [dreg:$0xf];
	s19 =	smul.f32 s15, s12  }
0x20f: {  	s14 =	rddreg [dreg:$0xb];
	s0 =	smul.f32 s1, s25  }
0x210: {  	s17 =	rddreg [dreg:$0xc];
	s11 =	smul.f32 s16, s14  }
0x211: {  	[dreg:$0x12] =	wrdreg s12;
	s14 =	smul.f32 s30, s17  }
0x212: {  	s12 =	rddreg [dreg:$0x13];
	s18 =	smul.f32 s28, s13  }
0x213: {  	s21 =	smul.f32 s24, s12  }
0x214: {  	s29 =	smul.f32 s4, s10  }
0x215: {  	s6 =	smul.f32 s6, s26  }
0x216: {  	s7 =	smul.f32 s7, s5  }
0x217: {  	s8 =	smul.f32 s8, s23  }
0x218: {  	s9 =	smul.f32 s9, s31  }
0x219: {  	s0 =	smul.f32 s0, s1  }
0x21a: {  	s17 =	smul.f32 s18, s28  }
0x21b: {  	[dreg:$0x11] =	wrdreg s10;
	s18 =	smul.f32 s19, s15  }
0x21c: {  	s19 =	smul.f32 s21, s24;
	s0 =	ssub.f32 $1.500000000e+00, s0  }
0x21d: {  	s2 =	ssub.f32 $1.500000000e+00, s2;
	s21 =	smul.f32 s29, s4  }
0x21e: {  	s10 =	ssub.f32 $1.500000000e+00, s7;
	s29 =	smul.f32 s0, s1  }
0x21f: {  	s1 =	ssub.f32 $1.500000000e+00, s6;
	s6 =	smul.f32 s2, s3  }
0x220: {  	s3 =	smul.f32 s10, s5;
	s5 =	ssub.f32 $1.500000000e+00, s9  }
0x221: {  	v24 =	vld [tilespmem:s22+$0x14610];
	s11 =	smul.f32 s11, s16;
	s9 =	ssub.f32 $1.500000000e+00, s17  }
0x222: {  	v23 =	vld [tilespmem:s22+$0x14600];
	s14 =	smul.f32 s14, s30;
	s10 =	ssub.f32 $1.500000000e+00, s18  }
0x223: {  	s18 =	rddreg [dreg:$0x9];
	s1 =	smul.f32 s1, s26  }
0x224: {  	s26 =	ssub.f32 $1.500000000e+00, s8;
	s17 =	smul.f32 s29, s25  }
0x225: {  	s2 =	smul.f32 s6, s18  }
0x226: {  	s7 =	ssub.f32 $1.500000000e+00, s11;
	s26 =	smul.f32 s26, s23  }
0x227: {  	v25 =	vmul.f32 v23, v23;
	v26 =	vmul.f32 v24, v24;
	s8 =	ssub.f32 $1.500000000e+00, s14;
	s23 =	smul.f32 s5, s31  }
0x228: {  	s31 =	smul.f32 s7, s16  }
0x229: {  	v25 =	vadd.f32 v26, v25;
	s16 =	smul.f32 s8, s30  }
0x22a: {  	s11 =	ssub.f32 $1.500000000e+00, s19;
	s30 =	smul.f32 s9, s28  }
0x22b: {  	(xrf2) =	vadd.scan.msk.f32 $0xffff, v25;
	s14 =	ssub.f32 $1.500000000e+00, s21;
	s28 =	smul.f32 s10, s15  }
0x22c: {  	s15 =	smul.f32 s11, s24  }
0x22d: {  	s24 =	smul.f32 s14, s4  }
0x22e: {  	s19 =	smul.f32 s1, s20  }
0x22f: {  	s0 =	smul.f32 s17, s29  }
0x230: {  	v29 =	vld [tilespmem:s22+$0x14630];
	s7 =	rddreg [dreg:$0xa];
	s17 =	smul.f32 s2, s6  }
0x231: {  	v25 =	vld [tilespmem:s22+$0x14620];
	s8 =	rddreg [dreg:$0xd];
	s5 =	smul.f32 s3, s7  }
0x232: {  	v28 =	vld [tilespmem:s22+$0x14650];
	s9 =	rddreg [dreg:$0xe];
	s7 =	smul.f32 s26, s8  }
0x233: {  	v26 =	vld [tilespmem:s22+$0x14640];
	s10 =	rddreg [dreg:$0xb];
	s8 =	smul.f32 s23, s9  }
0x234: {  	s11 =	rddreg [dreg:$0xc];
	s9 =	smul.f32 s31, s10  }
0x235: {  	s14 =	smul.f32 s16, s11;
	v27, _, _ =	vpop (xrf2)  }
0x236: {  	v30 =	vmul.f32 v29, v29;
	s21 =	rddreg [dreg:$0x12];
	s13 =	smul.f32 s30, s13;
	(v2sf) =	vpush v27, $0xF;
	v27 =	vmul.f32 v25, v25  }
0x237: {  	s25 =	smul.f32 s28, s21  }
0x238: {  	v0 =	vmovc v49;
	v49 =	vmul.f32 v28, v28;
	s20 =	rddreg [dreg:$0x11];
	s12 =	smul.f32 s15, s12;
	v27 =	vadd.f32 v30, v27;
	v30 =	vmul.f32 v26, v26  }
0x239: {  	s10 =	smul.f32 s24, s20  }
0x23a: {  	s18 =	smul.f32 s19, s1;
	(xrf2) =	vadd.scan.msk.f32 $0xffff, v27;
	v27 =	vadd.f32 v49, v30  }
0x23b: {  	s19 =	smul.f32 s5, s3  }
0x23c: {  	s7 =	smul.f32 s7, s26;
	(xrf2) =	vadd.scan.msk.f32 $0xffff, v27  }
0x23d: {  	s20 =	smul.f32 s8, s23  }
0x23e: {  	s9 =	smul.f32 s9, s31  }
0x23f: {  	s11 =	smul.f32 s14, s16  }
0x240: {  	s0 =	ssub.f32 $1.500000000e+00, s0;
	s13 =	smul.f32 s13, s30  }
0x241: {  	s5 =	smul.f32 s25, s28  }
0x242: {  	v50 =	vld [tilespmem:s22+$0x600];
	s0 =	smul.f32 s0, s29;
	s29 =	ssub.f32 $1.500000000e+00, s19  }
0x243: {  	s4 =	smul.f32 s12, s15;
	s7 =	ssub.f32 $1.500000000e+00, s7;
	v30 =	vld [tilespmem:s22+$0x14670]  }
0x244: {  	v12 =	vmov v51;
	s2 =	smul.f32 s10, s24;
	s5 =	ssub.f32 $1.500000000e+00, s5;
	v27 =	vld [tilespmem:s22+$0x14660];
	v51, _, _ =	vpop (xrf2)  }
0x245: {  	v16 =	vmov v52;
	v52 =	vld [tilespmem:s22+$0x610];
	s26 =	smul.f32 s7, s26;
	s21 =	spop (v2sf);
	(v2sf) =	vpush v51, $0xF  }
0x246: {  	s25 =	sshra.s32 s21, $0x1;
	s8 =	smul.f32 $5.000000000e-01, s21;
	s21 =	ssub.f32 $1.500000000e+00, s17;
	v55, _, _ =	vpop (xrf2)  }
0x247: {  	s14 =	ssub.s32 $0x5F3759DF, s25;
	s25 =	ssub.f32 $1.500000000e+00, s18;
	(v2sf) =	vpush v55, $0xF;
	s18 =	smul.f32 s29, s3  }
0x248: {  	s17 =	ssub.f32 $1.500000000e+00, s20;
	s12 =	smul.f32 s14, s8  }
0x249: {  	v19 =	vmov v53;
	v54 =	vmul.f32 v30, v30;
	v53 =	vmul.f32 v27, v27;
	s29 =	ssub.f32 $1.500000000e+00, s13;
	s13 =	smul.f32 s5, s28  }
0x24a: {  	v57 =	vmul.f32 v50, v50;
	v58 =	vmul.f32 v52, v52;
	s10 =	smul.f32 s14, s12  }
0x24b: {  	v15 =	vmov v56;
	v56 =	vadd.f32 v54, v53;
	s23 =	smul.f32 s17, s23  }
0x24c: {  	v59 =	vadd.f32 v58, v57;
	s19 =	smul.f32 s25, s1;
	s10 =	ssub.f32 $1.500000000e+00, s10  }
0x24d: {  	(xrf2) =	vadd.scan.msk.f32 $0xffff, v56;
	s7 =	smul.f32 s29, s30  }
0x24e: {  	(xrf2) =	vadd.scan.msk.f32 $0xffff, v59;
	s14 =	smul.f32 s14, s10  }
0x24f: {  	s25 =	ssub.f32 $1.500000000e+00, s11;
	s12 =	smul.f32 s21, s6  }
0x250: {  	s20 =	smul.f32 s14, s8  }
0x251: {  	s21 =	ssub.f32 $1.500000000e+00, s9;
	s11 =	smul.f32 s25, s16  }
0x252: {  	s6 =	smul.f32 s20, s14  }
0x253: {  	s20 =	smul.f32 s21, s31  }
0x254: {  	s6 =	ssub.f32 $1.500000000e+00, s6;
	s10 =	spop (v2sf)  }
0x255: {  	s1 =	smul.f32 $5.000000000e-01, s10  }
0x256: {  	s3 =	smul.f32 s6, s14;
	s16 =	spop (v2sf)  }
0x257: {  	v60, _, _ =	vpop (xrf2);
	s14 =	sshra.s32 s10, $0x1;
	s5 =	smul.f32 $5.000000000e-01, s16  }
0x258: {  	v61, _, _ =	vpop (xrf2);
	s17 =	ssub.s32 $0x5F3759DF, s14;
	s21 =	sshra.s32 s16, $0x1;
	s9 =	smul.f32 s3, s8  }
0x259: {  	(v2sf) =	vpush v61, $0xF;
	s25 =	smul.f32 s17, s1;
	s10 =	ssub.s32 $0x5F3759DF, s21  }
0x25a: {  	(v2sf) =	vpush v60, $0xF;
	s29 =	smul.f32 s10, s5  }
0x25b: {  	v62 =	vld [tilespmem:s22+$0x8600];
	s4 =	ssub.f32 $1.500000000e+00, s4;
	s8 =	smul.f32 s17, s25  }
0x25c: {  	v63 =	vld [tilespmem:s22+$0x8610];
	s14 =	smul.f32 s10, s29  }
0x25d: {  	s28 =	smul.f32 s4, s15;
	s8 =	ssub.f32 $1.500000000e+00, s8  }
0x25e: {  	s31 =	smul.f32 s9, s3;
	s14 =	ssub.f32 $1.500000000e+00, s14  }
0x25f: {  	s8 =	smul.f32 s17, s8  }
0x260: {  	v45 =	vld [tilespmem:s22+$0x620];
	s6 =	smul.f32 s10, s14  }
0x261: {  	v5 =	vmov v43;
	v46 =	vld [tilespmem:s22+$0x630];
	v43 =	vmul.f32 v62, v62;
	v44 =	vmul.f32 v63, v63;
	s9 =	smul.f32 s8, s1  }
0x262: {  	s10 =	smul.f32 s6, s5  }
0x263: {  	v34 =	vadd.f32 v44, v43;
	s2 =	ssub.f32 $1.500000000e+00, s2;
	s9 =	smul.f32 s9, s8  }
0x264: {  	s4 =	ssub.f32 $1.500000000e+00, s31;
	s10 =	smul.f32 s10, s6  }
0x265: {  	s30 =	smul.f32 s2, s24;
	(xrf2) =	vadd.scan.msk.f32 $0xffff, v34;
	s9 =	ssub.f32 $1.500000000e+00, s9  }
0x266: {  	v47 =	vmul.f32 v45, v45;
	v48 =	vmul.f32 v46, v46;
	s2 =	smul.f32 s4, s3;
	s15 =	ssub.f32 $1.500000000e+00, s10  }
0x267: {  	s3 =	smul.f32 s9, s8  }
0x268: {  	v34 =	vadd.f32 v48, v47;
	s16 =	spop (v2sf);
	s4 =	smul.f32 s15, s6  }
0x269: {  	s17 =	sshra.s32 s16, $0x1;
	s21 =	spop (v2sf);
	s6 =	smul.f32 $5.000000000e-01, s16  }
0x26a: {  	(xrf2) =	vadd.scan.msk.f32 $0xffff, v34;
	s8 =	ssub.s32 $0x5F3759DF, s17;
	s24 =	sshra.s32 s21, $0x1;
	s9 =	smul.f32 $5.000000000e-01, s21  }
0x26b: {  	s10 =	ssub.s32 $0x5F3759DF, s24;
	s25 =	smul.f32 s8, s6  }
0x26c: {  	s29 =	smul.f32 s10, s9  }
0x26d: {  	s14 =	smul.f32 s8, s25  }
0x26e: {  	s15 =	smul.f32 s10, s29  }
0x26f: {  	v32 =	vmul.f32 v31, v50;
	v49 =	vld [tilespmem:s22+$0x8620];
	v50, _, _ =	vpop (xrf2);
	s1 =	smul.f32 s3, s1;
	s14 =	ssub.f32 $1.500000000e+00, s14  }
0x270: {  	v51 =	vld [tilespmem:s22+$0x8630];
	(v2sf) =	vpush v50, $0xF;
	s5 =	smul.f32 s4, s5;
	s15 =	ssub.f32 $1.500000000e+00, s15  }
0x271: {  	v33 =	vmul.f32 v10, v52;
	s8 =	smul.f32 s8, s14  }
0x272: {  	s10 =	smul.f32 s10, s15  }
0x273: {  	v32 =	vadd.f32 v33, v32;
	s14 =	smul.f32 s8, s6  }
0x274: {  	v54, _, _ =	vpop (xrf2);
	s15 =	smul.f32 s10, s9  }
0x275: {  	v52 =	vmul.f32 v49, v49;
	v53 =	vmul.f32 v51, v51;
	(xrf2) =	vadd.scan.msk.f32 $0xffff, v32;
	(v2sf) =	vpush v54, $0xF;
	s14 =	smul.f32 s14, s8  }
0x276: {  	s15 =	smul.f32 s15, s10  }
0x277: {  	v32 =	vadd.f32 v53, v52;
	s5 =	smul.f32 s5, s4;
	s14 =	ssub.f32 $1.500000000e+00, s14  }
0x278: {  	s1 =	smul.f32 s1, s3;
	s15 =	ssub.f32 $1.500000000e+00, s15  }
0x279: {  	(xrf2) =	vadd.scan.msk.f32 $0xffff, v32;
	s5 =	ssub.f32 $1.500000000e+00, s5;
	s14 =	smul.f32 s14, s8  }
0x27a: {  	s10 =	smul.f32 s15, s10  }
0x27b: {  	s8 =	smul.f32 s5, s4  }
0x27c: {  	s6 =	smul.f32 s14, s6  }
0x27d: {  	s31 =	smul.f32 s10, s9  }
0x27e: {  	s1 =	ssub.f32 $1.500000000e+00, s1;
	s6 =	smul.f32 s6, s14  }
0x27f: {  	v55, _, _ =	vpop (xrf2);
	s16 =	spop (v2sf);
	s15 =	smul.f32 s31, s10  }
0x280: {  	(v2sf) =	vpush v55, $0xF;
	s9 =	smul.f32 s1, s3;
	s6 =	ssub.f32 $1.500000000e+00, s6  }
0x281: {  	s3 =	smul.f32 $5.000000000e-01, s16;
	s5 =	ssub.f32 $1.500000000e+00, s15  }
0x282: {  	s17 =	sshra.s32 s16, $0x1;
	s15 =	smul.f32 s6, s14  }
0x283: {  	v56, _, _ =	vpop (xrf2);
	s1 =	smin.f32 s7, $1.000000000e+00;
	s6 =	ssub.s32 $0x5F3759DF, s17;
	s7 =	smul.f32 s5, s10  }
0x284: {  	(v2sf) =	vpush v56, $0xF;
	s29 =	spop (v2sf);
	s24 =	smul.f32 s6, s3  }
0x285: {  	s5 =	smul.f32 $5.000000000e-01, s29  }
0x286: {  	s31 =	sshra.s32 s29, $0x1;
	s25 =	smul.f32 s6, s24  }
0x287: {  	s10 =	smin.f32 s0, $1.000000000e+00;
	s14 =	ssub.s32 $0x5F3759DF, s31;
	s21 =	smin.f32 s15, $1.000000000e+00  }
0x288: {  	s15 =	smul.f32 s14, s5;
	s0 =	ssub.f32 $1.500000000e+00, s25  }
0x289: {  	v34 =	vld [tilespmem:s22+$0x650];
	s4 =	smul.f32 s1, s21  }
0x28a: {  	v32 =	vld [tilespmem:s22+$0x640];
	s6 =	smul.f32 s6, s0  }
0x28b: {  	s0 =	smul.f32 s14, s15  }
0x28c: {  	v4 =	vmov v35;
	v35 =	vld [tilespmem:s22+$0x8650];
	s16 =	smul.f32 s6, s3  }
0x28d: {  	v33 =	vld [tilespmem:s22+$0x8640];
	s4 =	smul.f32 s4, s10;
	s17 =	ssub.f32 $1.500000000e+00, s0  }
0x28e: {  	s15 =	smul.f32 s16, s6  }
0x28f: {  	v9 =	vmov v41;
	v58 =	vmul.f32 v34, v34;
	v57 =	vmul.f32 v32, v32;
	s21 =	spop (v2sf);
	s24 =	smul.f32 s14, s17  }
0x290: {  	v13 =	vmov v38;
	v38 =	vmul.f32 v20, v62;
	v41 =	vmul.f32 v9, v63;
	s0 =	smul.f32 s4, s21;
	s15 =	ssub.f32 $1.500000000e+00, s15  }
0x291: {  	v59 =	vadd.f32 v58, v57;
	s14 =	smul.f32 s24, s5  }
0x292: {  	v38 =	vadd.f32 v41, v38;
	v61 =	vmul.f32 v35, v35;
	v60 =	vmul.f32 v33, v33;
	s6 =	smul.f32 s15, s6  }
0x293: {  	(xrf2) =	vadd.scan.msk.f32 $0xffff, v59;
	s25 =	spop (v2sf);
	s14 =	smul.f32 s14, s24  }
0x294: {  	v41 =	vadd.f32 v61, v60;
	(xrf2) =	vadd.scan.msk.f32 $0xffff, v38;
	s29 =	sshra.s32 s25, $0x1;
	s15 =	smul.f32 $5.000000000e-01, s25  }
0x295: {  	s16 =	ssub.s32 $0x5F3759DF, s29;
	s3 =	smul.f32 s6, s3  }
0x296: {  	(xrf2) =	vadd.scan.msk.f32 $0xffff, v41;
	s14 =	ssub.f32 $1.500000000e+00, s14;
	s31 =	smul.f32 s16, s15  }
0x297: {  	s3 =	smul.f32 s3, s6  }
0x298: {  	s4 =	smul.f32 s14, s24  }
0x299: {  	v31 =	vmul.f32 s10, v31;
	s21 =	smul.f32 s16, s31;
	s3 =	ssub.f32 $1.500000000e+00, s3  }
0x29a: {  	s5 =	smul.f32 s4, s5  }
0x29b: {  	v62 =	vmul.f32 s0, v22;
	s3 =	smul.f32 s3, s6  }
0x29c: {  	s24 =	ssub.f32 $1.500000000e+00, s21;
	s5 =	smul.f32 s5, s4  }
.Ltmp0:
0x29d: {  	v38 =	vadd.f32 v62, v31;
	v31, _, _ =	vpop (xrf2);
	(pc) =	sbr.rel @p0 .LBB2_2-.Ltmp0, $4  }
0x29e: {  	v7 =	vmov v40;
	(v2sf) =	vpush v31, $0xF;
	v31, _, _ =	vpop (xrf2);
	s25 =	smin.f32 s3, $1.000000000e+00;
	s3 =	smul.f32 s16, s24  }
0x29f: {  	v1 =	vmovc v36;
	v2 =	vmovc v37;
	v36 =	vld [tilespmem:s22+$0x660];
	v37 =	vmul.f32 v7, v46;
	(v2sf) =	vpush v31, $0xF;
	v31 =	vmul.f32 v18, v45;
	s29 =	ssub.f32 $1.500000000e+00, s5;
	s1 =	smul.f32 s1, s25  }
0x2a0: {  	v39 =	vmul.f32 v6, v51;
	[tilespmem:s22+$0x600] =	vst v38;
	v38 =	vld [tilespmem:s22+$0x670];
	v63, _, _ =	vpop (xrf2);
	s31 =	rddreg [dreg:$0x8];
	s5 =	smul.f32 s3, s15  }
0x2a1: {  	v3 =	vmovc v42;
	(v2sf) =	vpush v63, $0xF;
	v41 =	vadd.f32 v37, v31;
	v31 =	vmul.f32 v17, v49;
	v37 =	vld [tilespmem:s22+$0x8660];
	s6 =	sadd.s32 $0x200, s31;
	s4 =	smul.f32 s29, s4  }
0x2a2: {  	_ =	sdelay $0x4  }
0x2a3: {  	s5 =	smul.f32 s5, s3  }
0x2a4: {  	v40 =	vld [tilespmem:s22+$0x8670];
	(xrf2) =	vadd.scan.msk.f32 $0xffff, v41  }
0x2a5: {  	s5 =	ssub.f32 $1.500000000e+00, s5;
	_ =	sdelay $0x1  }
0x2a6: {  	s12 =	smin.f32 s12, $1.000000000e+00;
	v31 =	vadd.f32 v39, v31;
	s24 =	smul.f32 s5, s3  }
0x2a7: {  	s1 =	smul.f32 s1, s12;
	v46 =	vmul.f32 v36, v36;
	v42 =	vmul.f32 v38, v38  }
0x2a8: {  	(xrf2) =	vadd.scan.msk.f32 $0xffff, v31;
	v47 =	vmul.f32 v37, v37;
	v43 =	vmul.f32 v40, v40;
	s15 =	smul.f32 s24, s15;
	s25 =	spop (v2sf)  }
0x2a9: {  	v41 =	vadd.f32 v42, v46;
	s29 =	sshra.s32 s25, $0x1;
	s14 =	smul.f32 $5.000000000e-01, s25  }
0x2aa: {  	v48 =	vadd.f32 v43, v47;
	s15 =	smul.f32 s15, s24;
	s16 =	ssub.s32 $0x5F3759DF, s29  }
0x2ab: {  	s6 =	smin.f32 s13, $1.000000000e+00;
	(xrf2) =	vadd.scan.msk.f32 $0xffff, v41;
	s13 =	smul.f32 s16, s14  }
0x2ac: {  	s5 =	smin.f32 s19, $1.000000000e+00;
	(xrf2) =	vadd.scan.msk.f32 $0xffff, v48;
	s19 =	ssub.f32 $1.500000000e+00, s15  }
0x2ad: {  	v49, _, _ =	vpop (xrf2);
	s31 =	spop (v2sf);
	s17 =	smul.f32 s16, s13  }
0x2ae: {  	(v2sf) =	vpush v49, $0xF;
	s13 =	smul.f32 s1, s31  }
0x2af: {  	s1 =	smul.f32 s19, s24;
	s24 =	spop (v2sf)  }
0x2b0: {  	s4 =	smin.f32 s4, $1.000000000e+00;
	s25 =	sshra.s32 s24, $0x1;
	s3 =	smul.f32 $5.000000000e-01, s24  }
0x2b1: {  	s4 =	smul.f32 s6, s4;
	s21 =	ssub.f32 $1.500000000e+00, s17;
	s29 =	ssub.s32 $0x5F3759DF, s25  }
0x2b2: {  	v50, _, _ =	vpop (xrf2);
	s17 =	smul.f32 s29, s3  }
0x2b3: {  	(v2sf) =	vpush v50, $0xF;
	s15 =	smul.f32 s16, s21  }
0x2b4: {  	s17 =	smul.f32 s29, s17  }
0x2b5: {  	v51, _, _ =	vpop (xrf2);
	s31 =	smul.f32 s15, s14  }
0x2b6: {  	s4 =	smul.f32 s4, s5;
	(v2sf) =	vpush v51, $0xF;
	v52, _, _ =	vpop (xrf2);
	s17 =	ssub.f32 $1.500000000e+00, s17  }
0x2b7: {  	(v2sf) =	vpush v52, $0xF;
	s19 =	smul.f32 s31, s15  }
0x2b8: {  	s1 =	smin.f32 s1, $1.000000000e+00;
	s21 =	smul.f32 s29, s17  }
0x2b9: {  	s1 =	smul.f32 s6, s1;
	s19 =	ssub.f32 $1.500000000e+00, s19  }
0x2ba: {  	v53 =	vmul.f32 v11, v32;
	v54 =	vmul.f32 v5, v34;
	s25 =	smul.f32 s21, s3  }
0x2bb: {  	s24 =	smul.f32 s19, s15  }
0x2bc: {  	v31 =	vadd.f32 v54, v53;
	s15 =	smul.f32 s25, s21  }
0x2bd: {  	s29 =	spop (v2sf);
	s14 =	smul.f32 s24, s14  }
0x2be: {  	(xrf2) =	vadd.scan.msk.f32 $0xffff, v31;
	s16 =	smul.f32 s4, s29;
	s31 =	ssub.f32 $1.500000000e+00, s15  }
0x2bf: {  	s14 =	smul.f32 s14, s24  }
0x2c0: {  	s15 =	smin.f32 s18, $1.000000000e+00;
	s4 =	smul.f32 s31, s21  }
0x2c1: {  	s1 =	smul.f32 s1, s15;
	s21 =	ssub.f32 $1.500000000e+00, s14  }
0x2c2: {  	v55 =	vmul.f32 v8, v33;
	v56 =	vmul.f32 v3, v35;
	s14 =	spop (v2sf);
	s3 =	smul.f32 s4, s3  }
0x2c3: {  	s1 =	smul.f32 s1, s14  }
0x2c4: {  	v31 =	vadd.f32 v56, v55;
	s6 =	smul.f32 s21, s24  }
0x2c5: {  	s24 =	spop (v2sf);
	s3 =	smul.f32 s3, s4  }
0x2c6: {  	(xrf2) =	vadd.scan.msk.f32 $0xffff, v31;
	s25 =	sshra.s32 s24, $0x1;
	s17 =	smul.f32 $5.000000000e-01, s24;
	s29 =	spop (v2sf)  }
0x2c7: {  	v58 =	vmul.f32 v0, v36;
	v59 =	vmul.f32 v4, v38;
	s18 =	ssub.s32 $0x5F3759DF, s25;
	s21 =	sshra.s32 s29, $0x1;
	s19 =	smul.f32 $5.000000000e-01, s29  }
0x2c8: {  	v60 =	vmul.f32 v1, v37;
	v57, _, _ =	vpop (xrf2);
	s21 =	ssub.s32 $0x5F3759DF, s21;
	s31 =	smul.f32 s18, s17  }
0x2c9: {  	v61 =	vmul.f32 v2, v40;
	v32 =	vadd.f32 v59, v58;
	(v2sf) =	vpush v57, $0xF;
	s3 =	ssub.f32 $1.500000000e+00, s3;
	s24 =	smul.f32 s21, s19  }
0x2ca: {  	s25 =	smov.u32 s22;
	s6 =	smin.f32 s6, $1.000000000e+00;
	s22 =	smul.f32 s18, s31  }
0x2cb: {  	v31 =	vadd.f32 v61, v60;
	(xrf2) =	vadd.scan.msk.f32 $0xffff, v32;
	s3 =	smul.f32 s3, s4;
	s31 =	smin.f32 s28, $1.000000000e+00  }
0x2cc: {  	s24 =	smul.f32 s21, s24;
	s22 =	ssub.f32 $1.500000000e+00, s22  }
0x2cd: {  	(xrf2) =	vadd.scan.msk.f32 $0xffff, v31;
	s6 =	smul.f32 s31, s6;
	s3 =	smin.f32 s3, $1.000000000e+00  }
0x2ce: {  	s29 =	ssub.f32 $1.500000000e+00, s24;
	s14 =	smul.f32 s18, s22  }
0x2cf: {  	s18 =	smul.f32 s31, s3  }
0x2d0: {  	v62, _, _ =	vpop (xrf2);
	s4 =	smul.f32 s21, s29  }
0x2d1: {  	(v2sf) =	vpush v62, $0xF;
	s22 =	smul.f32 s14, s17  }
0x2d2: {  	s24 =	smul.f32 s4, s19  }
0x2d3: {  	s21 =	smul.f32 s22, s14  }
0x2d4: {  	s29 =	smul.f32 s24, s4  }
0x2d5: {  	v20 =	vmul.f32 s12, v20;
	v22 =	vmul.f32 s13, v22;
	v63, _, _ =	vpop (xrf2);
	s3 =	smin.f32 s26, $1.000000000e+00;
	s28 =	ssub.f32 $1.500000000e+00, s21  }
0x2d6: {  	v18 =	vmul.f32 s5, v18;
	v33 =	vmul.f32 s16, v21;
	(v2sf) =	vpush v63, $0xF;
	s6 =	smul.f32 s6, s3;
	s21 =	ssub.f32 $1.500000000e+00, s29  }
0x2d7: {  	s2 =	smin.f32 s2, $1.000000000e+00;
	v20 =	vadd.f32 v22, v20;
	v34, _, _ =	vpop (xrf2);
	s14 =	smul.f32 s28, s14  }
0x2d8: {  	v18 =	vadd.f32 v33, v18;
	s31 =	spop (v2sf);
	(v2sf) =	vpush v34, $0xF;
	s21 =	smul.f32 s21, s4  }
0x2d9: {  	s9 =	smin.f32 s9, $1.000000000e+00;
	v36 =	vmul.f32 s2, v24;
	[tilespmem:s25+$0x8600] =	vst v20;
	s17 =	smul.f32 s14, s17  }
0x2da: {  	s8 =	smin.f32 s8, $1.000000000e+00;
	v37 =	vmul.f32 s9, v29;
	[tilespmem:s25+$0x620] =	vst v18;
	s24 =	smul.f32 s21, s19  }
0x2db: {  	s7 =	smin.f32 s7, $1.000000000e+00;
	v38 =	vmul.f32 s8, v28;
	[tilespmem:s25+$0x14610] =	vst v36;
	s22 =	smul.f32 s17, s14  }
0x2dc: {  	v39 =	vmul.f32 s2, v23;
	[tilespmem:s25+$0x14630] =	vst v37;
	s26 =	smin.f32 s23, $1.000000000e+00;
	s17 =	smul.f32 s24, s21  }
0x2dd: {  	v10 =	vmul.f32 s10, v10;
	v40 =	vmul.f32 s9, v25;
	[tilespmem:s25+$0x14650] =	vst v38;
	s4 =	smul.f32 s6, s31;
	s6 =	ssub.f32 $1.500000000e+00, s22  }
0x2de: {  	v45 =	vmul.f32 s0, v14;
	v41 =	vmul.f32 s8, v26;
	[tilespmem:s25+$0x14600] =	vst v39;
	s29 =	smul.f32 s18, s26;
	s28 =	ssub.f32 $1.500000000e+00, s17  }
0x2df: {  	v44 =	vmul.f32 s7, v30;
	v9 =	vmul.f32 s12, v9;
	[tilespmem:s25+$0x14620] =	vst v40;
	s18 =	smin.f32 s30, $1.000000000e+00;
	s6 =	smul.f32 s6, s14  }
0x2e0: {  	v47 =	vmul.f32 s7, v27;
	v46 =	vmul.f32 s13, v14;
	[tilespmem:s25+$0x14640] =	vst v41;
	s17 =	spop (v2sf);
	s31 =	smul.f32 s28, s21  }
0x2e1: {  	v10 =	vadd.f32 v45, v10;
	v7 =	vmul.f32 s5, v7;
	v50 =	vmul.f32 s16, v13;
	[tilespmem:s25+$0x14670] =	vst v44;
	s8 =	smul.f32 s29, s17;
	s6 =	smin.f32 s6, $1.000000000e+00  }
0x2e2: {  	v9 =	vadd.f32 v46, v9;
	v17 =	vmul.f32 s15, v17;
	v35 =	vmul.f32 s1, v21;
	[tilespmem:s25+$0x14660] =	vst v47;
	s19 =	smin.f32 s31, $1.000000000e+00;
	s6 =	smul.f32 s18, s6  }
0x2e3: {  	v6 =	vmul.f32 s15, v6;
	v7 =	vadd.f32 v50, v7;
	v51 =	vmul.f32 s1, v13;
	[tilespmem:s25+$0x610] =	vst v10;
	s21 =	smin.f32 s20, $1.000000000e+00;
	s0 =	smul.f32 s18, s19  }
0x2e4: {  	v17 =	vadd.f32 v35, v17;
	[tilespmem:s25+$0x8610] =	vst v9;
	v42 =	vmul.f32 s3, v11;
	v43 =	vmul.f32 s4, v15;
	s22 =	smin.f32 s11, $1.000000000e+00;
	s6 =	smul.f32 s6, s21  }
0x2e5: {  	v6 =	vadd.f32 v51, v6;
	[tilespmem:s25+$0x630] =	vst v7;
	v52 =	vmul.f32 s3, v5;
	v53 =	vmul.f32 s4, v12;
	s23 =	spop (v2sf);
	s0 =	smul.f32 s0, s22  }
0x2e6: {  	[tilespmem:s25+$0x8620] =	vst v17;
	v48 =	vmul.f32 s26, v8;
	v11 =	vadd.f32 v43, v42;
	v49 =	vmul.f32 s8, v15;
	s1 =	smul.f32 s6, s23  }
0x2e7: {  	[tilespmem:s25+$0x8630] =	vst v6;
	v54 =	vmul.f32 s26, v3;
	v5 =	vadd.f32 v53, v52;
	v55 =	vmul.f32 s8, v12;
	s24 =	spop (v2sf)  }
0x2e8: {  	[tilespmem:s25+$0x640] =	vst v11;
	v56 =	vmul.f32 s21, v4;
	v8 =	vadd.f32 v49, v48;
	s0 =	smul.f32 s0, s24;
	v57 =	vmul.f32 s1, v19  }
0x2e9: {  	[tilespmem:s25+$0x650] =	vst v5;
	v62 =	vmul.f32 s21, v0;
	v3 =	vadd.f32 v55, v54;
	v63 =	vmul.f32 s1, v16  }
0x2ea: {  	v58 =	vmul.f32 s22, v2;
	[tilespmem:s25+$0x8640] =	vst v8;
	v59 =	vmul.f32 s0, v19;
	v4 =	vadd.f32 v57, v56  }
0x2eb: {  	v60 =	vmul.f32 s22, v1;
	[tilespmem:s25+$0x8650] =	vst v3;
	v61 =	vmul.f32 s0, v16;
	v0 =	vadd.f32 v63, v62  }
0x2ec: {  	v2 =	vadd.f32 v59, v58;
	[tilespmem:s25+$0x670] =	vst v4  }
0x2ed: {  	v1 =	vadd.f32 v61, v60;
	[tilespmem:s25+$0x660] =	vst v0  }
0x2ee: {  	s10 =	simm.s32 $0x0;
	[tilespmem:s25+$0x8670] =	vst v2  }
0x2ef: {  	s26 =	rddreg [dreg:$0x1a];
	s6 =	simm.s32 $0x600;
	s1 =	simm.s32 $0x2;
	[tilespmem:s25+$0x8660] =	vst v1  }
0x2f0: {  	[hbm4b:s26+s10] =	stream.linear.scatter [tilespmem:s6], [sflag:$0x2], $0x4000, $0x38;
	[tilespmem:$0x18600] =	vst v63  }
0x2f1: {  	_ =	swait.ge [sflag:s1], $0x4000  }
0x2f2: {  	[sflag:s1] =	ssyncset.done $0x0  }
0x2f3: {  	s8 =	simm.s32 $0x14600;
	s28 =	rddreg [dreg:$0x1b];
	[sflag:s1] =	ssyncadd.s32 $0xFFFFC000  }
0x2f4: {  	[hbm4b:s28+s10] =	stream.linear.scatter [tilespmem:s8], [sflag:$0x2], $0x4000, $0x38;
	[tilespmem:$0x18600] =	vst v63  }
0x2f5: {  	_ =	swait.ge [sflag:s1], $0x4000  }
0x2f6: {  	[sflag:s1] =	ssyncset.done $0x0  }
0x2f7: {  	s7 =	simm.s32 $0x8600;
	s29 =	rddreg [dreg:$0x1c];
	[sflag:s1] =	ssyncadd.s32 $0xFFFFC000  }
0x2f8: {  	[hbm4b:s29+s10] =	stream.linear.scatter [tilespmem:s7], [sflag:$0x2], $0x4000, $0x38;
	[tilespmem:$0x18600] =	vst v63  }
0x2f9: {  	_ =	swait.ge [sflag:s1], $0x4000  }
0x2fa: {  	s30 =	rddreg [dreg:$0x1e]  }
0x2fb: {  	s31 =	rddreg [dreg:$0x1d];
	s2 =	sadd.s32 $0x1, s30  }
0x2fc: {  	p0 =	sne.s32 s2, s31  }
.Ltmp1:
0x2fd: {  	_ = 	snop;
	(pc) =	sbr.rel @p0 .LBB2_1-.Ltmp1, $3  }
0x2fe: {  	_ =	sdelay $0x1  }
0x2ff: {  	[sflag:s1] =	ssyncset.done $0x0  }
0x300: {  	[sflag:s1] =	ssyncadd.s32 $0xFFFFC000  }
0x301: {  	_ =	sfence.sel $0x180000  }
0x302: {  	[bflag:$0x0] =	sbarrier.arrive $0xFFFF  }
0x303: {  	_ =	strace $0x90000047  }
0x304: {  	s0 =	stileid.u32;
	[bflag:$0x2] =	sbarrier.arrive $0xFFFF  }
0x305: {  	p0 =	sne.s32 s0, $0x0;
	s0 =	rddreg [dreg:$0x7]  }
0x306: {  	s0 =	sadd.s32 @!p0 $0x100000, s0  }
0x307: {  	[sflag:s0] =	ssyncadd.tile.s32 @!p0 $0x1;
	_ =	shalt  }
.Lfunc_end2:
_tile_overlayer_lowered:
.L_overlay_start_2:
0x308: {  	(tag) =	ssettag $0x2  }
0x309: {  	s0 =	rddreg [dreg:$0x0];
	s2 =	stileid.u32  }
0x30a: {  	s1 =	rddreg [dreg:$0x1];
	p0 =	sne.s32 s2, $0x0  }
0x30b: {  	s3 =	rddreg [dreg:$0x2];
	[bflag:$0x3] =	sbarrier.arrive $0xFFFF;
	s2 =	simm.s32 @!p0 $0x1C02  }
0x30c: {  	[timem:s3], [sflag:s2] =	dma.local @!p0 [hbm:s0], s1  }
0x30d: {  	s0 =	simm.s32 @!p0 $0x2  }
0x30e: {  	_ =	swait.ge @!p0 [sflag:s0], s1  }
0x30f: {  	s1 =	ssub.s32 @!p0 $0x0, s1;
	[sflag:s0] =	ssyncset.done @!p0 $0x0  }
0x310: {  	[sflag:s0] =	ssyncadd.s32 @!p0 s1  }
0x311: {  	[bflag:$0x3] =	sbarrier.arrive $0xFFFF  }
0x312: {  	_ =	shalt  }

</sc_bundles>
